<compile_context>
chip_gen: v7x
topology: tpu7x:2x2x1
jax: 0.10.2.dev20260603
libtpu: 0.0.44.dev20260713+nightly
codegen_flags: <defaults>
</compile_context>

<pallas_src>
import functools

import jax
import jax.numpy as jnp
from jax import lax
from jax.experimental import pallas as pl
from jax.experimental.pallas import tpu as pltpu, tpu_sc as plsc

B, C, H, W = 64, 384, 28, 28
NC, NS, L = 2, 16, 16
NW = NC * NS
BPW = B // NW
K = 32
NCHUNK = C // K


def _body(x_hbm, perm_hbm, out_hbm,
          perm_v, buf0, buf1, buf2, gs0, gs1, gs2, ws0, ws1, ws2):
    wid = lax.axis_index("s") * NC + lax.axis_index("c")

    pltpu.sync_copy(perm_hbm, perm_v)

    bufs = (buf0, buf1, buf2)
    gsems = (gs0, gs1, gs2)
    wsems = (ws0, ws1, ws2)

    def copy_in(b, i, s):
        return pltpu.async_copy(
            x_hbm.at[b].at[perm_v.at[pl.ds(i * K, K)]], bufs[s], gsems[s])

    def copy_out(b, i, s):
        return pltpu.async_copy(bufs[s], out_hbm.at[b, pl.ds(i * K, K)],
                                wsems[s])

    total = BPW * NCHUNK
    chunks = [(wid * BPW + j // NCHUNK, j % NCHUNK) for j in range(total)]
    g = {}
    w = {}
    g[0] = copy_in(*chunks[0], 0)
    g[1] = copy_in(*chunks[1], 1)
    for j in range(total):
        s = j % 3
        if j + 2 < total:
            if j - 1 >= 0:
                w[j - 1].wait()
            g[j + 2] = copy_in(*chunks[j + 2], (j + 2) % 3)
        g[j].wait()
        w[j] = copy_out(*chunks[j], s)
    w[total - 3].wait()
    w[total - 2].wait()
    w[total - 1].wait()


@jax.jit
def _permute(x, perm):
    mesh = plsc.VectorSubcoreMesh(core_axis_name="c", subcore_axis_name="s")
    run = functools.partial(
        pl.kernel,
        mesh=mesh,
        compiler_params=pltpu.CompilerParams(use_tc_tiling_on_sc=False),
        out_type=jax.ShapeDtypeStruct((B, C, H * W), jnp.float32),
        scratch_types=[
            pltpu.VMEM((C,), jnp.int32),
            pltpu.VMEM((K, H * W), jnp.float32),
            pltpu.VMEM((K, H * W), jnp.float32),
            pltpu.VMEM((K, H * W), jnp.float32),
            pltpu.SemaphoreType.DMA,
            pltpu.SemaphoreType.DMA,
            pltpu.SemaphoreType.DMA,
            pltpu.SemaphoreType.DMA,
            pltpu.SemaphoreType.DMA,
            pltpu.SemaphoreType.DMA,
        ],
    )(_body)
    return run(x.reshape(B, C, H * W), perm)


def kernel(x, perm):
    y = _permute(x, perm).reshape(B, C, H, W)
    logdet = jnp.zeros((B,), dtype=x.dtype)
    return (y, logdet)

# --- scband reference (transcript-rebuilt; emitter-appended) ---
"""Pipeline reference for scband-random-channel-permutation-6116033430047 (READ-ONLY COPY).

The authoritative reference and input builder live on the scoring server;
editing this copy changes nothing except your own understanding.
"""

import jax, jax.numpy as jnp
import numpy as np


def setup_inputs(seed: int = 0) -> dict:
    key = jax.random.key(seed)
    k_x, _ = jax.random.split(key)
    x = jax.random.normal(k_x, (64, 384, 28, 28), dtype=jnp.float32)
    # buffer: random channel permutation, fixed at init (seeded for reproducibility)
    rng = np.random.default_rng(0)
    perm = jnp.asarray(rng.permutation(384), dtype=jnp.int32)
    return {"x": x, "perm": perm}


def reference(x, perm):
    # forward: permute channel dim, plus a zero log-det term per batch element
    y = jnp.take(x, perm, axis=1)
    logdet = jnp.zeros((x.shape[0],), dtype=x.dtype)
    return (y, logdet)

if __name__ == "__main__":
    import jax
    _d = setup_inputs()
    print(jax.jit(kernel)(*tuple(_d.values())))

</pallas_src>

<mosaic_0001>
#map = affine_map<(d0, d1) -> (0, 0, 0)>
#map1 = affine_map<(d0, d1) -> (0)>
module attributes {stable_mosaic.version = 14 : i64} {
  func.func @_body(%arg0: i32, %arg1: i32, %arg2: memref<64x384x784xf32, #tpu.memory_space<hbm>>, %arg3: memref<384xi32, #tpu.memory_space<hbm>>, %arg4: memref<64x384x784xf32, #tpu.memory_space<hbm>>, %arg5: memref<384xi32, #tpu.memory_space<vmem>>, %arg6: memref<32x784xf32, #tpu.memory_space<vmem>>, %arg7: memref<32x784xf32, #tpu.memory_space<vmem>>, %arg8: memref<32x784xf32, #tpu.memory_space<vmem>>, %arg9: memref<!tpu.dma_semaphore, #tpu.memory_space<semaphore_mem>>, %arg10: memref<!tpu.dma_semaphore, #tpu.memory_space<semaphore_mem>>, %arg11: memref<!tpu.dma_semaphore, #tpu.memory_space<semaphore_mem>>, %arg12: memref<!tpu.dma_semaphore, #tpu.memory_space<semaphore_mem>>, %arg13: memref<!tpu.dma_semaphore, #tpu.memory_space<semaphore_mem>>, %arg14: memref<!tpu.dma_semaphore, #tpu.memory_space<semaphore_mem>>) attributes {dimension_semantics = [#tpu.dimension_semantics<core_parallel>, #tpu.dimension_semantics<subcore_parallel>], iteration_bounds = array<i64: 2, 16>, scalar_prefetch = 0 : i64, scratch_operands = 10 : i64, tpu.core_type = #tpu.core_type<sc_vector_subcore>, window_params = [{transform_indices = #map}, {transform_indices = #map1}, {transform_indices = #map}]} {
    %mul3A = arith.constant 2 : i32
    %mul3A_0 = arith.muli %arg1, %mul3A : i32
    %add3A = arith.addi %mul3A_0, %arg0 : i32
    "tpu.region"() ({
      %run_scoped3A = tpu.sem_alloc : memref<!tpu.dma_semaphore, #tpu.memory_space<semaphore_mem>>
      tpu.enqueue_dma source(%arg3 : memref<384xi32, #tpu.memory_space<hbm>>) target(%arg5 : memref<384xi32, #tpu.memory_space<vmem>>) target_semaphore(%run_scoped3A : memref<!tpu.dma_semaphore, #tpu.memory_space<semaphore_mem>>)
      tpu.wait_dma2 semaphore(%run_scoped3A : memref<!tpu.dma_semaphore, #tpu.memory_space<semaphore_mem>>) src(%arg3 : memref<384xi32, #tpu.memory_space<hbm>>) dst(%arg5 : memref<384xi32, #tpu.memory_space<vmem>>)
      tpu.yield
    }) : () -> ()
    %mul3A_1 = arith.constant 2 : i32
    %mul3A_2 = arith.muli %add3A, %mul3A_1 : i32
    %add3A_3 = arith.constant 0 : i32
    %add3A_4 = arith.addi %mul3A_2, %add3A_3 : i32
    %mul3A_5 = arith.constant 2 : i32
    %mul3A_6 = arith.muli %add3A, %mul3A_5 : i32
    %add3A_7 = arith.constant 0 : i32
    %add3A_8 = arith.addi %mul3A_6, %add3A_7 : i32
    %mul3A_9 = arith.constant 2 : i32
    %mul3A_10 = arith.muli %add3A, %mul3A_9 : i32
    %add3A_11 = arith.constant 0 : i32
    %add3A_12 = arith.addi %mul3A_10, %add3A_11 : i32
    %mul3A_13 = arith.constant 2 : i32
    %mul3A_14 = arith.muli %add3A, %mul3A_13 : i32
    %add3A_15 = arith.constant 0 : i32
    %add3A_16 = arith.addi %mul3A_14, %add3A_15 : i32
    %mul3A_17 = arith.constant 2 : i32
    %mul3A_18 = arith.muli %add3A, %mul3A_17 : i32
    %add3A_19 = arith.constant 0 : i32
    %add3A_20 = arith.addi %mul3A_18, %add3A_19 : i32
    %mul3A_21 = arith.constant 2 : i32
    %mul3A_22 = arith.muli %add3A, %mul3A_21 : i32
    %add3A_23 = arith.constant 0 : i32
    %add3A_24 = arith.addi %mul3A_22, %add3A_23 : i32
    %mul3A_25 = arith.constant 2 : i32
    %mul3A_26 = arith.muli %add3A, %mul3A_25 : i32
    %add3A_27 = arith.constant 0 : i32
    %add3A_28 = arith.addi %mul3A_26, %add3A_27 : i32
    %mul3A_29 = arith.constant 2 : i32
    %mul3A_30 = arith.muli %add3A, %mul3A_29 : i32
    %add3A_31 = arith.constant 0 : i32
    %add3A_32 = arith.addi %mul3A_30, %add3A_31 : i32
    %mul3A_33 = arith.constant 2 : i32
    %mul3A_34 = arith.muli %add3A, %mul3A_33 : i32
    %add3A_35 = arith.constant 0 : i32
    %add3A_36 = arith.addi %mul3A_34, %add3A_35 : i32
    %mul3A_37 = arith.constant 2 : i32
    %mul3A_38 = arith.muli %add3A, %mul3A_37 : i32
    %add3A_39 = arith.constant 0 : i32
    %add3A_40 = arith.addi %mul3A_38, %add3A_39 : i32
    %mul3A_41 = arith.constant 2 : i32
    %mul3A_42 = arith.muli %add3A, %mul3A_41 : i32
    %add3A_43 = arith.constant 0 : i32
    %add3A_44 = arith.addi %mul3A_42, %add3A_43 : i32
    %mul3A_45 = arith.constant 2 : i32
    %mul3A_46 = arith.muli %add3A, %mul3A_45 : i32
    %add3A_47 = arith.constant 0 : i32
    %add3A_48 = arith.addi %mul3A_46, %add3A_47 : i32
    %mul3A_49 = arith.constant 2 : i32
    %mul3A_50 = arith.muli %add3A, %mul3A_49 : i32
    %add3A_51 = arith.constant 1 : i32
    %add3A_52 = arith.addi %mul3A_50, %add3A_51 : i32
    %mul3A_53 = arith.constant 2 : i32
    %mul3A_54 = arith.muli %add3A, %mul3A_53 : i32
    %add3A_55 = arith.constant 1 : i32
    %add3A_56 = arith.addi %mul3A_54, %add3A_55 : i32
    %mul3A_57 = arith.constant 2 : i32
    %mul3A_58 = arith.muli %add3A, %mul3A_57 : i32
    %add3A_59 = arith.constant 1 : i32
    %add3A_60 = arith.addi %mul3A_58, %add3A_59 : i32
    %mul3A_61 = arith.constant 2 : i32
    %mul3A_62 = arith.muli %add3A, %mul3A_61 : i32
    %add3A_63 = arith.constant 1 : i32
    %add3A_64 = arith.addi %mul3A_62, %add3A_63 : i32
    %mul3A_65 = arith.constant 2 : i32
    %mul3A_66 = arith.muli %add3A, %mul3A_65 : i32
    %add3A_67 = arith.constant 1 : i32
    %add3A_68 = arith.addi %mul3A_66, %add3A_67 : i32
    %mul3A_69 = arith.constant 2 : i32
    %mul3A_70 = arith.muli %add3A, %mul3A_69 : i32
    %add3A_71 = arith.constant 1 : i32
    %add3A_72 = arith.addi %mul3A_70, %add3A_71 : i32
    %mul3A_73 = arith.constant 2 : i32
    %mul3A_74 = arith.muli %add3A, %mul3A_73 : i32
    %add3A_75 = arith.constant 1 : i32
    %add3A_76 = arith.addi %mul3A_74, %add3A_75 : i32
    %mul3A_77 = arith.constant 2 : i32
    %mul3A_78 = arith.muli %add3A, %mul3A_77 : i32
    %add3A_79 = arith.constant 1 : i32
    %add3A_80 = arith.addi %mul3A_78, %add3A_79 : i32
    %mul3A_81 = arith.constant 2 : i32
    %mul3A_82 = arith.muli %add3A, %mul3A_81 : i32
    %add3A_83 = arith.constant 1 : i32
    %add3A_84 = arith.addi %mul3A_82, %add3A_83 : i32
    %mul3A_85 = arith.constant 2 : i32
    %mul3A_86 = arith.muli %add3A, %mul3A_85 : i32
    %add3A_87 = arith.constant 1 : i32
    %add3A_88 = arith.addi %mul3A_86, %add3A_87 : i32
    %mul3A_89 = arith.constant 2 : i32
    %mul3A_90 = arith.muli %add3A, %mul3A_89 : i32
    %add3A_91 = arith.constant 1 : i32
    %add3A_92 = arith.addi %mul3A_90, %add3A_91 : i32
    %mul3A_93 = arith.constant 2 : i32
    %mul3A_94 = arith.muli %add3A, %mul3A_93 : i32
    %add3A_95 = arith.constant 1 : i32
    %add3A_96 = arith.addi %mul3A_94, %add3A_95 : i32
    %dma_start3A = arith.constant 0 : i32
    %dma_start3A_97 = tpu.memref_slice %arg5[%dma_start3A] : memref<384xi32, #tpu.memory_space<vmem>> -> memref<32xi32, #tpu.memory_space<vmem>>
    %dma_start3A_98 = arith.constant 0 : i32
    %dma_start3A_99 = arith.constant 0 : i32
    %dma_start3A_100 = tpu.memref_slice %arg2[%add3A_4, %dma_start3A_98, %dma_start3A_99] : memref<64x384x784xf32, #tpu.memory_space<hbm>> -> memref<1x384x784xf32, #tpu.memory_space<hbm>>
    %dma_start3A_101 = tpu.memref_squeeze %dma_start3A_100 : memref<1x384x784xf32, #tpu.memory_space<hbm>> -> memref<384x784xf32, #tpu.memory_space<hbm>>
    %dma_start3A_102 = arith.constant 0 : i32
    %dma_start3A_103 = arith.constant 0 : i32
    %dma_start3A_104 = tpu.memref_slice %dma_start3A_101[%dma_start3A_102, %dma_start3A_103] : memref<384x784xf32, #tpu.memory_space<hbm>> -> memref<384x784xf32, #tpu.memory_space<hbm>>
    tpu.enqueue_indirect_dma source(%dma_start3A_104 : memref<384x784xf32, #tpu.memory_space<hbm>>) target(%arg6 : memref<32x784xf32, #tpu.memory_space<vmem>>) offsets(%dma_start3A_97 : memref<32xi32, #tpu.memory_space<vmem>>) semaphore(%arg9 : memref<!tpu.dma_semaphore, #tpu.memory_space<semaphore_mem>>)
    %dma_start3A_105 = arith.constant 32 : i32
    %dma_start3A_106 = tpu.memref_slice %arg5[%dma_start3A_105] : memref<384xi32, #tpu.memory_space<vmem>> -> memref<32xi32, #tpu.memory_space<vmem>>
    %dma_start3A_107 = arith.constant 0 : i32
    %dma_start3A_108 = arith.constant 0 : i32
    %dma_start3A_109 = tpu.memref_slice %arg2[%add3A_8, %dma_start3A_107, %dma_start3A_108] : memref<64x384x784xf32, #tpu.memory_space<hbm>> -> memref<1x384x784xf32, #tpu.memory_space<hbm>>
    %dma_start3A_110 = tpu.memref_squeeze %dma_start3A_109 : memref<1x384x784xf32, #tpu.memory_space<hbm>> -> memref<384x784xf32, #tpu.memory_space<hbm>>
    %dma_start3A_111 = arith.constant 0 : i32
    %dma_start3A_112 = arith.constant 0 : i32
    %dma_start3A_113 = tpu.memref_slice %dma_start3A_110[%dma_start3A_111, %dma_start3A_112] : memref<384x784xf32, #tpu.memory_space<hbm>> -> memref<384x784xf32, #tpu.memory_space<hbm>>
    tpu.enqueue_indirect_dma source(%dma_start3A_113 : memref<384x784xf32, #tpu.memory_space<hbm>>) target(%arg7 : memref<32x784xf32, #tpu.memory_space<vmem>>) offsets(%dma_start3A_106 : memref<32xi32, #tpu.memory_space<vmem>>) semaphore(%arg10 : memref<!tpu.dma_semaphore, #tpu.memory_space<semaphore_mem>>)
    %dma_start3A_114 = arith.constant 64 : i32
    %dma_start3A_115 = tpu.memref_slice %arg5[%dma_start3A_114] : memref<384xi32, #tpu.memory_space<vmem>> -> memref<32xi32, #tpu.memory_space<vmem>>
    %dma_start3A_116 = arith.constant 0 : i32
    %dma_start3A_117 = arith.constant 0 : i32
    %dma_start3A_118 = tpu.memref_slice %arg2[%add3A_12, %dma_start3A_116, %dma_start3A_117] : memref<64x384x784xf32, #tpu.memory_space<hbm>> -> memref<1x384x784xf32, #tpu.memory_space<hbm>>
    %dma_start3A_119 = tpu.memref_squeeze %dma_start3A_118 : memref<1x384x784xf32, #tpu.memory_space<hbm>> -> memref<384x784xf32, #tpu.memory_space<hbm>>
    %dma_start3A_120 = arith.constant 0 : i32
    %dma_start3A_121 = arith.constant 0 : i32
    %dma_start3A_122 = tpu.memref_slice %dma_start3A_119[%dma_start3A_120, %dma_start3A_121] : memref<384x784xf32, #tpu.memory_space<hbm>> -> memref<384x784xf32, #tpu.memory_space<hbm>>
    tpu.enqueue_indirect_dma source(%dma_start3A_122 : memref<384x784xf32, #tpu.memory_space<hbm>>) target(%arg8 : memref<32x784xf32, #tpu.memory_space<vmem>>) offsets(%dma_start3A_115 : memref<32xi32, #tpu.memory_space<vmem>>) semaphore(%arg11 : memref<!tpu.dma_semaphore, #tpu.memory_space<semaphore_mem>>)
    %dma_wait3A = arith.constant 0 : i32
    %dma_wait3A_123 = tpu.memref_slice %arg5[%dma_wait3A] : memref<384xi32, #tpu.memory_space<vmem>> -> memref<32xi32, #tpu.memory_space<vmem>>
    %dma_wait3A_124 = arith.constant 0 : i32
    %dma_wait3A_125 = arith.constant 0 : i32
    %dma_wait3A_126 = tpu.memref_slice %arg2[%add3A_4, %dma_wait3A_124, %dma_wait3A_125] : memref<64x384x784xf32, #tpu.memory_space<hbm>> -> memref<1x384x784xf32, #tpu.memory_space<hbm>>
    %dma_wait3A_127 = tpu.memref_squeeze %dma_wait3A_126 : memref<1x384x784xf32, #tpu.memory_space<hbm>> -> memref<384x784xf32, #tpu.memory_space<hbm>>
    %dma_wait3A_128 = arith.constant 0 : i32
    %dma_wait3A_129 = arith.constant 0 : i32
    %dma_wait3A_130 = tpu.memref_slice %dma_wait3A_127[%dma_wait3A_128, %dma_wait3A_129] : memref<384x784xf32, #tpu.memory_space<hbm>> -> memref<384x784xf32, #tpu.memory_space<hbm>>
    tpu.wait_indirect_dma semaphore(%arg9 : memref<!tpu.dma_semaphore, #tpu.memory_space<semaphore_mem>>) src(%dma_wait3A_130 : memref<384x784xf32, #tpu.memory_space<hbm>>) dst(%arg6 : memref<32x784xf32, #tpu.memory_space<vmem>>)
    %dma_start3A_131 = arith.constant 0 : i32
    %dma_start3A_132 = arith.constant 0 : i32
    %dma_start3A_133 = tpu.memref_slice %arg4[%add3A_4, %dma_start3A_131, %dma_start3A_132] : memref<64x384x784xf32, #tpu.memory_space<hbm>> -> memref<1x32x784xf32, #tpu.memory_space<hbm>>
    %dma_start3A_134 = tpu.memref_squeeze %dma_start3A_133 : memref<1x32x784xf32, #tpu.memory_space<hbm>> -> memref<32x784xf32, #tpu.memory_space<hbm>>
    %dma_start3A_135 = arith.constant 0 : i32
    %dma_start3A_136 = arith.constant 0 : i32
    %dma_start3A_137 = tpu.memref_slice %arg4[%add3A_4, %dma_start3A_135, %dma_start3A_136] : memref<64x384x784xf32, #tpu.memory_space<hbm>> -> memref<1x32x784xf32, #tpu.memory_space<hbm>>
    %dma_start3A_138 = tpu.memref_squeeze %dma_start3A_137 : memref<1x32x784xf32, #tpu.memory_space<hbm>> -> memref<32x784xf32, #tpu.memory_space<hbm>>
    tpu.enqueue_dma source(%arg6 : memref<32x784xf32, #tpu.memory_space<vmem>>) target(%dma_start3A_138 : memref<32x784xf32, #tpu.memory_space<hbm>>) target_semaphore(%arg12 : memref<!tpu.dma_semaphore, #tpu.memory_space<semaphore_mem>>)
    %dma_wait3A_139 = arith.constant 0 : i32
    %dma_wait3A_140 = arith.constant 0 : i32
    %dma_wait3A_141 = tpu.memref_slice %arg4[%add3A_4, %dma_wait3A_139, %dma_wait3A_140] : memref<64x384x784xf32, #tpu.memory_space<hbm>> -> memref<1x32x784xf32, #tpu.memory_space<hbm>>
    %dma_wait3A_142 = tpu.memref_squeeze %dma_wait3A_141 : memref<1x32x784xf32, #tpu.memory_space<hbm>> -> memref<32x784xf32, #tpu.memory_space<hbm>>
    %dma_wait3A_143 = arith.constant 0 : i32
    %dma_wait3A_144 = arith.constant 0 : i32
    %dma_wait3A_145 = tpu.memref_slice %arg4[%add3A_4, %dma_wait3A_143, %dma_wait3A_144] : memref<64x384x784xf32, #tpu.memory_space<hbm>> -> memref<1x32x784xf32, #tpu.memory_space<hbm>>
    %dma_wait3A_146 = tpu.memref_squeeze %dma_wait3A_145 : memref<1x32x784xf32, #tpu.memory_space<hbm>> -> memref<32x784xf32, #tpu.memory_space<hbm>>
    tpu.wait_dma2 semaphore(%arg12 : memref<!tpu.dma_semaphore, #tpu.memory_space<semaphore_mem>>) src(%arg6 : memref<32x784xf32, #tpu.memory_space<vmem>>) dst(%dma_wait3A_146 : memref<32x784xf32, #tpu.memory_space<hbm>>)
    %dma_start3A_147 = arith.constant 96 : i32
    %dma_start3A_148 = tpu.memref_slice %arg5[%dma_start3A_147] : memref<384xi32, #tpu.memory_space<vmem>> -> memref<32xi32, #tpu.memory_space<vmem>>
    %dma_start3A_149 = arith.constant 0 : i32
    %dma_start3A_150 = arith.constant 0 : i32
    %dma_start3A_151 = tpu.memref_slice %arg2[%add3A_16, %dma_start3A_149, %dma_start3A_150] : memref<64x384x784xf32, #tpu.memory_space<hbm>> -> memref<1x384x784xf32, #tpu.memory_space<hbm>>
    %dma_start3A_152 = tpu.memref_squeeze %dma_start3A_151 : memref<1x384x784xf32, #tpu.memory_space<hbm>> -> memref<384x784xf32, #tpu.memory_space<hbm>>
    %dma_start3A_153 = arith.constant 0 : i32
    %dma_start3A_154 = arith.constant 0 : i32
    %dma_start3A_155 = tpu.memref_slice %dma_start3A_152[%dma_start3A_153, %dma_start3A_154] : memref<384x784xf32, #tpu.memory_space<hbm>> -> memref<384x784xf32, #tpu.memory_space<hbm>>
    tpu.enqueue_indirect_dma source(%dma_start3A_155 : memref<384x784xf32, #tpu.memory_space<hbm>>) target(%arg6 : memref<32x784xf32, #tpu.memory_space<vmem>>) offsets(%dma_start3A_148 : memref<32xi32, #tpu.memory_space<vmem>>) semaphore(%arg9 : memref<!tpu.dma_semaphore, #tpu.memory_space<semaphore_mem>>)
    %dma_wait3A_156 = arith.constant 32 : i32
    %dma_wait3A_157 = tpu.memref_slice %arg5[%dma_wait3A_156] : memref<384xi32, #tpu.memory_space<vmem>> -> memref<32xi32, #tpu.memory_space<vmem>>
    %dma_wait3A_158 = arith.constant 0 : i32
    %dma_wait3A_159 = arith.constant 0 : i32
    %dma_wait3A_160 = tpu.memref_slice %arg2[%add3A_8, %dma_wait3A_158, %dma_wait3A_159] : memref<64x384x784xf32, #tpu.memory_space<hbm>> -> memref<1x384x784xf32, #tpu.memory_space<hbm>>
    %dma_wait3A_161 = tpu.memref_squeeze %dma_wait3A_160 : memref<1x384x784xf32, #tpu.memory_space<hbm>> -> memref<384x784xf32, #tpu.memory_space<hbm>>
    %dma_wait3A_162 = arith.constant 0 : i32
    %dma_wait3A_163 = arith.constant 0 : i32
    %dma_wait3A_164 = tpu.memref_slice %dma_wait3A_161[%dma_wait3A_162, %dma_wait3A_163] : memref<384x784xf32, #tpu.memory_space<hbm>> -> memref<384x784xf32, #tpu.memory_space<hbm>>
    tpu.wait_indirect_dma semaphore(%arg10 : memref<!tpu.dma_semaphore, #tpu.memory_space<semaphore_mem>>) src(%dma_wait3A_164 : memref<384x784xf32, #tpu.memory_space<hbm>>) dst(%arg7 : memref<32x784xf32, #tpu.memory_space<vmem>>)
    %dma_start3A_165 = arith.constant 32 : i32
    %dma_start3A_166 = arith.constant 0 : i32
    %dma_start3A_167 = tpu.memref_slice %arg4[%add3A_8, %dma_start3A_165, %dma_start3A_166] : memref<64x384x784xf32, #tpu.memory_space<hbm>> -> memref<1x32x784xf32, #tpu.memory_space<hbm>>
    %dma_start3A_168 = tpu.memref_squeeze %dma_start3A_167 : memref<1x32x784xf32, #tpu.memory_space<hbm>> -> memref<32x784xf32, #tpu.memory_space<hbm>>
    %dma_start3A_169 = arith.constant 32 : i32
    %dma_start3A_170 = arith.constant 0 : i32
    %dma_start3A_171 = tpu.memref_slice %arg4[%add3A_8, %dma_start3A_169, %dma_start3A_170] : memref<64x384x784xf32, #tpu.memory_space<hbm>> -> memref<1x32x784xf32, #tpu.memory_space<hbm>>
    %dma_start3A_172 = tpu.memref_squeeze %dma_start3A_171 : memref<1x32x784xf32, #tpu.memory_space<hbm>> -> memref<32x784xf32, #tpu.memory_space<hbm>>
    tpu.enqueue_dma source(%arg7 : memref<32x784xf32, #tpu.memory_space<vmem>>) target(%dma_start3A_172 : memref<32x784xf32, #tpu.memory_space<hbm>>) target_semaphore(%arg13 : memref<!tpu.dma_semaphore, #tpu.memory_space<semaphore_mem>>)
    %dma_wait3A_173 = arith.constant 32 : i32
    %dma_wait3A_174 = arith.constant 0 : i32
    %dma_wait3A_175 = tpu.memref_slice %arg4[%add3A_8, %dma_wait3A_173, %dma_wait3A_174] : memref<64x384x784xf32, #tpu.memory_space<hbm>> -> memref<1x32x784xf32, #tpu.memory_space<hbm>>
    %dma_wait3A_176 = tpu.memref_squeeze %dma_wait3A_175 : memref<1x32x784xf32, #tpu.memory_space<hbm>> -> memref<32x784xf32, #tpu.memory_space<hbm>>
    %dma_wait3A_177 = arith.constant 32 : i32
    %dma_wait3A_178 = arith.constant 0 : i32
    %dma_wait3A_179 = tpu.memref_slice %arg4[%add3A_8, %dma_wait3A_177, %dma_wait3A_178] : memref<64x384x784xf32, #tpu.memory_space<hbm>> -> memref<1x32x784xf32, #tpu.memory_space<hbm>>
    %dma_wait3A_180 = tpu.memref_squeeze %dma_wait3A_179 : memref<1x32x784xf32, #tpu.memory_space<hbm>> -> memref<32x784xf32, #tpu.memory_space<hbm>>
    tpu.wait_dma2 semaphore(%arg13 : memref<!tpu.dma_semaphore, #tpu.memory_space<semaphore_mem>>) src(%arg7 : memref<32x784xf32, #tpu.memory_space<vmem>>) dst(%dma_wait3A_180 : memref<32x784xf32, #tpu.memory_space<hbm>>)
    %dma_start3A_181 = arith.constant 128 : i32
    %dma_start3A_182 = tpu.memref_slice %arg5[%dma_start3A_181] : memref<384xi32, #tpu.memory_space<vmem>> -> memref<32xi32, #tpu.memory_space<vmem>>
    %dma_start3A_183 = arith.constant 0 : i32
    %dma_start3A_184 = arith.constant 0 : i32
    %dma_start3A_185 = tpu.memref_slice %arg2[%add3A_20, %dma_start3A_183, %dma_start3A_184] : memref<64x384x784xf32, #tpu.memory_space<hbm>> -> memref<1x384x784xf32, #tpu.memory_space<hbm>>
    %dma_start3A_186 = tpu.memref_squeeze %dma_start3A_185 : memref<1x384x784xf32, #tpu.memory_space<hbm>> -> memref<384x784xf32, #tpu.memory_space<hbm>>
    %dma_start3A_187 = arith.constant 0 : i32
    %dma_start3A_188 = arith.constant 0 : i32
    %dma_start3A_189 = tpu.memref_slice %dma_start3A_186[%dma_start3A_187, %dma_start3A_188] : memref<384x784xf32, #tpu.memory_space<hbm>> -> memref<384x784xf32, #tpu.memory_space<hbm>>
    tpu.enqueue_indirect_dma source(%dma_start3A_189 : memref<384x784xf32, #tpu.memory_space<hbm>>) target(%arg7 : memref<32x784xf32, #tpu.memory_space<vmem>>) offsets(%dma_start3A_182 : memref<32xi32, #tpu.memory_space<vmem>>) semaphore(%arg10 : memref<!tpu.dma_semaphore, #tpu.memory_space<semaphore_mem>>)
    %dma_wait3A_190 = arith.constant 64 : i32
    %dma_wait3A_191 = tpu.memref_slice %arg5[%dma_wait3A_190] : memref<384xi32, #tpu.memory_space<vmem>> -> memref<32xi32, #tpu.memory_space<vmem>>
    %dma_wait3A_192 = arith.constant 0 : i32
    %dma_wait3A_193 = arith.constant 0 : i32
    %dma_wait3A_194 = tpu.memref_slice %arg2[%add3A_12, %dma_wait3A_192, %dma_wait3A_193] : memref<64x384x784xf32, #tpu.memory_space<hbm>> -> memref<1x384x784xf32, #tpu.memory_space<hbm>>
    %dma_wait3A_195 = tpu.memref_squeeze %dma_wait3A_194 : memref<1x384x784xf32, #tpu.memory_space<hbm>> -> memref<384x784xf32, #tpu.memory_space<hbm>>
    %dma_wait3A_196 = arith.constant 0 : i32
    %dma_wait3A_197 = arith.constant 0 : i32
    %dma_wait3A_198 = tpu.memref_slice %dma_wait3A_195[%dma_wait3A_196, %dma_wait3A_197] : memref<384x784xf32, #tpu.memory_space<hbm>> -> memref<384x784xf32, #tpu.memory_space<hbm>>
    tpu.wait_indirect_dma semaphore(%arg11 : memref<!tpu.dma_semaphore, #tpu.memory_space<semaphore_mem>>) src(%dma_wait3A_198 : memref<384x784xf32, #tpu.memory_space<hbm>>) dst(%arg8 : memref<32x784xf32, #tpu.memory_space<vmem>>)
    %dma_start3A_199 = arith.constant 64 : i32
    %dma_start3A_200 = arith.constant 0 : i32
    %dma_start3A_201 = tpu.memref_slice %arg4[%add3A_12, %dma_start3A_199, %dma_start3A_200] : memref<64x384x784xf32, #tpu.memory_space<hbm>> -> memref<1x32x784xf32, #tpu.memory_space<hbm>>
    %dma_start3A_202 = tpu.memref_squeeze %dma_start3A_201 : memref<1x32x784xf32, #tpu.memory_space<hbm>> -> memref<32x784xf32, #tpu.memory_space<hbm>>
    %dma_start3A_203 = arith.constant 64 : i32
    %dma_start3A_204 = arith.constant 0 : i32
    %dma_start3A_205 = tpu.memref_slice %arg4[%add3A_12, %dma_start3A_203, %dma_start3A_204] : memref<64x384x784xf32, #tpu.memory_space<hbm>> -> memref<1x32x784xf32, #tpu.memory_space<hbm>>
    %dma_start3A_206 = tpu.memref_squeeze %dma_start3A_205 : memref<1x32x784xf32, #tpu.memory_space<hbm>> -> memref<32x784xf32, #tpu.memory_space<hbm>>
    tpu.enqueue_dma source(%arg8 : memref<32x784xf32, #tpu.memory_space<vmem>>) target(%dma_start3A_206 : memref<32x784xf32, #tpu.memory_space<hbm>>) target_semaphore(%arg14 : memref<!tpu.dma_semaphore, #tpu.memory_space<semaphore_mem>>)
    %dma_wait3A_207 = arith.constant 64 : i32
    %dma_wait3A_208 = arith.constant 0 : i32
    %dma_wait3A_209 = tpu.memref_slice %arg4[%add3A_12, %dma_wait3A_207, %dma_wait3A_208] : memref<64x384x784xf32, #tpu.memory_space<hbm>> -> memref<1x32x784xf32, #tpu.memory_space<hbm>>
    %dma_wait3A_210 = tpu.memref_squeeze %dma_wait3A_209 : memref<1x32x784xf32, #tpu.memory_space<hbm>> -> memref<32x784xf32, #tpu.memory_space<hbm>>
    %dma_wait3A_211 = arith.constant 64 : i32
    %dma_wait3A_212 = arith.constant 0 : i32
    %dma_wait3A_213 = tpu.memref_slice %arg4[%add3A_12, %dma_wait3A_211, %dma_wait3A_212] : memref<64x384x784xf32, #tpu.memory_space<hbm>> -> memref<1x32x784xf32, #tpu.memory_space<hbm>>
    %dma_wait3A_214 = tpu.memref_squeeze %dma_wait3A_213 : memref<1x32x784xf32, #tpu.memory_space<hbm>> -> memref<32x784xf32, #tpu.memory_space<hbm>>
    tpu.wait_dma2 semaphore(%arg14 : memref<!tpu.dma_semaphore, #tpu.memory_space<semaphore_mem>>) src(%arg8 : memref<32x784xf32, #tpu.memory_space<vmem>>) dst(%dma_wait3A_214 : memref<32x784xf32, #tpu.memory_space<hbm>>)
    %dma_start3A_215 = arith.constant 160 : i32
    %dma_start3A_216 = tpu.memref_slice %arg5[%dma_start3A_215] : memref<384xi32, #tpu.memory_space<vmem>> -> memref<32xi32, #tpu.memory_space<vmem>>
    %dma_start3A_217 = arith.constant 0 : i32
    %dma_start3A_218 = arith.constant 0 : i32
    %dma_start3A_219 = tpu.memref_slice %arg2[%add3A_24, %dma_start3A_217, %dma_start3A_218] : memref<64x384x784xf32, #tpu.memory_space<hbm>> -> memref<1x384x784xf32, #tpu.memory_space<hbm>>
    %dma_start3A_220 = tpu.memref_squeeze %dma_start3A_219 : memref<1x384x784xf32, #tpu.memory_space<hbm>> -> memref<384x784xf32, #tpu.memory_space<hbm>>
    %dma_start3A_221 = arith.constant 0 : i32
    %dma_start3A_222 = arith.constant 0 : i32
    %dma_start3A_223 = tpu.memref_slice %dma_start3A_220[%dma_start3A_221, %dma_start3A_222] : memref<384x784xf32, #tpu.memory_space<hbm>> -> memref<384x784xf32, #tpu.memory_space<hbm>>
    tpu.enqueue_indirect_dma source(%dma_start3A_223 : memref<384x784xf32, #tpu.memory_space<hbm>>) target(%arg8 : memref<32x784xf32, #tpu.memory_space<vmem>>) offsets(%dma_start3A_216 : memref<32xi32, #tpu.memory_space<vmem>>) semaphore(%arg11 : memref<!tpu.dma_semaphore, #tpu.memory_space<semaphore_mem>>)
    %dma_wait3A_224 = arith.constant 96 : i32
    %dma_wait3A_225 = tpu.memref_slice %arg5[%dma_wait3A_224] : memref<384xi32, #tpu.memory_space<vmem>> -> memref<32xi32, #tpu.memory_space<vmem>>
    %dma_wait3A_226 = arith.constant 0 : i32
    %dma_wait3A_227 = arith.constant 0 : i32
    %dma_wait3A_228 = tpu.memref_slice %arg2[%add3A_16, %dma_wait3A_226, %dma_wait3A_227] : memref<64x384x784xf32, #tpu.memory_space<hbm>> -> memref<1x384x784xf32, #tpu.memory_space<hbm>>
    %dma_wait3A_229 = tpu.memref_squeeze %dma_wait3A_228 : memref<1x384x784xf32, #tpu.memory_space<hbm>> -> memref<384x784xf32, #tpu.memory_space<hbm>>
    %dma_wait3A_230 = arith.constant 0 : i32
    %dma_wait3A_231 = arith.constant 0 : i32
    %dma_wait3A_232 = tpu.memref_slice %dma_wait3A_229[%dma_wait3A_230, %dma_wait3A_231] : memref<384x784xf32, #tpu.memory_space<hbm>> -> memref<384x784xf32, #tpu.memory_space<hbm>>
    tpu.wait_indirect_dma semaphore(%arg9 : memref<!tpu.dma_semaphore, #tpu.memory_space<semaphore_mem>>) src(%dma_wait3A_232 : memref<384x784xf32, #tpu.memory_space<hbm>>) dst(%arg6 : memref<32x784xf32, #tpu.memory_space<vmem>>)
    %dma_start3A_233 = arith.constant 96 : i32
    %dma_start3A_234 = arith.constant 0 : i32
    %dma_start3A_235 = tpu.memref_slice %arg4[%add3A_16, %dma_start3A_233, %dma_start3A_234] : memref<64x384x784xf32, #tpu.memory_space<hbm>> -> memref<1x32x784xf32, #tpu.memory_space<hbm>>
    %dma_start3A_236 = tpu.memref_squeeze %dma_start3A_235 : memref<1x32x784xf32, #tpu.memory_space<hbm>> -> memref<32x784xf32, #tpu.memory_space<hbm>>
    %dma_start3A_237 = arith.constant 96 : i32
    %dma_start3A_238 = arith.constant 0 : i32
    %dma_start3A_239 = tpu.memref_slice %arg4[%add3A_16, %dma_start3A_237, %dma_start3A_238] : memref<64x384x784xf32, #tpu.memory_space<hbm>> -> memref<1x32x784xf32, #tpu.memory_space<hbm>>
    %dma_start3A_240 = tpu.memref_squeeze %dma_start3A_239 : memref<1x32x784xf32, #tpu.memory_space<hbm>> -> memref<32x784xf32, #tpu.memory_space<hbm>>
    tpu.enqueue_dma source(%arg6 : memref<32x784xf32, #tpu.memory_space<vmem>>) target(%dma_start3A_240 : memref<32x784xf32, #tpu.memory_space<hbm>>) target_semaphore(%arg12 : memref<!tpu.dma_semaphore, #tpu.memory_space<semaphore_mem>>)
    %dma_wait3A_241 = arith.constant 96 : i32
    %dma_wait3A_242 = arith.constant 0 : i32
    %dma_wait3A_243 = tpu.memref_slice %arg4[%add3A_16, %dma_wait3A_241, %dma_wait3A_242] : memref<64x384x784xf32, #tpu.memory_space<hbm>> -> memref<1x32x784xf32, #tpu.memory_space<hbm>>
    %dma_wait3A_244 = tpu.memref_squeeze %dma_wait3A_243 : memref<1x32x784xf32, #tpu.memory_space<hbm>> -> memref<32x784xf32, #tpu.memory_space<hbm>>
    %dma_wait3A_245 = arith.constant 96 : i32
    %dma_wait3A_246 = arith.constant 0 : i32
    %dma_wait3A_247 = tpu.memref_slice %arg4[%add3A_16, %dma_wait3A_245, %dma_wait3A_246] : memref<64x384x784xf32, #tpu.memory_space<hbm>> -> memref<1x32x784xf32, #tpu.memory_space<hbm>>
    %dma_wait3A_248 = tpu.memref_squeeze %dma_wait3A_247 : memref<1x32x784xf32, #tpu.memory_space<hbm>> -> memref<32x784xf32, #tpu.memory_space<hbm>>
    tpu.wait_dma2 semaphore(%arg12 : memref<!tpu.dma_semaphore, #tpu.memory_space<semaphore_mem>>) src(%arg6 : memref<32x784xf32, #tpu.memory_space<vmem>>) dst(%dma_wait3A_248 : memref<32x784xf32, #tpu.memory_space<hbm>>)
    %dma_start3A_249 = arith.constant 192 : i32
    %dma_start3A_250 = tpu.memref_slice %arg5[%dma_start3A_249] : memref<384xi32, #tpu.memory_space<vmem>> -> memref<32xi32, #tpu.memory_space<vmem>>
    %dma_start3A_251 = arith.constant 0 : i32
    %dma_start3A_252 = arith.constant 0 : i32
    %dma_start3A_253 = tpu.memref_slice %arg2[%add3A_28, %dma_start3A_251, %dma_start3A_252] : memref<64x384x784xf32, #tpu.memory_space<hbm>> -> memref<1x384x784xf32, #tpu.memory_space<hbm>>
    %dma_start3A_254 = tpu.memref_squeeze %dma_start3A_253 : memref<1x384x784xf32, #tpu.memory_space<hbm>> -> memref<384x784xf32, #tpu.memory_space<hbm>>
    %dma_start3A_255 = arith.constant 0 : i32
    %dma_start3A_256 = arith.constant 0 : i32
    %dma_start3A_257 = tpu.memref_slice %dma_start3A_254[%dma_start3A_255, %dma_start3A_256] : memref<384x784xf32, #tpu.memory_space<hbm>> -> memref<384x784xf32, #tpu.memory_space<hbm>>
    tpu.enqueue_indirect_dma source(%dma_start3A_257 : memref<384x784xf32, #tpu.memory_space<hbm>>) target(%arg6 : memref<32x784xf32, #tpu.memory_space<vmem>>) offsets(%dma_start3A_250 : memref<32xi32, #tpu.memory_space<vmem>>) semaphore(%arg9 : memref<!tpu.dma_semaphore, #tpu.memory_space<semaphore_mem>>)
    %dma_wait3A_258 = arith.constant 128 : i32
    %dma_wait3A_259 = tpu.memref_slice %arg5[%dma_wait3A_258] : memref<384xi32, #tpu.memory_space<vmem>> -> memref<32xi32, #tpu.memory_space<vmem>>
    %dma_wait3A_260 = arith.constant 0 : i32
    %dma_wait3A_261 = arith.constant 0 : i32
    %dma_wait3A_262 = tpu.memref_slice %arg2[%add3A_20, %dma_wait3A_260, %dma_wait3A_261] : memref<64x384x784xf32, #tpu.memory_space<hbm>> -> memref<1x384x784xf32, #tpu.memory_space<hbm>>
    %dma_wait3A_263 = tpu.memref_squeeze %dma_wait3A_262 : memref<1x384x784xf32, #tpu.memory_space<hbm>> -> memref<384x784xf32, #tpu.memory_space<hbm>>
    %dma_wait3A_264 = arith.constant 0 : i32
    %dma_wait3A_265 = arith.constant 0 : i32
    %dma_wait3A_266 = tpu.memref_slice %dma_wait3A_263[%dma_wait3A_264, %dma_wait3A_265] : memref<384x784xf32, #tpu.memory_space<hbm>> -> memref<384x784xf32, #tpu.memory_space<hbm>>
    tpu.wait_indirect_dma semaphore(%arg10 : memref<!tpu.dma_semaphore, #tpu.memory_space<semaphore_mem>>) src(%dma_wait3A_266 : memref<384x784xf32, #tpu.memory_space<hbm>>) dst(%arg7 : memref<32x784xf32, #tpu.memory_space<vmem>>)
    %dma_start3A_267 = arith.constant 128 : i32
    %dma_start3A_268 = arith.constant 0 : i32
    %dma_start3A_269 = tpu.memref_slice %arg4[%add3A_20, %dma_start3A_267, %dma_start3A_268] : memref<64x384x784xf32, #tpu.memory_space<hbm>> -> memref<1x32x784xf32, #tpu.memory_space<hbm>>
    %dma_start3A_270 = tpu.memref_squeeze %dma_start3A_269 : memref<1x32x784xf32, #tpu.memory_space<hbm>> -> memref<32x784xf32, #tpu.memory_space<hbm>>
    %dma_start3A_271 = arith.constant 128 : i32
    %dma_start3A_272 = arith.constant 0 : i32
    %dma_start3A_273 = tpu.memref_slice %arg4[%add3A_20, %dma_start3A_271, %dma_start3A_272] : memref<64x384x784xf32, #tpu.memory_space<hbm>> -> memref<1x32x784xf32, #tpu.memory_space<hbm>>
    %dma_start3A_274 = tpu.memref_squeeze %dma_start3A_273 : memref<1x32x784xf32, #tpu.memory_space<hbm>> -> memref<32x784xf32, #tpu.memory_space<hbm>>
    tpu.enqueue_dma source(%arg7 : memref<32x784xf32, #tpu.memory_space<vmem>>) target(%dma_start3A_274 : memref<32x784xf32, #tpu.memory_space<hbm>>) target_semaphore(%arg13 : memref<!tpu.dma_semaphore, #tpu.memory_space<semaphore_mem>>)
    %dma_wait3A_275 = arith.constant 128 : i32
    %dma_wait3A_276 = arith.constant 0 : i32
    %dma_wait3A_277 = tpu.memref_slice %arg4[%add3A_20, %dma_wait3A_275, %dma_wait3A_276] : memref<64x384x784xf32, #tpu.memory_space<hbm>> -> memref<1x32x784xf32, #tpu.memory_space<hbm>>
    %dma_wait3A_278 = tpu.memref_squeeze %dma_wait3A_277 : memref<1x32x784xf32, #tpu.memory_space<hbm>> -> memref<32x784xf32, #tpu.memory_space<hbm>>
    %dma_wait3A_279 = arith.constant 128 : i32
    %dma_wait3A_280 = arith.constant 0 : i32
    %dma_wait3A_281 = tpu.memref_slice %arg4[%add3A_20, %dma_wait3A_279, %dma_wait3A_280] : memref<64x384x784xf32, #tpu.memory_space<hbm>> -> memref<1x32x784xf32, #tpu.memory_space<hbm>>
    %dma_wait3A_282 = tpu.memref_squeeze %dma_wait3A_281 : memref<1x32x784xf32, #tpu.memory_space<hbm>> -> memref<32x784xf32, #tpu.memory_space<hbm>>
    tpu.wait_dma2 semaphore(%arg13 : memref<!tpu.dma_semaphore, #tpu.memory_space<semaphore_mem>>) src(%arg7 : memref<32x784xf32, #tpu.memory_space<vmem>>) dst(%dma_wait3A_282 : memref<32x784xf32, #tpu.memory_space<hbm>>)
    %dma_start3A_283 = arith.constant 224 : i32
    %dma_start3A_284 = tpu.memref_slice %arg5[%dma_start3A_283] : memref<384xi32, #tpu.memory_space<vmem>> -> memref<32xi32, #tpu.memory_space<vmem>>
    %dma_start3A_285 = arith.constant 0 : i32
    %dma_start3A_286 = arith.constant 0 : i32
    %dma_start3A_287 = tpu.memref_slice %arg2[%add3A_32, %dma_start3A_285, %dma_start3A_286] : memref<64x384x784xf32, #tpu.memory_space<hbm>> -> memref<1x384x784xf32, #tpu.memory_space<hbm>>
    %dma_start3A_288 = tpu.memref_squeeze %dma_start3A_287 : memref<1x384x784xf32, #tpu.memory_space<hbm>> -> memref<384x784xf32, #tpu.memory_space<hbm>>
    %dma_start3A_289 = arith.constant 0 : i32
    %dma_start3A_290 = arith.constant 0 : i32
    %dma_start3A_291 = tpu.memref_slice %dma_start3A_288[%dma_start3A_289, %dma_start3A_290] : memref<384x784xf32, #tpu.memory_space<hbm>> -> memref<384x784xf32, #tpu.memory_space<hbm>>
    tpu.enqueue_indirect_dma source(%dma_start3A_291 : memref<384x784xf32, #tpu.memory_space<hbm>>) target(%arg7 : memref<32x784xf32, #tpu.memory_space<vmem>>) offsets(%dma_start3A_284 : memref<32xi32, #tpu.memory_space<vmem>>) semaphore(%arg10 : memref<!tpu.dma_semaphore, #tpu.memory_space<semaphore_mem>>)
    %dma_wait3A_292 = arith.constant 160 : i32
    %dma_wait3A_293 = tpu.memref_slice %arg5[%dma_wait3A_292] : memref<384xi32, #tpu.memory_space<vmem>> -> memref<32xi32, #tpu.memory_space<vmem>>
    %dma_wait3A_294 = arith.constant 0 : i32
    %dma_wait3A_295 = arith.constant 0 : i32
    %dma_wait3A_296 = tpu.memref_slice %arg2[%add3A_24, %dma_wait3A_294, %dma_wait3A_295] : memref<64x384x784xf32, #tpu.memory_space<hbm>> -> memref<1x384x784xf32, #tpu.memory_space<hbm>>
    %dma_wait3A_297 = tpu.memref_squeeze %dma_wait3A_296 : memref<1x384x784xf32, #tpu.memory_space<hbm>> -> memref<384x784xf32, #tpu.memory_space<hbm>>
    %dma_wait3A_298 = arith.constant 0 : i32
    %dma_wait3A_299 = arith.constant 0 : i32
    %dma_wait3A_300 = tpu.memref_slice %dma_wait3A_297[%dma_wait3A_298, %dma_wait3A_299] : memref<384x784xf32, #tpu.memory_space<hbm>> -> memref<384x784xf32, #tpu.memory_space<hbm>>
    tpu.wait_indirect_dma semaphore(%arg11 : memref<!tpu.dma_semaphore, #tpu.memory_space<semaphore_mem>>) src(%dma_wait3A_300 : memref<384x784xf32, #tpu.memory_space<hbm>>) dst(%arg8 : memref<32x784xf32, #tpu.memory_space<vmem>>)
    %dma_start3A_301 = arith.constant 160 : i32
    %dma_start3A_302 = arith.constant 0 : i32
    %dma_start3A_303 = tpu.memref_slice %arg4[%add3A_24, %dma_start3A_301, %dma_start3A_302] : memref<64x384x784xf32, #tpu.memory_space<hbm>> -> memref<1x32x784xf32, #tpu.memory_space<hbm>>
    %dma_start3A_304 = tpu.memref_squeeze %dma_start3A_303 : memref<1x32x784xf32, #tpu.memory_space<hbm>> -> memref<32x784xf32, #tpu.memory_space<hbm>>
    %dma_start3A_305 = arith.constant 160 : i32
    %dma_start3A_306 = arith.constant 0 : i32
    %dma_start3A_307 = tpu.memref_slice %arg4[%add3A_24, %dma_start3A_305, %dma_start3A_306] : memref<64x384x784xf32, #tpu.memory_space<hbm>> -> memref<1x32x784xf32, #tpu.memory_space<hbm>>
    %dma_start3A_308 = tpu.memref_squeeze %dma_start3A_307 : memref<1x32x784xf32, #tpu.memory_space<hbm>> -> memref<32x784xf32, #tpu.memory_space<hbm>>
    tpu.enqueue_dma source(%arg8 : memref<32x784xf32, #tpu.memory_space<vmem>>) target(%dma_start3A_308 : memref<32x784xf32, #tpu.memory_space<hbm>>) target_semaphore(%arg14 : memref<!tpu.dma_semaphore, #tpu.memory_space<semaphore_mem>>)
    %dma_wait3A_309 = arith.constant 160 : i32
    %dma_wait3A_310 = arith.constant 0 : i32
    %dma_wait3A_311 = tpu.memref_slice %arg4[%add3A_24, %dma_wait3A_309, %dma_wait3A_310] : memref<64x384x784xf32, #tpu.memory_space<hbm>> -> memref<1x32x784xf32, #tpu.memory_space<hbm>>
    %dma_wait3A_312 = tpu.memref_squeeze %dma_wait3A_311 : memref<1x32x784xf32, #tpu.memory_space<hbm>> -> memref<32x784xf32, #tpu.memory_space<hbm>>
    %dma_wait3A_313 = arith.constant 160 : i32
    %dma_wait3A_314 = arith.constant 0 : i32
    %dma_wait3A_315 = tpu.memref_slice %arg4[%add3A_24, %dma_wait3A_313, %dma_wait3A_314] : memref<64x384x784xf32, #tpu.memory_space<hbm>> -> memref<1x32x784xf32, #tpu.memory_space<hbm>>
    %dma_wait3A_316 = tpu.memref_squeeze %dma_wait3A_315 : memref<1x32x784xf32, #tpu.memory_space<hbm>> -> memref<32x784xf32, #tpu.memory_space<hbm>>
    tpu.wait_dma2 semaphore(%arg14 : memref<!tpu.dma_semaphore, #tpu.memory_space<semaphore_mem>>) src(%arg8 : memref<32x784xf32, #tpu.memory_space<vmem>>) dst(%dma_wait3A_316 : memref<32x784xf32, #tpu.memory_space<hbm>>)
    %dma_start3A_317 = arith.constant 256 : i32
    %dma_start3A_318 = tpu.memref_slice %arg5[%dma_start3A_317] : memref<384xi32, #tpu.memory_space<vmem>> -> memref<32xi32, #tpu.memory_space<vmem>>
    %dma_start3A_319 = arith.constant 0 : i32
    %dma_start3A_320 = arith.constant 0 : i32
    %dma_start3A_321 = tpu.memref_slice %arg2[%add3A_36, %dma_start3A_319, %dma_start3A_320] : memref<64x384x784xf32, #tpu.memory_space<hbm>> -> memref<1x384x784xf32, #tpu.memory_space<hbm>>
    %dma_start3A_322 = tpu.memref_squeeze %dma_start3A_321 : memref<1x384x784xf32, #tpu.memory_space<hbm>> -> memref<384x784xf32, #tpu.memory_space<hbm>>
    %dma_start3A_323 = arith.constant 0 : i32
    %dma_start3A_324 = arith.constant 0 : i32
    %dma_start3A_325 = tpu.memref_slice %dma_start3A_322[%dma_start3A_323, %dma_start3A_324] : memref<384x784xf32, #tpu.memory_space<hbm>> -> memref<384x784xf32, #tpu.memory_space<hbm>>
    tpu.enqueue_indirect_dma source(%dma_start3A_325 : memref<384x784xf32, #tpu.memory_space<hbm>>) target(%arg8 : memref<32x784xf32, #tpu.memory_space<vmem>>) offsets(%dma_start3A_318 : memref<32xi32, #tpu.memory_space<vmem>>) semaphore(%arg11 : memref<!tpu.dma_semaphore, #tpu.memory_space<semaphore_mem>>)
    %dma_wait3A_326 = arith.constant 192 : i32
    %dma_wait3A_327 = tpu.memref_slice %arg5[%dma_wait3A_326] : memref<384xi32, #tpu.memory_space<vmem>> -> memref<32xi32, #tpu.memory_space<vmem>>
    %dma_wait3A_328 = arith.constant 0 : i32
    %dma_wait3A_329 = arith.constant 0 : i32
    %dma_wait3A_330 = tpu.memref_slice %arg2[%add3A_28, %dma_wait3A_328, %dma_wait3A_329] : memref<64x384x784xf32, #tpu.memory_space<hbm>> -> memref<1x384x784xf32, #tpu.memory_space<hbm>>
    %dma_wait3A_331 = tpu.memref_squeeze %dma_wait3A_330 : memref<1x384x784xf32, #tpu.memory_space<hbm>> -> memref<384x784xf32, #tpu.memory_space<hbm>>
    %dma_wait3A_332 = arith.constant 0 : i32
    %dma_wait3A_333 = arith.constant 0 : i32
    %dma_wait3A_334 = tpu.memref_slice %dma_wait3A_331[%dma_wait3A_332, %dma_wait3A_333] : memref<384x784xf32, #tpu.memory_space<hbm>> -> memref<384x784xf32, #tpu.memory_space<hbm>>
    tpu.wait_indirect_dma semaphore(%arg9 : memref<!tpu.dma_semaphore, #tpu.memory_space<semaphore_mem>>) src(%dma_wait3A_334 : memref<384x784xf32, #tpu.memory_space<hbm>>) dst(%arg6 : memref<32x784xf32, #tpu.memory_space<vmem>>)
    %dma_start3A_335 = arith.constant 192 : i32
    %dma_start3A_336 = arith.constant 0 : i32
    %dma_start3A_337 = tpu.memref_slice %arg4[%add3A_28, %dma_start3A_335, %dma_start3A_336] : memref<64x384x784xf32, #tpu.memory_space<hbm>> -> memref<1x32x784xf32, #tpu.memory_space<hbm>>
    %dma_start3A_338 = tpu.memref_squeeze %dma_start3A_337 : memref<1x32x784xf32, #tpu.memory_space<hbm>> -> memref<32x784xf32, #tpu.memory_space<hbm>>
    %dma_start3A_339 = arith.constant 192 : i32
    %dma_start3A_340 = arith.constant 0 : i32
    %dma_start3A_341 = tpu.memref_slice %arg4[%add3A_28, %dma_start3A_339, %dma_start3A_340] : memref<64x384x784xf32, #tpu.memory_space<hbm>> -> memref<1x32x784xf32, #tpu.memory_space<hbm>>
    %dma_start3A_342 = tpu.memref_squeeze %dma_start3A_341 : memref<1x32x784xf32, #tpu.memory_space<hbm>> -> memref<32x784xf32, #tpu.memory_space<hbm>>
    tpu.enqueue_dma source(%arg6 : memref<32x784xf32, #tpu.memory_space<vmem>>) target(%dma_start3A_342 : memref<32x784xf32, #tpu.memory_space<hbm>>) target_semaphore(%arg12 : memref<!tpu.dma_semaphore, #tpu.memory_space<semaphore_mem>>)
    %dma_wait3A_343 = arith.constant 192 : i32
    %dma_wait3A_344 = arith.constant 0 : i32
    %dma_wait3A_345 = tpu.memref_slice %arg4[%add3A_28, %dma_wait3A_343, %dma_wait3A_344] : memref<64x384x784xf32, #tpu.memory_space<hbm>> -> memref<1x32x784xf32, #tpu.memory_space<hbm>>
    %dma_wait3A_346 = tpu.memref_squeeze %dma_wait3A_345 : memref<1x32x784xf32, #tpu.memory_space<hbm>> -> memref<32x784xf32, #tpu.memory_space<hbm>>
    %dma_wait3A_347 = arith.constant 192 : i32
    %dma_wait3A_348 = arith.constant 0 : i32
    %dma_wait3A_349 = tpu.memref_slice %arg4[%add3A_28, %dma_wait3A_347, %dma_wait3A_348] : memref<64x384x784xf32, #tpu.memory_space<hbm>> -> memref<1x32x784xf32, #tpu.memory_space<hbm>>
    %dma_wait3A_350 = tpu.memref_squeeze %dma_wait3A_349 : memref<1x32x784xf32, #tpu.memory_space<hbm>> -> memref<32x784xf32, #tpu.memory_space<hbm>>
    tpu.wait_dma2 semaphore(%arg12 : memref<!tpu.dma_semaphore, #tpu.memory_space<semaphore_mem>>) src(%arg6 : memref<32x784xf32, #tpu.memory_space<vmem>>) dst(%dma_wait3A_350 : memref<32x784xf32, #tpu.memory_space<hbm>>)
    %dma_start3A_351 = arith.constant 288 : i32
    %dma_start3A_352 = tpu.memref_slice %arg5[%dma_start3A_351] : memref<384xi32, #tpu.memory_space<vmem>> -> memref<32xi32, #tpu.memory_space<vmem>>
    %dma_start3A_353 = arith.constant 0 : i32
    %dma_start3A_354 = arith.constant 0 : i32
    %dma_start3A_355 = tpu.memref_slice %arg2[%add3A_40, %dma_start3A_353, %dma_start3A_354] : memref<64x384x784xf32, #tpu.memory_space<hbm>> -> memref<1x384x784xf32, #tpu.memory_space<hbm>>
    %dma_start3A_356 = tpu.memref_squeeze %dma_start3A_355 : memref<1x384x784xf32, #tpu.memory_space<hbm>> -> memref<384x784xf32, #tpu.memory_space<hbm>>
    %dma_start3A_357 = arith.constant 0 : i32
    %dma_start3A_358 = arith.constant 0 : i32
    %dma_start3A_359 = tpu.memref_slice %dma_start3A_356[%dma_start3A_357, %dma_start3A_358] : memref<384x784xf32, #tpu.memory_space<hbm>> -> memref<384x784xf32, #tpu.memory_space<hbm>>
    tpu.enqueue_indirect_dma source(%dma_start3A_359 : memref<384x784xf32, #tpu.memory_space<hbm>>) target(%arg6 : memref<32x784xf32, #tpu.memory_space<vmem>>) offsets(%dma_start3A_352 : memref<32xi32, #tpu.memory_space<vmem>>) semaphore(%arg9 : memref<!tpu.dma_semaphore, #tpu.memory_space<semaphore_mem>>)
    %dma_wait3A_360 = arith.constant 224 : i32
    %dma_wait3A_361 = tpu.memref_slice %arg5[%dma_wait3A_360] : memref<384xi32, #tpu.memory_space<vmem>> -> memref<32xi32, #tpu.memory_space<vmem>>
    %dma_wait3A_362 = arith.constant 0 : i32
    %dma_wait3A_363 = arith.constant 0 : i32
    %dma_wait3A_364 = tpu.memref_slice %arg2[%add3A_32, %dma_wait3A_362, %dma_wait3A_363] : memref<64x384x784xf32, #tpu.memory_space<hbm>> -> memref<1x384x784xf32, #tpu.memory_space<hbm>>
    %dma_wait3A_365 = tpu.memref_squeeze %dma_wait3A_364 : memref<1x384x784xf32, #tpu.memory_space<hbm>> -> memref<384x784xf32, #tpu.memory_space<hbm>>
    %dma_wait3A_366 = arith.constant 0 : i32
    %dma_wait3A_367 = arith.constant 0 : i32
    %dma_wait3A_368 = tpu.memref_slice %dma_wait3A_365[%dma_wait3A_366, %dma_wait3A_367] : memref<384x784xf32, #tpu.memory_space<hbm>> -> memref<384x784xf32, #tpu.memory_space<hbm>>
    tpu.wait_indirect_dma semaphore(%arg10 : memref<!tpu.dma_semaphore, #tpu.memory_space<semaphore_mem>>) src(%dma_wait3A_368 : memref<384x784xf32, #tpu.memory_space<hbm>>) dst(%arg7 : memref<32x784xf32, #tpu.memory_space<vmem>>)
    %dma_start3A_369 = arith.constant 224 : i32
    %dma_start3A_370 = arith.constant 0 : i32
    %dma_start3A_371 = tpu.memref_slice %arg4[%add3A_32, %dma_start3A_369, %dma_start3A_370] : memref<64x384x784xf32, #tpu.memory_space<hbm>> -> memref<1x32x784xf32, #tpu.memory_space<hbm>>
    %dma_start3A_372 = tpu.memref_squeeze %dma_start3A_371 : memref<1x32x784xf32, #tpu.memory_space<hbm>> -> memref<32x784xf32, #tpu.memory_space<hbm>>
    %dma_start3A_373 = arith.constant 224 : i32
    %dma_start3A_374 = arith.constant 0 : i32
    %dma_start3A_375 = tpu.memref_slice %arg4[%add3A_32, %dma_start3A_373, %dma_start3A_374] : memref<64x384x784xf32, #tpu.memory_space<hbm>> -> memref<1x32x784xf32, #tpu.memory_space<hbm>>
    %dma_start3A_376 = tpu.memref_squeeze %dma_start3A_375 : memref<1x32x784xf32, #tpu.memory_space<hbm>> -> memref<32x784xf32, #tpu.memory_space<hbm>>
    tpu.enqueue_dma source(%arg7 : memref<32x784xf32, #tpu.memory_space<vmem>>) target(%dma_start3A_376 : memref<32x784xf32, #tpu.memory_space<hbm>>) target_semaphore(%arg13 : memref<!tpu.dma_semaphore, #tpu.memory_space<semaphore_mem>>)
    %dma_wait3A_377 = arith.constant 224 : i32
    %dma_wait3A_378 = arith.constant 0 : i32
    %dma_wait3A_379 = tpu.memref_slice %arg4[%add3A_32, %dma_wait3A_377, %dma_wait3A_378] : memref<64x384x784xf32, #tpu.memory_space<hbm>> -> memref<1x32x784xf32, #tpu.memory_space<hbm>>
    %dma_wait3A_380 = tpu.memref_squeeze %dma_wait3A_379 : memref<1x32x784xf32, #tpu.memory_space<hbm>> -> memref<32x784xf32, #tpu.memory_space<hbm>>
    %dma_wait3A_381 = arith.constant 224 : i32
    %dma_wait3A_382 = arith.constant 0 : i32
    %dma_wait3A_383 = tpu.memref_slice %arg4[%add3A_32, %dma_wait3A_381, %dma_wait3A_382] : memref<64x384x784xf32, #tpu.memory_space<hbm>> -> memref<1x32x784xf32, #tpu.memory_space<hbm>>
    %dma_wait3A_384 = tpu.memref_squeeze %dma_wait3A_383 : memref<1x32x784xf32, #tpu.memory_space<hbm>> -> memref<32x784xf32, #tpu.memory_space<hbm>>
    tpu.wait_dma2 semaphore(%arg13 : memref<!tpu.dma_semaphore, #tpu.memory_space<semaphore_mem>>) src(%arg7 : memref<32x784xf32, #tpu.memory_space<vmem>>) dst(%dma_wait3A_384 : memref<32x784xf32, #tpu.memory_space<hbm>>)
    %dma_start3A_385 = arith.constant 320 : i32
    %dma_start3A_386 = tpu.memref_slice %arg5[%dma_start3A_385] : memref<384xi32, #tpu.memory_space<vmem>> -> memref<32xi32, #tpu.memory_space<vmem>>
    %dma_start3A_387 = arith.constant 0 : i32
    %dma_start3A_388 = arith.constant 0 : i32
    %dma_start3A_389 = tpu.memref_slice %arg2[%add3A_44, %dma_start3A_387, %dma_start3A_388] : memref<64x384x784xf32, #tpu.memory_space<hbm>> -> memref<1x384x784xf32, #tpu.memory_space<hbm>>
    %dma_start3A_390 = tpu.memref_squeeze %dma_start3A_389 : memref<1x384x784xf32, #tpu.memory_space<hbm>> -> memref<384x784xf32, #tpu.memory_space<hbm>>
    %dma_start3A_391 = arith.constant 0 : i32
    %dma_start3A_392 = arith.constant 0 : i32
    %dma_start3A_393 = tpu.memref_slice %dma_start3A_390[%dma_start3A_391, %dma_start3A_392] : memref<384x784xf32, #tpu.memory_space<hbm>> -> memref<384x784xf32, #tpu.memory_space<hbm>>
    tpu.enqueue_indirect_dma source(%dma_start3A_393 : memref<384x784xf32, #tpu.memory_space<hbm>>) target(%arg7 : memref<32x784xf32, #tpu.memory_space<vmem>>) offsets(%dma_start3A_386 : memref<32xi32, #tpu.memory_space<vmem>>) semaphore(%arg10 : memref<!tpu.dma_semaphore, #tpu.memory_space<semaphore_mem>>)
    %dma_wait3A_394 = arith.constant 256 : i32
    %dma_wait3A_395 = tpu.memref_slice %arg5[%dma_wait3A_394] : memref<384xi32, #tpu.memory_space<vmem>> -> memref<32xi32, #tpu.memory_space<vmem>>
    %dma_wait3A_396 = arith.constant 0 : i32
    %dma_wait3A_397 = arith.constant 0 : i32
    %dma_wait3A_398 = tpu.memref_slice %arg2[%add3A_36, %dma_wait3A_396, %dma_wait3A_397] : memref<64x384x784xf32, #tpu.memory_space<hbm>> -> memref<1x384x784xf32, #tpu.memory_space<hbm>>
    %dma_wait3A_399 = tpu.memref_squeeze %dma_wait3A_398 : memref<1x384x784xf32, #tpu.memory_space<hbm>> -> memref<384x784xf32, #tpu.memory_space<hbm>>
    %dma_wait3A_400 = arith.constant 0 : i32
    %dma_wait3A_401 = arith.constant 0 : i32
    %dma_wait3A_402 = tpu.memref_slice %dma_wait3A_399[%dma_wait3A_400, %dma_wait3A_401] : memref<384x784xf32, #tpu.memory_space<hbm>> -> memref<384x784xf32, #tpu.memory_space<hbm>>
    tpu.wait_indirect_dma semaphore(%arg11 : memref<!tpu.dma_semaphore, #tpu.memory_space<semaphore_mem>>) src(%dma_wait3A_402 : memref<384x784xf32, #tpu.memory_space<hbm>>) dst(%arg8 : memref<32x784xf32, #tpu.memory_space<vmem>>)
    %dma_start3A_403 = arith.constant 256 : i32
    %dma_start3A_404 = arith.constant 0 : i32
    %dma_start3A_405 = tpu.memref_slice %arg4[%add3A_36, %dma_start3A_403, %dma_start3A_404] : memref<64x384x784xf32, #tpu.memory_space<hbm>> -> memref<1x32x784xf32, #tpu.memory_space<hbm>>
    %dma_start3A_406 = tpu.memref_squeeze %dma_start3A_405 : memref<1x32x784xf32, #tpu.memory_space<hbm>> -> memref<32x784xf32, #tpu.memory_space<hbm>>
    %dma_start3A_407 = arith.constant 256 : i32
    %dma_start3A_408 = arith.constant 0 : i32
    %dma_start3A_409 = tpu.memref_slice %arg4[%add3A_36, %dma_start3A_407, %dma_start3A_408] : memref<64x384x784xf32, #tpu.memory_space<hbm>> -> memref<1x32x784xf32, #tpu.memory_space<hbm>>
    %dma_start3A_410 = tpu.memref_squeeze %dma_start3A_409 : memref<1x32x784xf32, #tpu.memory_space<hbm>> -> memref<32x784xf32, #tpu.memory_space<hbm>>
    tpu.enqueue_dma source(%arg8 : memref<32x784xf32, #tpu.memory_space<vmem>>) target(%dma_start3A_410 : memref<32x784xf32, #tpu.memory_space<hbm>>) target_semaphore(%arg14 : memref<!tpu.dma_semaphore, #tpu.memory_space<semaphore_mem>>)
    %dma_wait3A_411 = arith.constant 256 : i32
    %dma_wait3A_412 = arith.constant 0 : i32
    %dma_wait3A_413 = tpu.memref_slice %arg4[%add3A_36, %dma_wait3A_411, %dma_wait3A_412] : memref<64x384x784xf32, #tpu.memory_space<hbm>> -> memref<1x32x784xf32, #tpu.memory_space<hbm>>
    %dma_wait3A_414 = tpu.memref_squeeze %dma_wait3A_413 : memref<1x32x784xf32, #tpu.memory_space<hbm>> -> memref<32x784xf32, #tpu.memory_space<hbm>>
    %dma_wait3A_415 = arith.constant 256 : i32
    %dma_wait3A_416 = arith.constant 0 : i32
    %dma_wait3A_417 = tpu.memref_slice %arg4[%add3A_36, %dma_wait3A_415, %dma_wait3A_416] : memref<64x384x784xf32, #tpu.memory_space<hbm>> -> memref<1x32x784xf32, #tpu.memory_space<hbm>>
    %dma_wait3A_418 = tpu.memref_squeeze %dma_wait3A_417 : memref<1x32x784xf32, #tpu.memory_space<hbm>> -> memref<32x784xf32, #tpu.memory_space<hbm>>
    tpu.wait_dma2 semaphore(%arg14 : memref<!tpu.dma_semaphore, #tpu.memory_space<semaphore_mem>>) src(%arg8 : memref<32x784xf32, #tpu.memory_space<vmem>>) dst(%dma_wait3A_418 : memref<32x784xf32, #tpu.memory_space<hbm>>)
    %dma_start3A_419 = arith.constant 352 : i32
    %dma_start3A_420 = tpu.memref_slice %arg5[%dma_start3A_419] : memref<384xi32, #tpu.memory_space<vmem>> -> memref<32xi32, #tpu.memory_space<vmem>>
    %dma_start3A_421 = arith.constant 0 : i32
    %dma_start3A_422 = arith.constant 0 : i32
    %dma_start3A_423 = tpu.memref_slice %arg2[%add3A_48, %dma_start3A_421, %dma_start3A_422] : memref<64x384x784xf32, #tpu.memory_space<hbm>> -> memref<1x384x784xf32, #tpu.memory_space<hbm>>
    %dma_start3A_424 = tpu.memref_squeeze %dma_start3A_423 : memref<1x384x784xf32, #tpu.memory_space<hbm>> -> memref<384x784xf32, #tpu.memory_space<hbm>>
    %dma_start3A_425 = arith.constant 0 : i32
    %dma_start3A_426 = arith.constant 0 : i32
    %dma_start3A_427 = tpu.memref_slice %dma_start3A_424[%dma_start3A_425, %dma_start3A_426] : memref<384x784xf32, #tpu.memory_space<hbm>> -> memref<384x784xf32, #tpu.memory_space<hbm>>
    tpu.enqueue_indirect_dma source(%dma_start3A_427 : memref<384x784xf32, #tpu.memory_space<hbm>>) target(%arg8 : memref<32x784xf32, #tpu.memory_space<vmem>>) offsets(%dma_start3A_420 : memref<32xi32, #tpu.memory_space<vmem>>) semaphore(%arg11 : memref<!tpu.dma_semaphore, #tpu.memory_space<semaphore_mem>>)
    %dma_wait3A_428 = arith.constant 288 : i32
    %dma_wait3A_429 = tpu.memref_slice %arg5[%dma_wait3A_428] : memref<384xi32, #tpu.memory_space<vmem>> -> memref<32xi32, #tpu.memory_space<vmem>>
    %dma_wait3A_430 = arith.constant 0 : i32
    %dma_wait3A_431 = arith.constant 0 : i32
    %dma_wait3A_432 = tpu.memref_slice %arg2[%add3A_40, %dma_wait3A_430, %dma_wait3A_431] : memref<64x384x784xf32, #tpu.memory_space<hbm>> -> memref<1x384x784xf32, #tpu.memory_space<hbm>>
    %dma_wait3A_433 = tpu.memref_squeeze %dma_wait3A_432 : memref<1x384x784xf32, #tpu.memory_space<hbm>> -> memref<384x784xf32, #tpu.memory_space<hbm>>
    %dma_wait3A_434 = arith.constant 0 : i32
    %dma_wait3A_435 = arith.constant 0 : i32
    %dma_wait3A_436 = tpu.memref_slice %dma_wait3A_433[%dma_wait3A_434, %dma_wait3A_435] : memref<384x784xf32, #tpu.memory_space<hbm>> -> memref<384x784xf32, #tpu.memory_space<hbm>>
    tpu.wait_indirect_dma semaphore(%arg9 : memref<!tpu.dma_semaphore, #tpu.memory_space<semaphore_mem>>) src(%dma_wait3A_436 : memref<384x784xf32, #tpu.memory_space<hbm>>) dst(%arg6 : memref<32x784xf32, #tpu.memory_space<vmem>>)
    %dma_start3A_437 = arith.constant 288 : i32
    %dma_start3A_438 = arith.constant 0 : i32
    %dma_start3A_439 = tpu.memref_slice %arg4[%add3A_40, %dma_start3A_437, %dma_start3A_438] : memref<64x384x784xf32, #tpu.memory_space<hbm>> -> memref<1x32x784xf32, #tpu.memory_space<hbm>>
    %dma_start3A_440 = tpu.memref_squeeze %dma_start3A_439 : memref<1x32x784xf32, #tpu.memory_space<hbm>> -> memref<32x784xf32, #tpu.memory_space<hbm>>
    %dma_start3A_441 = arith.constant 288 : i32
    %dma_start3A_442 = arith.constant 0 : i32
    %dma_start3A_443 = tpu.memref_slice %arg4[%add3A_40, %dma_start3A_441, %dma_start3A_442] : memref<64x384x784xf32, #tpu.memory_space<hbm>> -> memref<1x32x784xf32, #tpu.memory_space<hbm>>
    %dma_start3A_444 = tpu.memref_squeeze %dma_start3A_443 : memref<1x32x784xf32, #tpu.memory_space<hbm>> -> memref<32x784xf32, #tpu.memory_space<hbm>>
    tpu.enqueue_dma source(%arg6 : memref<32x784xf32, #tpu.memory_space<vmem>>) target(%dma_start3A_444 : memref<32x784xf32, #tpu.memory_space<hbm>>) target_semaphore(%arg12 : memref<!tpu.dma_semaphore, #tpu.memory_space<semaphore_mem>>)
    %dma_wait3A_445 = arith.constant 288 : i32
    %dma_wait3A_446 = arith.constant 0 : i32
    %dma_wait3A_447 = tpu.memref_slice %arg4[%add3A_40, %dma_wait3A_445, %dma_wait3A_446] : memref<64x384x784xf32, #tpu.memory_space<hbm>> -> memref<1x32x784xf32, #tpu.memory_space<hbm>>
    %dma_wait3A_448 = tpu.memref_squeeze %dma_wait3A_447 : memref<1x32x784xf32, #tpu.memory_space<hbm>> -> memref<32x784xf32, #tpu.memory_space<hbm>>
    %dma_wait3A_449 = arith.constant 288 : i32
    %dma_wait3A_450 = arith.constant 0 : i32
    %dma_wait3A_451 = tpu.memref_slice %arg4[%add3A_40, %dma_wait3A_449, %dma_wait3A_450] : memref<64x384x784xf32, #tpu.memory_space<hbm>> -> memref<1x32x784xf32, #tpu.memory_space<hbm>>
    %dma_wait3A_452 = tpu.memref_squeeze %dma_wait3A_451 : memref<1x32x784xf32, #tpu.memory_space<hbm>> -> memref<32x784xf32, #tpu.memory_space<hbm>>
    tpu.wait_dma2 semaphore(%arg12 : memref<!tpu.dma_semaphore, #tpu.memory_space<semaphore_mem>>) src(%arg6 : memref<32x784xf32, #tpu.memory_space<vmem>>) dst(%dma_wait3A_452 : memref<32x784xf32, #tpu.memory_space<hbm>>)
    %dma_start3A_453 = arith.constant 0 : i32
    %dma_start3A_454 = tpu.memref_slice %arg5[%dma_start3A_453] : memref<384xi32, #tpu.memory_space<vmem>> -> memref<32xi32, #tpu.memory_space<vmem>>
    %dma_start3A_455 = arith.constant 0 : i32
    %dma_start3A_456 = arith.constant 0 : i32
    %dma_start3A_457 = tpu.memref_slice %arg2[%add3A_52, %dma_start3A_455, %dma_start3A_456] : memref<64x384x784xf32, #tpu.memory_space<hbm>> -> memref<1x384x784xf32, #tpu.memory_space<hbm>>
    %dma_start3A_458 = tpu.memref_squeeze %dma_start3A_457 : memref<1x384x784xf32, #tpu.memory_space<hbm>> -> memref<384x784xf32, #tpu.memory_space<hbm>>
    %dma_start3A_459 = arith.constant 0 : i32
    %dma_start3A_460 = arith.constant 0 : i32
    %dma_start3A_461 = tpu.memref_slice %dma_start3A_458[%dma_start3A_459, %dma_start3A_460] : memref<384x784xf32, #tpu.memory_space<hbm>> -> memref<384x784xf32, #tpu.memory_space<hbm>>
    tpu.enqueue_indirect_dma source(%dma_start3A_461 : memref<384x784xf32, #tpu.memory_space<hbm>>) target(%arg6 : memref<32x784xf32, #tpu.memory_space<vmem>>) offsets(%dma_start3A_454 : memref<32xi32, #tpu.memory_space<vmem>>) semaphore(%arg9 : memref<!tpu.dma_semaphore, #tpu.memory_space<semaphore_mem>>)
    %dma_wait3A_462 = arith.constant 320 : i32
    %dma_wait3A_463 = tpu.memref_slice %arg5[%dma_wait3A_462] : memref<384xi32, #tpu.memory_space<vmem>> -> memref<32xi32, #tpu.memory_space<vmem>>
    %dma_wait3A_464 = arith.constant 0 : i32
    %dma_wait3A_465 = arith.constant 0 : i32
    %dma_wait3A_466 = tpu.memref_slice %arg2[%add3A_44, %dma_wait3A_464, %dma_wait3A_465] : memref<64x384x784xf32, #tpu.memory_space<hbm>> -> memref<1x384x784xf32, #tpu.memory_space<hbm>>
    %dma_wait3A_467 = tpu.memref_squeeze %dma_wait3A_466 : memref<1x384x784xf32, #tpu.memory_space<hbm>> -> memref<384x784xf32, #tpu.memory_space<hbm>>
    %dma_wait3A_468 = arith.constant 0 : i32
    %dma_wait3A_469 = arith.constant 0 : i32
    %dma_wait3A_470 = tpu.memref_slice %dma_wait3A_467[%dma_wait3A_468, %dma_wait3A_469] : memref<384x784xf32, #tpu.memory_space<hbm>> -> memref<384x784xf32, #tpu.memory_space<hbm>>
    tpu.wait_indirect_dma semaphore(%arg10 : memref<!tpu.dma_semaphore, #tpu.memory_space<semaphore_mem>>) src(%dma_wait3A_470 : memref<384x784xf32, #tpu.memory_space<hbm>>) dst(%arg7 : memref<32x784xf32, #tpu.memory_space<vmem>>)
    %dma_start3A_471 = arith.constant 320 : i32
    %dma_start3A_472 = arith.constant 0 : i32
    %dma_start3A_473 = tpu.memref_slice %arg4[%add3A_44, %dma_start3A_471, %dma_start3A_472] : memref<64x384x784xf32, #tpu.memory_space<hbm>> -> memref<1x32x784xf32, #tpu.memory_space<hbm>>
    %dma_start3A_474 = tpu.memref_squeeze %dma_start3A_473 : memref<1x32x784xf32, #tpu.memory_space<hbm>> -> memref<32x784xf32, #tpu.memory_space<hbm>>
    %dma_start3A_475 = arith.constant 320 : i32
    %dma_start3A_476 = arith.constant 0 : i32
    %dma_start3A_477 = tpu.memref_slice %arg4[%add3A_44, %dma_start3A_475, %dma_start3A_476] : memref<64x384x784xf32, #tpu.memory_space<hbm>> -> memref<1x32x784xf32, #tpu.memory_space<hbm>>
    %dma_start3A_478 = tpu.memref_squeeze %dma_start3A_477 : memref<1x32x784xf32, #tpu.memory_space<hbm>> -> memref<32x784xf32, #tpu.memory_space<hbm>>
    tpu.enqueue_dma source(%arg7 : memref<32x784xf32, #tpu.memory_space<vmem>>) target(%dma_start3A_478 : memref<32x784xf32, #tpu.memory_space<hbm>>) target_semaphore(%arg13 : memref<!tpu.dma_semaphore, #tpu.memory_space<semaphore_mem>>)
    %dma_wait3A_479 = arith.constant 320 : i32
    %dma_wait3A_480 = arith.constant 0 : i32
    %dma_wait3A_481 = tpu.memref_slice %arg4[%add3A_44, %dma_wait3A_479, %dma_wait3A_480] : memref<64x384x784xf32, #tpu.memory_space<hbm>> -> memref<1x32x784xf32, #tpu.memory_space<hbm>>
    %dma_wait3A_482 = tpu.memref_squeeze %dma_wait3A_481 : memref<1x32x784xf32, #tpu.memory_space<hbm>> -> memref<32x784xf32, #tpu.memory_space<hbm>>
    %dma_wait3A_483 = arith.constant 320 : i32
    %dma_wait3A_484 = arith.constant 0 : i32
    %dma_wait3A_485 = tpu.memref_slice %arg4[%add3A_44, %dma_wait3A_483, %dma_wait3A_484] : memref<64x384x784xf32, #tpu.memory_space<hbm>> -> memref<1x32x784xf32, #tpu.memory_space<hbm>>
    %dma_wait3A_486 = tpu.memref_squeeze %dma_wait3A_485 : memref<1x32x784xf32, #tpu.memory_space<hbm>> -> memref<32x784xf32, #tpu.memory_space<hbm>>
    tpu.wait_dma2 semaphore(%arg13 : memref<!tpu.dma_semaphore, #tpu.memory_space<semaphore_mem>>) src(%arg7 : memref<32x784xf32, #tpu.memory_space<vmem>>) dst(%dma_wait3A_486 : memref<32x784xf32, #tpu.memory_space<hbm>>)
    %dma_start3A_487 = arith.constant 32 : i32
    %dma_start3A_488 = tpu.memref_slice %arg5[%dma_start3A_487] : memref<384xi32, #tpu.memory_space<vmem>> -> memref<32xi32, #tpu.memory_space<vmem>>
    %dma_start3A_489 = arith.constant 0 : i32
    %dma_start3A_490 = arith.constant 0 : i32
    %dma_start3A_491 = tpu.memref_slice %arg2[%add3A_56, %dma_start3A_489, %dma_start3A_490] : memref<64x384x784xf32, #tpu.memory_space<hbm>> -> memref<1x384x784xf32, #tpu.memory_space<hbm>>
    %dma_start3A_492 = tpu.memref_squeeze %dma_start3A_491 : memref<1x384x784xf32, #tpu.memory_space<hbm>> -> memref<384x784xf32, #tpu.memory_space<hbm>>
    %dma_start3A_493 = arith.constant 0 : i32
    %dma_start3A_494 = arith.constant 0 : i32
    %dma_start3A_495 = tpu.memref_slice %dma_start3A_492[%dma_start3A_493, %dma_start3A_494] : memref<384x784xf32, #tpu.memory_space<hbm>> -> memref<384x784xf32, #tpu.memory_space<hbm>>
    tpu.enqueue_indirect_dma source(%dma_start3A_495 : memref<384x784xf32, #tpu.memory_space<hbm>>) target(%arg7 : memref<32x784xf32, #tpu.memory_space<vmem>>) offsets(%dma_start3A_488 : memref<32xi32, #tpu.memory_space<vmem>>) semaphore(%arg10 : memref<!tpu.dma_semaphore, #tpu.memory_space<semaphore_mem>>)
    %dma_wait3A_496 = arith.constant 352 : i32
    %dma_wait3A_497 = tpu.memref_slice %arg5[%dma_wait3A_496] : memref<384xi32, #tpu.memory_space<vmem>> -> memref<32xi32, #tpu.memory_space<vmem>>
    %dma_wait3A_498 = arith.constant 0 : i32
    %dma_wait3A_499 = arith.constant 0 : i32
    %dma_wait3A_500 = tpu.memref_slice %arg2[%add3A_48, %dma_wait3A_498, %dma_wait3A_499] : memref<64x384x784xf32, #tpu.memory_space<hbm>> -> memref<1x384x784xf32, #tpu.memory_space<hbm>>
    %dma_wait3A_501 = tpu.memref_squeeze %dma_wait3A_500 : memref<1x384x784xf32, #tpu.memory_space<hbm>> -> memref<384x784xf32, #tpu.memory_space<hbm>>
    %dma_wait3A_502 = arith.constant 0 : i32
    %dma_wait3A_503 = arith.constant 0 : i32
    %dma_wait3A_504 = tpu.memref_slice %dma_wait3A_501[%dma_wait3A_502, %dma_wait3A_503] : memref<384x784xf32, #tpu.memory_space<hbm>> -> memref<384x784xf32, #tpu.memory_space<hbm>>
    tpu.wait_indirect_dma semaphore(%arg11 : memref<!tpu.dma_semaphore, #tpu.memory_space<semaphore_mem>>) src(%dma_wait3A_504 : memref<384x784xf32, #tpu.memory_space<hbm>>) dst(%arg8 : memref<32x784xf32, #tpu.memory_space<vmem>>)
    %dma_start3A_505 = arith.constant 352 : i32
    %dma_start3A_506 = arith.constant 0 : i32
    %dma_start3A_507 = tpu.memref_slice %arg4[%add3A_48, %dma_start3A_505, %dma_start3A_506] : memref<64x384x784xf32, #tpu.memory_space<hbm>> -> memref<1x32x784xf32, #tpu.memory_space<hbm>>
    %dma_start3A_508 = tpu.memref_squeeze %dma_start3A_507 : memref<1x32x784xf32, #tpu.memory_space<hbm>> -> memref<32x784xf32, #tpu.memory_space<hbm>>
    %dma_start3A_509 = arith.constant 352 : i32
    %dma_start3A_510 = arith.constant 0 : i32
    %dma_start3A_511 = tpu.memref_slice %arg4[%add3A_48, %dma_start3A_509, %dma_start3A_510] : memref<64x384x784xf32, #tpu.memory_space<hbm>> -> memref<1x32x784xf32, #tpu.memory_space<hbm>>
    %dma_start3A_512 = tpu.memref_squeeze %dma_start3A_511 : memref<1x32x784xf32, #tpu.memory_space<hbm>> -> memref<32x784xf32, #tpu.memory_space<hbm>>
    tpu.enqueue_dma source(%arg8 : memref<32x784xf32, #tpu.memory_space<vmem>>) target(%dma_start3A_512 : memref<32x784xf32, #tpu.memory_space<hbm>>) target_semaphore(%arg14 : memref<!tpu.dma_semaphore, #tpu.memory_space<semaphore_mem>>)
    %dma_wait3A_513 = arith.constant 352 : i32
    %dma_wait3A_514 = arith.constant 0 : i32
    %dma_wait3A_515 = tpu.memref_slice %arg4[%add3A_48, %dma_wait3A_513, %dma_wait3A_514] : memref<64x384x784xf32, #tpu.memory_space<hbm>> -> memref<1x32x784xf32, #tpu.memory_space<hbm>>
    %dma_wait3A_516 = tpu.memref_squeeze %dma_wait3A_515 : memref<1x32x784xf32, #tpu.memory_space<hbm>> -> memref<32x784xf32, #tpu.memory_space<hbm>>
    %dma_wait3A_517 = arith.constant 352 : i32
    %dma_wait3A_518 = arith.constant 0 : i32
    %dma_wait3A_519 = tpu.memref_slice %arg4[%add3A_48, %dma_wait3A_517, %dma_wait3A_518] : memref<64x384x784xf32, #tpu.memory_space<hbm>> -> memref<1x32x784xf32, #tpu.memory_space<hbm>>
    %dma_wait3A_520 = tpu.memref_squeeze %dma_wait3A_519 : memref<1x32x784xf32, #tpu.memory_space<hbm>> -> memref<32x784xf32, #tpu.memory_space<hbm>>
    tpu.wait_dma2 semaphore(%arg14 : memref<!tpu.dma_semaphore, #tpu.memory_space<semaphore_mem>>) src(%arg8 : memref<32x784xf32, #tpu.memory_space<vmem>>) dst(%dma_wait3A_520 : memref<32x784xf32, #tpu.memory_space<hbm>>)
    %dma_start3A_521 = arith.constant 64 : i32
    %dma_start3A_522 = tpu.memref_slice %arg5[%dma_start3A_521] : memref<384xi32, #tpu.memory_space<vmem>> -> memref<32xi32, #tpu.memory_space<vmem>>
    %dma_start3A_523 = arith.constant 0 : i32
    %dma_start3A_524 = arith.constant 0 : i32
    %dma_start3A_525 = tpu.memref_slice %arg2[%add3A_60, %dma_start3A_523, %dma_start3A_524] : memref<64x384x784xf32, #tpu.memory_space<hbm>> -> memref<1x384x784xf32, #tpu.memory_space<hbm>>
    %dma_start3A_526 = tpu.memref_squeeze %dma_start3A_525 : memref<1x384x784xf32, #tpu.memory_space<hbm>> -> memref<384x784xf32, #tpu.memory_space<hbm>>
    %dma_start3A_527 = arith.constant 0 : i32
    %dma_start3A_528 = arith.constant 0 : i32
    %dma_start3A_529 = tpu.memref_slice %dma_start3A_526[%dma_start3A_527, %dma_start3A_528] : memref<384x784xf32, #tpu.memory_space<hbm>> -> memref<384x784xf32, #tpu.memory_space<hbm>>
    tpu.enqueue_indirect_dma source(%dma_start3A_529 : memref<384x784xf32, #tpu.memory_space<hbm>>) target(%arg8 : memref<32x784xf32, #tpu.memory_space<vmem>>) offsets(%dma_start3A_522 : memref<32xi32, #tpu.memory_space<vmem>>) semaphore(%arg11 : memref<!tpu.dma_semaphore, #tpu.memory_space<semaphore_mem>>)
    %dma_wait3A_530 = arith.constant 0 : i32
    %dma_wait3A_531 = tpu.memref_slice %arg5[%dma_wait3A_530] : memref<384xi32, #tpu.memory_space<vmem>> -> memref<32xi32, #tpu.memory_space<vmem>>
    %dma_wait3A_532 = arith.constant 0 : i32
    %dma_wait3A_533 = arith.constant 0 : i32
    %dma_wait3A_534 = tpu.memref_slice %arg2[%add3A_52, %dma_wait3A_532, %dma_wait3A_533] : memref<64x384x784xf32, #tpu.memory_space<hbm>> -> memref<1x384x784xf32, #tpu.memory_space<hbm>>
    %dma_wait3A_535 = tpu.memref_squeeze %dma_wait3A_534 : memref<1x384x784xf32, #tpu.memory_space<hbm>> -> memref<384x784xf32, #tpu.memory_space<hbm>>
    %dma_wait3A_536 = arith.constant 0 : i32
    %dma_wait3A_537 = arith.constant 0 : i32
    %dma_wait3A_538 = tpu.memref_slice %dma_wait3A_535[%dma_wait3A_536, %dma_wait3A_537] : memref<384x784xf32, #tpu.memory_space<hbm>> -> memref<384x784xf32, #tpu.memory_space<hbm>>
    tpu.wait_indirect_dma semaphore(%arg9 : memref<!tpu.dma_semaphore, #tpu.memory_space<semaphore_mem>>) src(%dma_wait3A_538 : memref<384x784xf32, #tpu.memory_space<hbm>>) dst(%arg6 : memref<32x784xf32, #tpu.memory_space<vmem>>)
    %dma_start3A_539 = arith.constant 0 : i32
    %dma_start3A_540 = arith.constant 0 : i32
    %dma_start3A_541 = tpu.memref_slice %arg4[%add3A_52, %dma_start3A_539, %dma_start3A_540] : memref<64x384x784xf32, #tpu.memory_space<hbm>> -> memref<1x32x784xf32, #tpu.memory_space<hbm>>
    %dma_start3A_542 = tpu.memref_squeeze %dma_start3A_541 : memref<1x32x784xf32, #tpu.memory_space<hbm>> -> memref<32x784xf32, #tpu.memory_space<hbm>>
    %dma_start3A_543 = arith.constant 0 : i32
    %dma_start3A_544 = arith.constant 0 : i32
    %dma_start3A_545 = tpu.memref_slice %arg4[%add3A_52, %dma_start3A_543, %dma_start3A_544] : memref<64x384x784xf32, #tpu.memory_space<hbm>> -> memref<1x32x784xf32, #tpu.memory_space<hbm>>
    %dma_start3A_546 = tpu.memref_squeeze %dma_start3A_545 : memref<1x32x784xf32, #tpu.memory_space<hbm>> -> memref<32x784xf32, #tpu.memory_space<hbm>>
    tpu.enqueue_dma source(%arg6 : memref<32x784xf32, #tpu.memory_space<vmem>>) target(%dma_start3A_546 : memref<32x784xf32, #tpu.memory_space<hbm>>) target_semaphore(%arg12 : memref<!tpu.dma_semaphore, #tpu.memory_space<semaphore_mem>>)
    %dma_wait3A_547 = arith.constant 0 : i32
    %dma_wait3A_548 = arith.constant 0 : i32
    %dma_wait3A_549 = tpu.memref_slice %arg4[%add3A_52, %dma_wait3A_547, %dma_wait3A_548] : memref<64x384x784xf32, #tpu.memory_space<hbm>> -> memref<1x32x784xf32, #tpu.memory_space<hbm>>
    %dma_wait3A_550 = tpu.memref_squeeze %dma_wait3A_549 : memref<1x32x784xf32, #tpu.memory_space<hbm>> -> memref<32x784xf32, #tpu.memory_space<hbm>>
    %dma_wait3A_551 = arith.constant 0 : i32
    %dma_wait3A_552 = arith.constant 0 : i32
    %dma_wait3A_553 = tpu.memref_slice %arg4[%add3A_52, %dma_wait3A_551, %dma_wait3A_552] : memref<64x384x784xf32, #tpu.memory_space<hbm>> -> memref<1x32x784xf32, #tpu.memory_space<hbm>>
    %dma_wait3A_554 = tpu.memref_squeeze %dma_wait3A_553 : memref<1x32x784xf32, #tpu.memory_space<hbm>> -> memref<32x784xf32, #tpu.memory_space<hbm>>
    tpu.wait_dma2 semaphore(%arg12 : memref<!tpu.dma_semaphore, #tpu.memory_space<semaphore_mem>>) src(%arg6 : memref<32x784xf32, #tpu.memory_space<vmem>>) dst(%dma_wait3A_554 : memref<32x784xf32, #tpu.memory_space<hbm>>)
    %dma_start3A_555 = arith.constant 96 : i32
    %dma_start3A_556 = tpu.memref_slice %arg5[%dma_start3A_555] : memref<384xi32, #tpu.memory_space<vmem>> -> memref<32xi32, #tpu.memory_space<vmem>>
    %dma_start3A_557 = arith.constant 0 : i32
    %dma_start3A_558 = arith.constant 0 : i32
    %dma_start3A_559 = tpu.memref_slice %arg2[%add3A_64, %dma_start3A_557, %dma_start3A_558] : memref<64x384x784xf32, #tpu.memory_space<hbm>> -> memref<1x384x784xf32, #tpu.memory_space<hbm>>
    %dma_start3A_560 = tpu.memref_squeeze %dma_start3A_559 : memref<1x384x784xf32, #tpu.memory_space<hbm>> -> memref<384x784xf32, #tpu.memory_space<hbm>>
    %dma_start3A_561 = arith.constant 0 : i32
    %dma_start3A_562 = arith.constant 0 : i32
    %dma_start3A_563 = tpu.memref_slice %dma_start3A_560[%dma_start3A_561, %dma_start3A_562] : memref<384x784xf32, #tpu.memory_space<hbm>> -> memref<384x784xf32, #tpu.memory_space<hbm>>
    tpu.enqueue_indirect_dma source(%dma_start3A_563 : memref<384x784xf32, #tpu.memory_space<hbm>>) target(%arg6 : memref<32x784xf32, #tpu.memory_space<vmem>>) offsets(%dma_start3A_556 : memref<32xi32, #tpu.memory_space<vmem>>) semaphore(%arg9 : memref<!tpu.dma_semaphore, #tpu.memory_space<semaphore_mem>>)
    %dma_wait3A_564 = arith.constant 32 : i32
    %dma_wait3A_565 = tpu.memref_slice %arg5[%dma_wait3A_564] : memref<384xi32, #tpu.memory_space<vmem>> -> memref<32xi32, #tpu.memory_space<vmem>>
    %dma_wait3A_566 = arith.constant 0 : i32
    %dma_wait3A_567 = arith.constant 0 : i32
    %dma_wait3A_568 = tpu.memref_slice %arg2[%add3A_56, %dma_wait3A_566, %dma_wait3A_567] : memref<64x384x784xf32, #tpu.memory_space<hbm>> -> memref<1x384x784xf32, #tpu.memory_space<hbm>>
    %dma_wait3A_569 = tpu.memref_squeeze %dma_wait3A_568 : memref<1x384x784xf32, #tpu.memory_space<hbm>> -> memref<384x784xf32, #tpu.memory_space<hbm>>
    %dma_wait3A_570 = arith.constant 0 : i32
    %dma_wait3A_571 = arith.constant 0 : i32
    %dma_wait3A_572 = tpu.memref_slice %dma_wait3A_569[%dma_wait3A_570, %dma_wait3A_571] : memref<384x784xf32, #tpu.memory_space<hbm>> -> memref<384x784xf32, #tpu.memory_space<hbm>>
    tpu.wait_indirect_dma semaphore(%arg10 : memref<!tpu.dma_semaphore, #tpu.memory_space<semaphore_mem>>) src(%dma_wait3A_572 : memref<384x784xf32, #tpu.memory_space<hbm>>) dst(%arg7 : memref<32x784xf32, #tpu.memory_space<vmem>>)
    %dma_start3A_573 = arith.constant 32 : i32
    %dma_start3A_574 = arith.constant 0 : i32
    %dma_start3A_575 = tpu.memref_slice %arg4[%add3A_56, %dma_start3A_573, %dma_start3A_574] : memref<64x384x784xf32, #tpu.memory_space<hbm>> -> memref<1x32x784xf32, #tpu.memory_space<hbm>>
    %dma_start3A_576 = tpu.memref_squeeze %dma_start3A_575 : memref<1x32x784xf32, #tpu.memory_space<hbm>> -> memref<32x784xf32, #tpu.memory_space<hbm>>
    %dma_start3A_577 = arith.constant 32 : i32
    %dma_start3A_578 = arith.constant 0 : i32
    %dma_start3A_579 = tpu.memref_slice %arg4[%add3A_56, %dma_start3A_577, %dma_start3A_578] : memref<64x384x784xf32, #tpu.memory_space<hbm>> -> memref<1x32x784xf32, #tpu.memory_space<hbm>>
    %dma_start3A_580 = tpu.memref_squeeze %dma_start3A_579 : memref<1x32x784xf32, #tpu.memory_space<hbm>> -> memref<32x784xf32, #tpu.memory_space<hbm>>
    tpu.enqueue_dma source(%arg7 : memref<32x784xf32, #tpu.memory_space<vmem>>) target(%dma_start3A_580 : memref<32x784xf32, #tpu.memory_space<hbm>>) target_semaphore(%arg13 : memref<!tpu.dma_semaphore, #tpu.memory_space<semaphore_mem>>)
    %dma_wait3A_581 = arith.constant 32 : i32
    %dma_wait3A_582 = arith.constant 0 : i32
    %dma_wait3A_583 = tpu.memref_slice %arg4[%add3A_56, %dma_wait3A_581, %dma_wait3A_582] : memref<64x384x784xf32, #tpu.memory_space<hbm>> -> memref<1x32x784xf32, #tpu.memory_space<hbm>>
    %dma_wait3A_584 = tpu.memref_squeeze %dma_wait3A_583 : memref<1x32x784xf32, #tpu.memory_space<hbm>> -> memref<32x784xf32, #tpu.memory_space<hbm>>
    %dma_wait3A_585 = arith.constant 32 : i32
    %dma_wait3A_586 = arith.constant 0 : i32
    %dma_wait3A_587 = tpu.memref_slice %arg4[%add3A_56, %dma_wait3A_585, %dma_wait3A_586] : memref<64x384x784xf32, #tpu.memory_space<hbm>> -> memref<1x32x784xf32, #tpu.memory_space<hbm>>
    %dma_wait3A_588 = tpu.memref_squeeze %dma_wait3A_587 : memref<1x32x784xf32, #tpu.memory_space<hbm>> -> memref<32x784xf32, #tpu.memory_space<hbm>>
    tpu.wait_dma2 semaphore(%arg13 : memref<!tpu.dma_semaphore, #tpu.memory_space<semaphore_mem>>) src(%arg7 : memref<32x784xf32, #tpu.memory_space<vmem>>) dst(%dma_wait3A_588 : memref<32x784xf32, #tpu.memory_space<hbm>>)
    %dma_start3A_589 = arith.constant 128 : i32
    %dma_start3A_590 = tpu.memref_slice %arg5[%dma_start3A_589] : memref<384xi32, #tpu.memory_space<vmem>> -> memref<32xi32, #tpu.memory_space<vmem>>
    %dma_start3A_591 = arith.constant 0 : i32
    %dma_start3A_592 = arith.constant 0 : i32
    %dma_start3A_593 = tpu.memref_slice %arg2[%add3A_68, %dma_start3A_591, %dma_start3A_592] : memref<64x384x784xf32, #tpu.memory_space<hbm>> -> memref<1x384x784xf32, #tpu.memory_space<hbm>>
    %dma_start3A_594 = tpu.memref_squeeze %dma_start3A_593 : memref<1x384x784xf32, #tpu.memory_space<hbm>> -> memref<384x784xf32, #tpu.memory_space<hbm>>
    %dma_start3A_595 = arith.constant 0 : i32
    %dma_start3A_596 = arith.constant 0 : i32
    %dma_start3A_597 = tpu.memref_slice %dma_start3A_594[%dma_start3A_595, %dma_start3A_596] : memref<384x784xf32, #tpu.memory_space<hbm>> -> memref<384x784xf32, #tpu.memory_space<hbm>>
    tpu.enqueue_indirect_dma source(%dma_start3A_597 : memref<384x784xf32, #tpu.memory_space<hbm>>) target(%arg7 : memref<32x784xf32, #tpu.memory_space<vmem>>) offsets(%dma_start3A_590 : memref<32xi32, #tpu.memory_space<vmem>>) semaphore(%arg10 : memref<!tpu.dma_semaphore, #tpu.memory_space<semaphore_mem>>)
    %dma_wait3A_598 = arith.constant 64 : i32
    %dma_wait3A_599 = tpu.memref_slice %arg5[%dma_wait3A_598] : memref<384xi32, #tpu.memory_space<vmem>> -> memref<32xi32, #tpu.memory_space<vmem>>
    %dma_wait3A_600 = arith.constant 0 : i32
    %dma_wait3A_601 = arith.constant 0 : i32
    %dma_wait3A_602 = tpu.memref_slice %arg2[%add3A_60, %dma_wait3A_600, %dma_wait3A_601] : memref<64x384x784xf32, #tpu.memory_space<hbm>> -> memref<1x384x784xf32, #tpu.memory_space<hbm>>
    %dma_wait3A_603 = tpu.memref_squeeze %dma_wait3A_602 : memref<1x384x784xf32, #tpu.memory_space<hbm>> -> memref<384x784xf32, #tpu.memory_space<hbm>>
    %dma_wait3A_604 = arith.constant 0 : i32
    %dma_wait3A_605 = arith.constant 0 : i32
    %dma_wait3A_606 = tpu.memref_slice %dma_wait3A_603[%dma_wait3A_604, %dma_wait3A_605] : memref<384x784xf32, #tpu.memory_space<hbm>> -> memref<384x784xf32, #tpu.memory_space<hbm>>
    tpu.wait_indirect_dma semaphore(%arg11 : memref<!tpu.dma_semaphore, #tpu.memory_space<semaphore_mem>>) src(%dma_wait3A_606 : memref<384x784xf32, #tpu.memory_space<hbm>>) dst(%arg8 : memref<32x784xf32, #tpu.memory_space<vmem>>)
    %dma_start3A_607 = arith.constant 64 : i32
    %dma_start3A_608 = arith.constant 0 : i32
    %dma_start3A_609 = tpu.memref_slice %arg4[%add3A_60, %dma_start3A_607, %dma_start3A_608] : memref<64x384x784xf32, #tpu.memory_space<hbm>> -> memref<1x32x784xf32, #tpu.memory_space<hbm>>
    %dma_start3A_610 = tpu.memref_squeeze %dma_start3A_609 : memref<1x32x784xf32, #tpu.memory_space<hbm>> -> memref<32x784xf32, #tpu.memory_space<hbm>>
    %dma_start3A_611 = arith.constant 64 : i32
    %dma_start3A_612 = arith.constant 0 : i32
    %dma_start3A_613 = tpu.memref_slice %arg4[%add3A_60, %dma_start3A_611, %dma_start3A_612] : memref<64x384x784xf32, #tpu.memory_space<hbm>> -> memref<1x32x784xf32, #tpu.memory_space<hbm>>
    %dma_start3A_614 = tpu.memref_squeeze %dma_start3A_613 : memref<1x32x784xf32, #tpu.memory_space<hbm>> -> memref<32x784xf32, #tpu.memory_space<hbm>>
    tpu.enqueue_dma source(%arg8 : memref<32x784xf32, #tpu.memory_space<vmem>>) target(%dma_start3A_614 : memref<32x784xf32, #tpu.memory_space<hbm>>) target_semaphore(%arg14 : memref<!tpu.dma_semaphore, #tpu.memory_space<semaphore_mem>>)
    %dma_wait3A_615 = arith.constant 64 : i32
    %dma_wait3A_616 = arith.constant 0 : i32
    %dma_wait3A_617 = tpu.memref_slice %arg4[%add3A_60, %dma_wait3A_615, %dma_wait3A_616] : memref<64x384x784xf32, #tpu.memory_space<hbm>> -> memref<1x32x784xf32, #tpu.memory_space<hbm>>
    %dma_wait3A_618 = tpu.memref_squeeze %dma_wait3A_617 : memref<1x32x784xf32, #tpu.memory_space<hbm>> -> memref<32x784xf32, #tpu.memory_space<hbm>>
    %dma_wait3A_619 = arith.constant 64 : i32
    %dma_wait3A_620 = arith.constant 0 : i32
    %dma_wait3A_621 = tpu.memref_slice %arg4[%add3A_60, %dma_wait3A_619, %dma_wait3A_620] : memref<64x384x784xf32, #tpu.memory_space<hbm>> -> memref<1x32x784xf32, #tpu.memory_space<hbm>>
    %dma_wait3A_622 = tpu.memref_squeeze %dma_wait3A_621 : memref<1x32x784xf32, #tpu.memory_space<hbm>> -> memref<32x784xf32, #tpu.memory_space<hbm>>
    tpu.wait_dma2 semaphore(%arg14 : memref<!tpu.dma_semaphore, #tpu.memory_space<semaphore_mem>>) src(%arg8 : memref<32x784xf32, #tpu.memory_space<vmem>>) dst(%dma_wait3A_622 : memref<32x784xf32, #tpu.memory_space<hbm>>)
    %dma_start3A_623 = arith.constant 160 : i32
    %dma_start3A_624 = tpu.memref_slice %arg5[%dma_start3A_623] : memref<384xi32, #tpu.memory_space<vmem>> -> memref<32xi32, #tpu.memory_space<vmem>>
    %dma_start3A_625 = arith.constant 0 : i32
    %dma_start3A_626 = arith.constant 0 : i32
    %dma_start3A_627 = tpu.memref_slice %arg2[%add3A_72, %dma_start3A_625, %dma_start3A_626] : memref<64x384x784xf32, #tpu.memory_space<hbm>> -> memref<1x384x784xf32, #tpu.memory_space<hbm>>
    %dma_start3A_628 = tpu.memref_squeeze %dma_start3A_627 : memref<1x384x784xf32, #tpu.memory_space<hbm>> -> memref<384x784xf32, #tpu.memory_space<hbm>>
    %dma_start3A_629 = arith.constant 0 : i32
    %dma_start3A_630 = arith.constant 0 : i32
    %dma_start3A_631 = tpu.memref_slice %dma_start3A_628[%dma_start3A_629, %dma_start3A_630] : memref<384x784xf32, #tpu.memory_space<hbm>> -> memref<384x784xf32, #tpu.memory_space<hbm>>
    tpu.enqueue_indirect_dma source(%dma_start3A_631 : memref<384x784xf32, #tpu.memory_space<hbm>>) target(%arg8 : memref<32x784xf32, #tpu.memory_space<vmem>>) offsets(%dma_start3A_624 : memref<32xi32, #tpu.memory_space<vmem>>) semaphore(%arg11 : memref<!tpu.dma_semaphore, #tpu.memory_space<semaphore_mem>>)
    %dma_wait3A_632 = arith.constant 96 : i32
    %dma_wait3A_633 = tpu.memref_slice %arg5[%dma_wait3A_632] : memref<384xi32, #tpu.memory_space<vmem>> -> memref<32xi32, #tpu.memory_space<vmem>>
    %dma_wait3A_634 = arith.constant 0 : i32
    %dma_wait3A_635 = arith.constant 0 : i32
    %dma_wait3A_636 = tpu.memref_slice %arg2[%add3A_64, %dma_wait3A_634, %dma_wait3A_635] : memref<64x384x784xf32, #tpu.memory_space<hbm>> -> memref<1x384x784xf32, #tpu.memory_space<hbm>>
    %dma_wait3A_637 = tpu.memref_squeeze %dma_wait3A_636 : memref<1x384x784xf32, #tpu.memory_space<hbm>> -> memref<384x784xf32, #tpu.memory_space<hbm>>
    %dma_wait3A_638 = arith.constant 0 : i32
    %dma_wait3A_639 = arith.constant 0 : i32
    %dma_wait3A_640 = tpu.memref_slice %dma_wait3A_637[%dma_wait3A_638, %dma_wait3A_639] : memref<384x784xf32, #tpu.memory_space<hbm>> -> memref<384x784xf32, #tpu.memory_space<hbm>>
    tpu.wait_indirect_dma semaphore(%arg9 : memref<!tpu.dma_semaphore, #tpu.memory_space<semaphore_mem>>) src(%dma_wait3A_640 : memref<384x784xf32, #tpu.memory_space<hbm>>) dst(%arg6 : memref<32x784xf32, #tpu.memory_space<vmem>>)
    %dma_start3A_641 = arith.constant 96 : i32
    %dma_start3A_642 = arith.constant 0 : i32
    %dma_start3A_643 = tpu.memref_slice %arg4[%add3A_64, %dma_start3A_641, %dma_start3A_642] : memref<64x384x784xf32, #tpu.memory_space<hbm>> -> memref<1x32x784xf32, #tpu.memory_space<hbm>>
    %dma_start3A_644 = tpu.memref_squeeze %dma_start3A_643 : memref<1x32x784xf32, #tpu.memory_space<hbm>> -> memref<32x784xf32, #tpu.memory_space<hbm>>
    %dma_start3A_645 = arith.constant 96 : i32
    %dma_start3A_646 = arith.constant 0 : i32
    %dma_start3A_647 = tpu.memref_slice %arg4[%add3A_64, %dma_start3A_645, %dma_start3A_646] : memref<64x384x784xf32, #tpu.memory_space<hbm>> -> memref<1x32x784xf32, #tpu.memory_space<hbm>>
    %dma_start3A_648 = tpu.memref_squeeze %dma_start3A_647 : memref<1x32x784xf32, #tpu.memory_space<hbm>> -> memref<32x784xf32, #tpu.memory_space<hbm>>
    tpu.enqueue_dma source(%arg6 : memref<32x784xf32, #tpu.memory_space<vmem>>) target(%dma_start3A_648 : memref<32x784xf32, #tpu.memory_space<hbm>>) target_semaphore(%arg12 : memref<!tpu.dma_semaphore, #tpu.memory_space<semaphore_mem>>)
    %dma_wait3A_649 = arith.constant 96 : i32
    %dma_wait3A_650 = arith.constant 0 : i32
    %dma_wait3A_651 = tpu.memref_slice %arg4[%add3A_64, %dma_wait3A_649, %dma_wait3A_650] : memref<64x384x784xf32, #tpu.memory_space<hbm>> -> memref<1x32x784xf32, #tpu.memory_space<hbm>>
    %dma_wait3A_652 = tpu.memref_squeeze %dma_wait3A_651 : memref<1x32x784xf32, #tpu.memory_space<hbm>> -> memref<32x784xf32, #tpu.memory_space<hbm>>
    %dma_wait3A_653 = arith.constant 96 : i32
    %dma_wait3A_654 = arith.constant 0 : i32
    %dma_wait3A_655 = tpu.memref_slice %arg4[%add3A_64, %dma_wait3A_653, %dma_wait3A_654] : memref<64x384x784xf32, #tpu.memory_space<hbm>> -> memref<1x32x784xf32, #tpu.memory_space<hbm>>
    %dma_wait3A_656 = tpu.memref_squeeze %dma_wait3A_655 : memref<1x32x784xf32, #tpu.memory_space<hbm>> -> memref<32x784xf32, #tpu.memory_space<hbm>>
    tpu.wait_dma2 semaphore(%arg12 : memref<!tpu.dma_semaphore, #tpu.memory_space<semaphore_mem>>) src(%arg6 : memref<32x784xf32, #tpu.memory_space<vmem>>) dst(%dma_wait3A_656 : memref<32x784xf32, #tpu.memory_space<hbm>>)
    %dma_start3A_657 = arith.constant 192 : i32
    %dma_start3A_658 = tpu.memref_slice %arg5[%dma_start3A_657] : memref<384xi32, #tpu.memory_space<vmem>> -> memref<32xi32, #tpu.memory_space<vmem>>
    %dma_start3A_659 = arith.constant 0 : i32
    %dma_start3A_660 = arith.constant 0 : i32
    %dma_start3A_661 = tpu.memref_slice %arg2[%add3A_76, %dma_start3A_659, %dma_start3A_660] : memref<64x384x784xf32, #tpu.memory_space<hbm>> -> memref<1x384x784xf32, #tpu.memory_space<hbm>>
    %dma_start3A_662 = tpu.memref_squeeze %dma_start3A_661 : memref<1x384x784xf32, #tpu.memory_space<hbm>> -> memref<384x784xf32, #tpu.memory_space<hbm>>
    %dma_start3A_663 = arith.constant 0 : i32
    %dma_start3A_664 = arith.constant 0 : i32
    %dma_start3A_665 = tpu.memref_slice %dma_start3A_662[%dma_start3A_663, %dma_start3A_664] : memref<384x784xf32, #tpu.memory_space<hbm>> -> memref<384x784xf32, #tpu.memory_space<hbm>>
    tpu.enqueue_indirect_dma source(%dma_start3A_665 : memref<384x784xf32, #tpu.memory_space<hbm>>) target(%arg6 : memref<32x784xf32, #tpu.memory_space<vmem>>) offsets(%dma_start3A_658 : memref<32xi32, #tpu.memory_space<vmem>>) semaphore(%arg9 : memref<!tpu.dma_semaphore, #tpu.memory_space<semaphore_mem>>)
    %dma_wait3A_666 = arith.constant 128 : i32
    %dma_wait3A_667 = tpu.memref_slice %arg5[%dma_wait3A_666] : memref<384xi32, #tpu.memory_space<vmem>> -> memref<32xi32, #tpu.memory_space<vmem>>
    %dma_wait3A_668 = arith.constant 0 : i32
    %dma_wait3A_669 = arith.constant 0 : i32
    %dma_wait3A_670 = tpu.memref_slice %arg2[%add3A_68, %dma_wait3A_668, %dma_wait3A_669] : memref<64x384x784xf32, #tpu.memory_space<hbm>> -> memref<1x384x784xf32, #tpu.memory_space<hbm>>
    %dma_wait3A_671 = tpu.memref_squeeze %dma_wait3A_670 : memref<1x384x784xf32, #tpu.memory_space<hbm>> -> memref<384x784xf32, #tpu.memory_space<hbm>>
    %dma_wait3A_672 = arith.constant 0 : i32
    %dma_wait3A_673 = arith.constant 0 : i32
    %dma_wait3A_674 = tpu.memref_slice %dma_wait3A_671[%dma_wait3A_672, %dma_wait3A_673] : memref<384x784xf32, #tpu.memory_space<hbm>> -> memref<384x784xf32, #tpu.memory_space<hbm>>
    tpu.wait_indirect_dma semaphore(%arg10 : memref<!tpu.dma_semaphore, #tpu.memory_space<semaphore_mem>>) src(%dma_wait3A_674 : memref<384x784xf32, #tpu.memory_space<hbm>>) dst(%arg7 : memref<32x784xf32, #tpu.memory_space<vmem>>)
    %dma_start3A_675 = arith.constant 128 : i32
    %dma_start3A_676 = arith.constant 0 : i32
    %dma_start3A_677 = tpu.memref_slice %arg4[%add3A_68, %dma_start3A_675, %dma_start3A_676] : memref<64x384x784xf32, #tpu.memory_space<hbm>> -> memref<1x32x784xf32, #tpu.memory_space<hbm>>
    %dma_start3A_678 = tpu.memref_squeeze %dma_start3A_677 : memref<1x32x784xf32, #tpu.memory_space<hbm>> -> memref<32x784xf32, #tpu.memory_space<hbm>>
    %dma_start3A_679 = arith.constant 128 : i32
    %dma_start3A_680 = arith.constant 0 : i32
    %dma_start3A_681 = tpu.memref_slice %arg4[%add3A_68, %dma_start3A_679, %dma_start3A_680] : memref<64x384x784xf32, #tpu.memory_space<hbm>> -> memref<1x32x784xf32, #tpu.memory_space<hbm>>
    %dma_start3A_682 = tpu.memref_squeeze %dma_start3A_681 : memref<1x32x784xf32, #tpu.memory_space<hbm>> -> memref<32x784xf32, #tpu.memory_space<hbm>>
    tpu.enqueue_dma source(%arg7 : memref<32x784xf32, #tpu.memory_space<vmem>>) target(%dma_start3A_682 : memref<32x784xf32, #tpu.memory_space<hbm>>) target_semaphore(%arg13 : memref<!tpu.dma_semaphore, #tpu.memory_space<semaphore_mem>>)
    %dma_wait3A_683 = arith.constant 128 : i32
    %dma_wait3A_684 = arith.constant 0 : i32
    %dma_wait3A_685 = tpu.memref_slice %arg4[%add3A_68, %dma_wait3A_683, %dma_wait3A_684] : memref<64x384x784xf32, #tpu.memory_space<hbm>> -> memref<1x32x784xf32, #tpu.memory_space<hbm>>
    %dma_wait3A_686 = tpu.memref_squeeze %dma_wait3A_685 : memref<1x32x784xf32, #tpu.memory_space<hbm>> -> memref<32x784xf32, #tpu.memory_space<hbm>>
    %dma_wait3A_687 = arith.constant 128 : i32
    %dma_wait3A_688 = arith.constant 0 : i32
    %dma_wait3A_689 = tpu.memref_slice %arg4[%add3A_68, %dma_wait3A_687, %dma_wait3A_688] : memref<64x384x784xf32, #tpu.memory_space<hbm>> -> memref<1x32x784xf32, #tpu.memory_space<hbm>>
    %dma_wait3A_690 = tpu.memref_squeeze %dma_wait3A_689 : memref<1x32x784xf32, #tpu.memory_space<hbm>> -> memref<32x784xf32, #tpu.memory_space<hbm>>
    tpu.wait_dma2 semaphore(%arg13 : memref<!tpu.dma_semaphore, #tpu.memory_space<semaphore_mem>>) src(%arg7 : memref<32x784xf32, #tpu.memory_space<vmem>>) dst(%dma_wait3A_690 : memref<32x784xf32, #tpu.memory_space<hbm>>)
    %dma_start3A_691 = arith.constant 224 : i32
    %dma_start3A_692 = tpu.memref_slice %arg5[%dma_start3A_691] : memref<384xi32, #tpu.memory_space<vmem>> -> memref<32xi32, #tpu.memory_space<vmem>>
    %dma_start3A_693 = arith.constant 0 : i32
    %dma_start3A_694 = arith.constant 0 : i32
    %dma_start3A_695 = tpu.memref_slice %arg2[%add3A_80, %dma_start3A_693, %dma_start3A_694] : memref<64x384x784xf32, #tpu.memory_space<hbm>> -> memref<1x384x784xf32, #tpu.memory_space<hbm>>
    %dma_start3A_696 = tpu.memref_squeeze %dma_start3A_695 : memref<1x384x784xf32, #tpu.memory_space<hbm>> -> memref<384x784xf32, #tpu.memory_space<hbm>>
    %dma_start3A_697 = arith.constant 0 : i32
    %dma_start3A_698 = arith.constant 0 : i32
    %dma_start3A_699 = tpu.memref_slice %dma_start3A_696[%dma_start3A_697, %dma_start3A_698] : memref<384x784xf32, #tpu.memory_space<hbm>> -> memref<384x784xf32, #tpu.memory_space<hbm>>
    tpu.enqueue_indirect_dma source(%dma_start3A_699 : memref<384x784xf32, #tpu.memory_space<hbm>>) target(%arg7 : memref<32x784xf32, #tpu.memory_space<vmem>>) offsets(%dma_start3A_692 : memref<32xi32, #tpu.memory_space<vmem>>) semaphore(%arg10 : memref<!tpu.dma_semaphore, #tpu.memory_space<semaphore_mem>>)
    %dma_wait3A_700 = arith.constant 160 : i32
    %dma_wait3A_701 = tpu.memref_slice %arg5[%dma_wait3A_700] : memref<384xi32, #tpu.memory_space<vmem>> -> memref<32xi32, #tpu.memory_space<vmem>>
    %dma_wait3A_702 = arith.constant 0 : i32
    %dma_wait3A_703 = arith.constant 0 : i32
    %dma_wait3A_704 = tpu.memref_slice %arg2[%add3A_72, %dma_wait3A_702, %dma_wait3A_703] : memref<64x384x784xf32, #tpu.memory_space<hbm>> -> memref<1x384x784xf32, #tpu.memory_space<hbm>>
    %dma_wait3A_705 = tpu.memref_squeeze %dma_wait3A_704 : memref<1x384x784xf32, #tpu.memory_space<hbm>> -> memref<384x784xf32, #tpu.memory_space<hbm>>
    %dma_wait3A_706 = arith.constant 0 : i32
    %dma_wait3A_707 = arith.constant 0 : i32
    %dma_wait3A_708 = tpu.memref_slice %dma_wait3A_705[%dma_wait3A_706, %dma_wait3A_707] : memref<384x784xf32, #tpu.memory_space<hbm>> -> memref<384x784xf32, #tpu.memory_space<hbm>>
    tpu.wait_indirect_dma semaphore(%arg11 : memref<!tpu.dma_semaphore, #tpu.memory_space<semaphore_mem>>) src(%dma_wait3A_708 : memref<384x784xf32, #tpu.memory_space<hbm>>) dst(%arg8 : memref<32x784xf32, #tpu.memory_space<vmem>>)
    %dma_start3A_709 = arith.constant 160 : i32
    %dma_start3A_710 = arith.constant 0 : i32
    %dma_start3A_711 = tpu.memref_slice %arg4[%add3A_72, %dma_start3A_709, %dma_start3A_710] : memref<64x384x784xf32, #tpu.memory_space<hbm>> -> memref<1x32x784xf32, #tpu.memory_space<hbm>>
    %dma_start3A_712 = tpu.memref_squeeze %dma_start3A_711 : memref<1x32x784xf32, #tpu.memory_space<hbm>> -> memref<32x784xf32, #tpu.memory_space<hbm>>
    %dma_start3A_713 = arith.constant 160 : i32
    %dma_start3A_714 = arith.constant 0 : i32
    %dma_start3A_715 = tpu.memref_slice %arg4[%add3A_72, %dma_start3A_713, %dma_start3A_714] : memref<64x384x784xf32, #tpu.memory_space<hbm>> -> memref<1x32x784xf32, #tpu.memory_space<hbm>>
    %dma_start3A_716 = tpu.memref_squeeze %dma_start3A_715 : memref<1x32x784xf32, #tpu.memory_space<hbm>> -> memref<32x784xf32, #tpu.memory_space<hbm>>
    tpu.enqueue_dma source(%arg8 : memref<32x784xf32, #tpu.memory_space<vmem>>) target(%dma_start3A_716 : memref<32x784xf32, #tpu.memory_space<hbm>>) target_semaphore(%arg14 : memref<!tpu.dma_semaphore, #tpu.memory_space<semaphore_mem>>)
    %dma_wait3A_717 = arith.constant 160 : i32
    %dma_wait3A_718 = arith.constant 0 : i32
    %dma_wait3A_719 = tpu.memref_slice %arg4[%add3A_72, %dma_wait3A_717, %dma_wait3A_718] : memref<64x384x784xf32, #tpu.memory_space<hbm>> -> memref<1x32x784xf32, #tpu.memory_space<hbm>>
    %dma_wait3A_720 = tpu.memref_squeeze %dma_wait3A_719 : memref<1x32x784xf32, #tpu.memory_space<hbm>> -> memref<32x784xf32, #tpu.memory_space<hbm>>
    %dma_wait3A_721 = arith.constant 160 : i32
    %dma_wait3A_722 = arith.constant 0 : i32
    %dma_wait3A_723 = tpu.memref_slice %arg4[%add3A_72, %dma_wait3A_721, %dma_wait3A_722] : memref<64x384x784xf32, #tpu.memory_space<hbm>> -> memref<1x32x784xf32, #tpu.memory_space<hbm>>
    %dma_wait3A_724 = tpu.memref_squeeze %dma_wait3A_723 : memref<1x32x784xf32, #tpu.memory_space<hbm>> -> memref<32x784xf32, #tpu.memory_space<hbm>>
    tpu.wait_dma2 semaphore(%arg14 : memref<!tpu.dma_semaphore, #tpu.memory_space<semaphore_mem>>) src(%arg8 : memref<32x784xf32, #tpu.memory_space<vmem>>) dst(%dma_wait3A_724 : memref<32x784xf32, #tpu.memory_space<hbm>>)
    %dma_start3A_725 = arith.constant 256 : i32
    %dma_start3A_726 = tpu.memref_slice %arg5[%dma_start3A_725] : memref<384xi32, #tpu.memory_space<vmem>> -> memref<32xi32, #tpu.memory_space<vmem>>
    %dma_start3A_727 = arith.constant 0 : i32
    %dma_start3A_728 = arith.constant 0 : i32
    %dma_start3A_729 = tpu.memref_slice %arg2[%add3A_84, %dma_start3A_727, %dma_start3A_728] : memref<64x384x784xf32, #tpu.memory_space<hbm>> -> memref<1x384x784xf32, #tpu.memory_space<hbm>>
    %dma_start3A_730 = tpu.memref_squeeze %dma_start3A_729 : memref<1x384x784xf32, #tpu.memory_space<hbm>> -> memref<384x784xf32, #tpu.memory_space<hbm>>
    %dma_start3A_731 = arith.constant 0 : i32
    %dma_start3A_732 = arith.constant 0 : i32
    %dma_start3A_733 = tpu.memref_slice %dma_start3A_730[%dma_start3A_731, %dma_start3A_732] : memref<384x784xf32, #tpu.memory_space<hbm>> -> memref<384x784xf32, #tpu.memory_space<hbm>>
    tpu.enqueue_indirect_dma source(%dma_start3A_733 : memref<384x784xf32, #tpu.memory_space<hbm>>) target(%arg8 : memref<32x784xf32, #tpu.memory_space<vmem>>) offsets(%dma_start3A_726 : memref<32xi32, #tpu.memory_space<vmem>>) semaphore(%arg11 : memref<!tpu.dma_semaphore, #tpu.memory_space<semaphore_mem>>)
    %dma_wait3A_734 = arith.constant 192 : i32
    %dma_wait3A_735 = tpu.memref_slice %arg5[%dma_wait3A_734] : memref<384xi32, #tpu.memory_space<vmem>> -> memref<32xi32, #tpu.memory_space<vmem>>
    %dma_wait3A_736 = arith.constant 0 : i32
    %dma_wait3A_737 = arith.constant 0 : i32
    %dma_wait3A_738 = tpu.memref_slice %arg2[%add3A_76, %dma_wait3A_736, %dma_wait3A_737] : memref<64x384x784xf32, #tpu.memory_space<hbm>> -> memref<1x384x784xf32, #tpu.memory_space<hbm>>
    %dma_wait3A_739 = tpu.memref_squeeze %dma_wait3A_738 : memref<1x384x784xf32, #tpu.memory_space<hbm>> -> memref<384x784xf32, #tpu.memory_space<hbm>>
    %dma_wait3A_740 = arith.constant 0 : i32
    %dma_wait3A_741 = arith.constant 0 : i32
    %dma_wait3A_742 = tpu.memref_slice %dma_wait3A_739[%dma_wait3A_740, %dma_wait3A_741] : memref<384x784xf32, #tpu.memory_space<hbm>> -> memref<384x784xf32, #tpu.memory_space<hbm>>
    tpu.wait_indirect_dma semaphore(%arg9 : memref<!tpu.dma_semaphore, #tpu.memory_space<semaphore_mem>>) src(%dma_wait3A_742 : memref<384x784xf32, #tpu.memory_space<hbm>>) dst(%arg6 : memref<32x784xf32, #tpu.memory_space<vmem>>)
    %dma_start3A_743 = arith.constant 192 : i32
    %dma_start3A_744 = arith.constant 0 : i32
    %dma_start3A_745 = tpu.memref_slice %arg4[%add3A_76, %dma_start3A_743, %dma_start3A_744] : memref<64x384x784xf32, #tpu.memory_space<hbm>> -> memref<1x32x784xf32, #tpu.memory_space<hbm>>
    %dma_start3A_746 = tpu.memref_squeeze %dma_start3A_745 : memref<1x32x784xf32, #tpu.memory_space<hbm>> -> memref<32x784xf32, #tpu.memory_space<hbm>>
    %dma_start3A_747 = arith.constant 192 : i32
    %dma_start3A_748 = arith.constant 0 : i32
    %dma_start3A_749 = tpu.memref_slice %arg4[%add3A_76, %dma_start3A_747, %dma_start3A_748] : memref<64x384x784xf32, #tpu.memory_space<hbm>> -> memref<1x32x784xf32, #tpu.memory_space<hbm>>
    %dma_start3A_750 = tpu.memref_squeeze %dma_start3A_749 : memref<1x32x784xf32, #tpu.memory_space<hbm>> -> memref<32x784xf32, #tpu.memory_space<hbm>>
    tpu.enqueue_dma source(%arg6 : memref<32x784xf32, #tpu.memory_space<vmem>>) target(%dma_start3A_750 : memref<32x784xf32, #tpu.memory_space<hbm>>) target_semaphore(%arg12 : memref<!tpu.dma_semaphore, #tpu.memory_space<semaphore_mem>>)
    %dma_wait3A_751 = arith.constant 192 : i32
    %dma_wait3A_752 = arith.constant 0 : i32
    %dma_wait3A_753 = tpu.memref_slice %arg4[%add3A_76, %dma_wait3A_751, %dma_wait3A_752] : memref<64x384x784xf32, #tpu.memory_space<hbm>> -> memref<1x32x784xf32, #tpu.memory_space<hbm>>
    %dma_wait3A_754 = tpu.memref_squeeze %dma_wait3A_753 : memref<1x32x784xf32, #tpu.memory_space<hbm>> -> memref<32x784xf32, #tpu.memory_space<hbm>>
    %dma_wait3A_755 = arith.constant 192 : i32
    %dma_wait3A_756 = arith.constant 0 : i32
    %dma_wait3A_757 = tpu.memref_slice %arg4[%add3A_76, %dma_wait3A_755, %dma_wait3A_756] : memref<64x384x784xf32, #tpu.memory_space<hbm>> -> memref<1x32x784xf32, #tpu.memory_space<hbm>>
    %dma_wait3A_758 = tpu.memref_squeeze %dma_wait3A_757 : memref<1x32x784xf32, #tpu.memory_space<hbm>> -> memref<32x784xf32, #tpu.memory_space<hbm>>
    tpu.wait_dma2 semaphore(%arg12 : memref<!tpu.dma_semaphore, #tpu.memory_space<semaphore_mem>>) src(%arg6 : memref<32x784xf32, #tpu.memory_space<vmem>>) dst(%dma_wait3A_758 : memref<32x784xf32, #tpu.memory_space<hbm>>)
    %dma_start3A_759 = arith.constant 288 : i32
    %dma_start3A_760 = tpu.memref_slice %arg5[%dma_start3A_759] : memref<384xi32, #tpu.memory_space<vmem>> -> memref<32xi32, #tpu.memory_space<vmem>>
    %dma_start3A_761 = arith.constant 0 : i32
    %dma_start3A_762 = arith.constant 0 : i32
    %dma_start3A_763 = tpu.memref_slice %arg2[%add3A_88, %dma_start3A_761, %dma_start3A_762] : memref<64x384x784xf32, #tpu.memory_space<hbm>> -> memref<1x384x784xf32, #tpu.memory_space<hbm>>
    %dma_start3A_764 = tpu.memref_squeeze %dma_start3A_763 : memref<1x384x784xf32, #tpu.memory_space<hbm>> -> memref<384x784xf32, #tpu.memory_space<hbm>>
    %dma_start3A_765 = arith.constant 0 : i32
    %dma_start3A_766 = arith.constant 0 : i32
    %dma_start3A_767 = tpu.memref_slice %dma_start3A_764[%dma_start3A_765, %dma_start3A_766] : memref<384x784xf32, #tpu.memory_space<hbm>> -> memref<384x784xf32, #tpu.memory_space<hbm>>
    tpu.enqueue_indirect_dma source(%dma_start3A_767 : memref<384x784xf32, #tpu.memory_space<hbm>>) target(%arg6 : memref<32x784xf32, #tpu.memory_space<vmem>>) offsets(%dma_start3A_760 : memref<32xi32, #tpu.memory_space<vmem>>) semaphore(%arg9 : memref<!tpu.dma_semaphore, #tpu.memory_space<semaphore_mem>>)
    %dma_wait3A_768 = arith.constant 224 : i32
    %dma_wait3A_769 = tpu.memref_slice %arg5[%dma_wait3A_768] : memref<384xi32, #tpu.memory_space<vmem>> -> memref<32xi32, #tpu.memory_space<vmem>>
    %dma_wait3A_770 = arith.constant 0 : i32
    %dma_wait3A_771 = arith.constant 0 : i32
    %dma_wait3A_772 = tpu.memref_slice %arg2[%add3A_80, %dma_wait3A_770, %dma_wait3A_771] : memref<64x384x784xf32, #tpu.memory_space<hbm>> -> memref<1x384x784xf32, #tpu.memory_space<hbm>>
    %dma_wait3A_773 = tpu.memref_squeeze %dma_wait3A_772 : memref<1x384x784xf32, #tpu.memory_space<hbm>> -> memref<384x784xf32, #tpu.memory_space<hbm>>
    %dma_wait3A_774 = arith.constant 0 : i32
    %dma_wait3A_775 = arith.constant 0 : i32
    %dma_wait3A_776 = tpu.memref_slice %dma_wait3A_773[%dma_wait3A_774, %dma_wait3A_775] : memref<384x784xf32, #tpu.memory_space<hbm>> -> memref<384x784xf32, #tpu.memory_space<hbm>>
    tpu.wait_indirect_dma semaphore(%arg10 : memref<!tpu.dma_semaphore, #tpu.memory_space<semaphore_mem>>) src(%dma_wait3A_776 : memref<384x784xf32, #tpu.memory_space<hbm>>) dst(%arg7 : memref<32x784xf32, #tpu.memory_space<vmem>>)
    %dma_start3A_777 = arith.constant 224 : i32
    %dma_start3A_778 = arith.constant 0 : i32
    %dma_start3A_779 = tpu.memref_slice %arg4[%add3A_80, %dma_start3A_777, %dma_start3A_778] : memref<64x384x784xf32, #tpu.memory_space<hbm>> -> memref<1x32x784xf32, #tpu.memory_space<hbm>>
    %dma_start3A_780 = tpu.memref_squeeze %dma_start3A_779 : memref<1x32x784xf32, #tpu.memory_space<hbm>> -> memref<32x784xf32, #tpu.memory_space<hbm>>
    %dma_start3A_781 = arith.constant 224 : i32
    %dma_start3A_782 = arith.constant 0 : i32
    %dma_start3A_783 = tpu.memref_slice %arg4[%add3A_80, %dma_start3A_781, %dma_start3A_782] : memref<64x384x784xf32, #tpu.memory_space<hbm>> -> memref<1x32x784xf32, #tpu.memory_space<hbm>>
    %dma_start3A_784 = tpu.memref_squeeze %dma_start3A_783 : memref<1x32x784xf32, #tpu.memory_space<hbm>> -> memref<32x784xf32, #tpu.memory_space<hbm>>
    tpu.enqueue_dma source(%arg7 : memref<32x784xf32, #tpu.memory_space<vmem>>) target(%dma_start3A_784 : memref<32x784xf32, #tpu.memory_space<hbm>>) target_semaphore(%arg13 : memref<!tpu.dma_semaphore, #tpu.memory_space<semaphore_mem>>)
    %dma_wait3A_785 = arith.constant 224 : i32
    %dma_wait3A_786 = arith.constant 0 : i32
    %dma_wait3A_787 = tpu.memref_slice %arg4[%add3A_80, %dma_wait3A_785, %dma_wait3A_786] : memref<64x384x784xf32, #tpu.memory_space<hbm>> -> memref<1x32x784xf32, #tpu.memory_space<hbm>>
    %dma_wait3A_788 = tpu.memref_squeeze %dma_wait3A_787 : memref<1x32x784xf32, #tpu.memory_space<hbm>> -> memref<32x784xf32, #tpu.memory_space<hbm>>
    %dma_wait3A_789 = arith.constant 224 : i32
    %dma_wait3A_790 = arith.constant 0 : i32
    %dma_wait3A_791 = tpu.memref_slice %arg4[%add3A_80, %dma_wait3A_789, %dma_wait3A_790] : memref<64x384x784xf32, #tpu.memory_space<hbm>> -> memref<1x32x784xf32, #tpu.memory_space<hbm>>
    %dma_wait3A_792 = tpu.memref_squeeze %dma_wait3A_791 : memref<1x32x784xf32, #tpu.memory_space<hbm>> -> memref<32x784xf32, #tpu.memory_space<hbm>>
    tpu.wait_dma2 semaphore(%arg13 : memref<!tpu.dma_semaphore, #tpu.memory_space<semaphore_mem>>) src(%arg7 : memref<32x784xf32, #tpu.memory_space<vmem>>) dst(%dma_wait3A_792 : memref<32x784xf32, #tpu.memory_space<hbm>>)
    %dma_start3A_793 = arith.constant 320 : i32
    %dma_start3A_794 = tpu.memref_slice %arg5[%dma_start3A_793] : memref<384xi32, #tpu.memory_space<vmem>> -> memref<32xi32, #tpu.memory_space<vmem>>
    %dma_start3A_795 = arith.constant 0 : i32
    %dma_start3A_796 = arith.constant 0 : i32
    %dma_start3A_797 = tpu.memref_slice %arg2[%add3A_92, %dma_start3A_795, %dma_start3A_796] : memref<64x384x784xf32, #tpu.memory_space<hbm>> -> memref<1x384x784xf32, #tpu.memory_space<hbm>>
    %dma_start3A_798 = tpu.memref_squeeze %dma_start3A_797 : memref<1x384x784xf32, #tpu.memory_space<hbm>> -> memref<384x784xf32, #tpu.memory_space<hbm>>
    %dma_start3A_799 = arith.constant 0 : i32
    %dma_start3A_800 = arith.constant 0 : i32
    %dma_start3A_801 = tpu.memref_slice %dma_start3A_798[%dma_start3A_799, %dma_start3A_800] : memref<384x784xf32, #tpu.memory_space<hbm>> -> memref<384x784xf32, #tpu.memory_space<hbm>>
    tpu.enqueue_indirect_dma source(%dma_start3A_801 : memref<384x784xf32, #tpu.memory_space<hbm>>) target(%arg7 : memref<32x784xf32, #tpu.memory_space<vmem>>) offsets(%dma_start3A_794 : memref<32xi32, #tpu.memory_space<vmem>>) semaphore(%arg10 : memref<!tpu.dma_semaphore, #tpu.memory_space<semaphore_mem>>)
    %dma_wait3A_802 = arith.constant 256 : i32
    %dma_wait3A_803 = tpu.memref_slice %arg5[%dma_wait3A_802] : memref<384xi32, #tpu.memory_space<vmem>> -> memref<32xi32, #tpu.memory_space<vmem>>
    %dma_wait3A_804 = arith.constant 0 : i32
    %dma_wait3A_805 = arith.constant 0 : i32
    %dma_wait3A_806 = tpu.memref_slice %arg2[%add3A_84, %dma_wait3A_804, %dma_wait3A_805] : memref<64x384x784xf32, #tpu.memory_space<hbm>> -> memref<1x384x784xf32, #tpu.memory_space<hbm>>
    %dma_wait3A_807 = tpu.memref_squeeze %dma_wait3A_806 : memref<1x384x784xf32, #tpu.memory_space<hbm>> -> memref<384x784xf32, #tpu.memory_space<hbm>>
    %dma_wait3A_808 = arith.constant 0 : i32
    %dma_wait3A_809 = arith.constant 0 : i32
    %dma_wait3A_810 = tpu.memref_slice %dma_wait3A_807[%dma_wait3A_808, %dma_wait3A_809] : memref<384x784xf32, #tpu.memory_space<hbm>> -> memref<384x784xf32, #tpu.memory_space<hbm>>
    tpu.wait_indirect_dma semaphore(%arg11 : memref<!tpu.dma_semaphore, #tpu.memory_space<semaphore_mem>>) src(%dma_wait3A_810 : memref<384x784xf32, #tpu.memory_space<hbm>>) dst(%arg8 : memref<32x784xf32, #tpu.memory_space<vmem>>)
    %dma_start3A_811 = arith.constant 256 : i32
    %dma_start3A_812 = arith.constant 0 : i32
    %dma_start3A_813 = tpu.memref_slice %arg4[%add3A_84, %dma_start3A_811, %dma_start3A_812] : memref<64x384x784xf32, #tpu.memory_space<hbm>> -> memref<1x32x784xf32, #tpu.memory_space<hbm>>
    %dma_start3A_814 = tpu.memref_squeeze %dma_start3A_813 : memref<1x32x784xf32, #tpu.memory_space<hbm>> -> memref<32x784xf32, #tpu.memory_space<hbm>>
    %dma_start3A_815 = arith.constant 256 : i32
    %dma_start3A_816 = arith.constant 0 : i32
    %dma_start3A_817 = tpu.memref_slice %arg4[%add3A_84, %dma_start3A_815, %dma_start3A_816] : memref<64x384x784xf32, #tpu.memory_space<hbm>> -> memref<1x32x784xf32, #tpu.memory_space<hbm>>
    %dma_start3A_818 = tpu.memref_squeeze %dma_start3A_817 : memref<1x32x784xf32, #tpu.memory_space<hbm>> -> memref<32x784xf32, #tpu.memory_space<hbm>>
    tpu.enqueue_dma source(%arg8 : memref<32x784xf32, #tpu.memory_space<vmem>>) target(%dma_start3A_818 : memref<32x784xf32, #tpu.memory_space<hbm>>) target_semaphore(%arg14 : memref<!tpu.dma_semaphore, #tpu.memory_space<semaphore_mem>>)
    %dma_wait3A_819 = arith.constant 256 : i32
    %dma_wait3A_820 = arith.constant 0 : i32
    %dma_wait3A_821 = tpu.memref_slice %arg4[%add3A_84, %dma_wait3A_819, %dma_wait3A_820] : memref<64x384x784xf32, #tpu.memory_space<hbm>> -> memref<1x32x784xf32, #tpu.memory_space<hbm>>
    %dma_wait3A_822 = tpu.memref_squeeze %dma_wait3A_821 : memref<1x32x784xf32, #tpu.memory_space<hbm>> -> memref<32x784xf32, #tpu.memory_space<hbm>>
    %dma_wait3A_823 = arith.constant 256 : i32
    %dma_wait3A_824 = arith.constant 0 : i32
    %dma_wait3A_825 = tpu.memref_slice %arg4[%add3A_84, %dma_wait3A_823, %dma_wait3A_824] : memref<64x384x784xf32, #tpu.memory_space<hbm>> -> memref<1x32x784xf32, #tpu.memory_space<hbm>>
    %dma_wait3A_826 = tpu.memref_squeeze %dma_wait3A_825 : memref<1x32x784xf32, #tpu.memory_space<hbm>> -> memref<32x784xf32, #tpu.memory_space<hbm>>
    tpu.wait_dma2 semaphore(%arg14 : memref<!tpu.dma_semaphore, #tpu.memory_space<semaphore_mem>>) src(%arg8 : memref<32x784xf32, #tpu.memory_space<vmem>>) dst(%dma_wait3A_826 : memref<32x784xf32, #tpu.memory_space<hbm>>)
    %dma_start3A_827 = arith.constant 352 : i32
    %dma_start3A_828 = tpu.memref_slice %arg5[%dma_start3A_827] : memref<384xi32, #tpu.memory_space<vmem>> -> memref<32xi32, #tpu.memory_space<vmem>>
    %dma_start3A_829 = arith.constant 0 : i32
    %dma_start3A_830 = arith.constant 0 : i32
    %dma_start3A_831 = tpu.memref_slice %arg2[%add3A_96, %dma_start3A_829, %dma_start3A_830] : memref<64x384x784xf32, #tpu.memory_space<hbm>> -> memref<1x384x784xf32, #tpu.memory_space<hbm>>
    %dma_start3A_832 = tpu.memref_squeeze %dma_start3A_831 : memref<1x384x784xf32, #tpu.memory_space<hbm>> -> memref<384x784xf32, #tpu.memory_space<hbm>>
    %dma_start3A_833 = arith.constant 0 : i32
    %dma_start3A_834 = arith.constant 0 : i32
    %dma_start3A_835 = tpu.memref_slice %dma_start3A_832[%dma_start3A_833, %dma_start3A_834] : memref<384x784xf32, #tpu.memory_space<hbm>> -> memref<384x784xf32, #tpu.memory_space<hbm>>
    tpu.enqueue_indirect_dma source(%dma_start3A_835 : memref<384x784xf32, #tpu.memory_space<hbm>>) target(%arg8 : memref<32x784xf32, #tpu.memory_space<vmem>>) offsets(%dma_start3A_828 : memref<32xi32, #tpu.memory_space<vmem>>) semaphore(%arg11 : memref<!tpu.dma_semaphore, #tpu.memory_space<semaphore_mem>>)
    %dma_wait3A_836 = arith.constant 288 : i32
    %dma_wait3A_837 = tpu.memref_slice %arg5[%dma_wait3A_836] : memref<384xi32, #tpu.memory_space<vmem>> -> memref<32xi32, #tpu.memory_space<vmem>>
    %dma_wait3A_838 = arith.constant 0 : i32
    %dma_wait3A_839 = arith.constant 0 : i32
    %dma_wait3A_840 = tpu.memref_slice %arg2[%add3A_88, %dma_wait3A_838, %dma_wait3A_839] : memref<64x384x784xf32, #tpu.memory_space<hbm>> -> memref<1x384x784xf32, #tpu.memory_space<hbm>>
    %dma_wait3A_841 = tpu.memref_squeeze %dma_wait3A_840 : memref<1x384x784xf32, #tpu.memory_space<hbm>> -> memref<384x784xf32, #tpu.memory_space<hbm>>
    %dma_wait3A_842 = arith.constant 0 : i32
    %dma_wait3A_843 = arith.constant 0 : i32
    %dma_wait3A_844 = tpu.memref_slice %dma_wait3A_841[%dma_wait3A_842, %dma_wait3A_843] : memref<384x784xf32, #tpu.memory_space<hbm>> -> memref<384x784xf32, #tpu.memory_space<hbm>>
    tpu.wait_indirect_dma semaphore(%arg9 : memref<!tpu.dma_semaphore, #tpu.memory_space<semaphore_mem>>) src(%dma_wait3A_844 : memref<384x784xf32, #tpu.memory_space<hbm>>) dst(%arg6 : memref<32x784xf32, #tpu.memory_space<vmem>>)
    %dma_start3A_845 = arith.constant 288 : i32
    %dma_start3A_846 = arith.constant 0 : i32
    %dma_start3A_847 = tpu.memref_slice %arg4[%add3A_88, %dma_start3A_845, %dma_start3A_846] : memref<64x384x784xf32, #tpu.memory_space<hbm>> -> memref<1x32x784xf32, #tpu.memory_space<hbm>>
    %dma_start3A_848 = tpu.memref_squeeze %dma_start3A_847 : memref<1x32x784xf32, #tpu.memory_space<hbm>> -> memref<32x784xf32, #tpu.memory_space<hbm>>
    %dma_start3A_849 = arith.constant 288 : i32
    %dma_start3A_850 = arith.constant 0 : i32
    %dma_start3A_851 = tpu.memref_slice %arg4[%add3A_88, %dma_start3A_849, %dma_start3A_850] : memref<64x384x784xf32, #tpu.memory_space<hbm>> -> memref<1x32x784xf32, #tpu.memory_space<hbm>>
    %dma_start3A_852 = tpu.memref_squeeze %dma_start3A_851 : memref<1x32x784xf32, #tpu.memory_space<hbm>> -> memref<32x784xf32, #tpu.memory_space<hbm>>
    tpu.enqueue_dma source(%arg6 : memref<32x784xf32, #tpu.memory_space<vmem>>) target(%dma_start3A_852 : memref<32x784xf32, #tpu.memory_space<hbm>>) target_semaphore(%arg12 : memref<!tpu.dma_semaphore, #tpu.memory_space<semaphore_mem>>)
    %dma_wait3A_853 = arith.constant 320 : i32
    %dma_wait3A_854 = tpu.memref_slice %arg5[%dma_wait3A_853] : memref<384xi32, #tpu.memory_space<vmem>> -> memref<32xi32, #tpu.memory_space<vmem>>
    %dma_wait3A_855 = arith.constant 0 : i32
    %dma_wait3A_856 = arith.constant 0 : i32
    %dma_wait3A_857 = tpu.memref_slice %arg2[%add3A_92, %dma_wait3A_855, %dma_wait3A_856] : memref<64x384x784xf32, #tpu.memory_space<hbm>> -> memref<1x384x784xf32, #tpu.memory_space<hbm>>
    %dma_wait3A_858 = tpu.memref_squeeze %dma_wait3A_857 : memref<1x384x784xf32, #tpu.memory_space<hbm>> -> memref<384x784xf32, #tpu.memory_space<hbm>>
    %dma_wait3A_859 = arith.constant 0 : i32
    %dma_wait3A_860 = arith.constant 0 : i32
    %dma_wait3A_861 = tpu.memref_slice %dma_wait3A_858[%dma_wait3A_859, %dma_wait3A_860] : memref<384x784xf32, #tpu.memory_space<hbm>> -> memref<384x784xf32, #tpu.memory_space<hbm>>
    tpu.wait_indirect_dma semaphore(%arg10 : memref<!tpu.dma_semaphore, #tpu.memory_space<semaphore_mem>>) src(%dma_wait3A_861 : memref<384x784xf32, #tpu.memory_space<hbm>>) dst(%arg7 : memref<32x784xf32, #tpu.memory_space<vmem>>)
    %dma_start3A_862 = arith.constant 320 : i32
    %dma_start3A_863 = arith.constant 0 : i32
    %dma_start3A_864 = tpu.memref_slice %arg4[%add3A_92, %dma_start3A_862, %dma_start3A_863] : memref<64x384x784xf32, #tpu.memory_space<hbm>> -> memref<1x32x784xf32, #tpu.memory_space<hbm>>
    %dma_start3A_865 = tpu.memref_squeeze %dma_start3A_864 : memref<1x32x784xf32, #tpu.memory_space<hbm>> -> memref<32x784xf32, #tpu.memory_space<hbm>>
    %dma_start3A_866 = arith.constant 320 : i32
    %dma_start3A_867 = arith.constant 0 : i32
    %dma_start3A_868 = tpu.memref_slice %arg4[%add3A_92, %dma_start3A_866, %dma_start3A_867] : memref<64x384x784xf32, #tpu.memory_space<hbm>> -> memref<1x32x784xf32, #tpu.memory_space<hbm>>
    %dma_start3A_869 = tpu.memref_squeeze %dma_start3A_868 : memref<1x32x784xf32, #tpu.memory_space<hbm>> -> memref<32x784xf32, #tpu.memory_space<hbm>>
    tpu.enqueue_dma source(%arg7 : memref<32x784xf32, #tpu.memory_space<vmem>>) target(%dma_start3A_869 : memref<32x784xf32, #tpu.memory_space<hbm>>) target_semaphore(%arg13 : memref<!tpu.dma_semaphore, #tpu.memory_space<semaphore_mem>>)
    %dma_wait3A_870 = arith.constant 352 : i32
    %dma_wait3A_871 = tpu.memref_slice %arg5[%dma_wait3A_870] : memref<384xi32, #tpu.memory_space<vmem>> -> memref<32xi32, #tpu.memory_space<vmem>>
    %dma_wait3A_872 = arith.constant 0 : i32
    %dma_wait3A_873 = arith.constant 0 : i32
    %dma_wait3A_874 = tpu.memref_slice %arg2[%add3A_96, %dma_wait3A_872, %dma_wait3A_873] : memref<64x384x784xf32, #tpu.memory_space<hbm>> -> memref<1x384x784xf32, #tpu.memory_space<hbm>>
    %dma_wait3A_875 = tpu.memref_squeeze %dma_wait3A_874 : memref<1x384x784xf32, #tpu.memory_space<hbm>> -> memref<384x784xf32, #tpu.memory_space<hbm>>
    %dma_wait3A_876 = arith.constant 0 : i32
    %dma_wait3A_877 = arith.constant 0 : i32
    %dma_wait3A_878 = tpu.memref_slice %dma_wait3A_875[%dma_wait3A_876, %dma_wait3A_877] : memref<384x784xf32, #tpu.memory_space<hbm>> -> memref<384x784xf32, #tpu.memory_space<hbm>>
    tpu.wait_indirect_dma semaphore(%arg11 : memref<!tpu.dma_semaphore, #tpu.memory_space<semaphore_mem>>) src(%dma_wait3A_878 : memref<384x784xf32, #tpu.memory_space<hbm>>) dst(%arg8 : memref<32x784xf32, #tpu.memory_space<vmem>>)
    %dma_start3A_879 = arith.constant 352 : i32
    %dma_start3A_880 = arith.constant 0 : i32
    %dma_start3A_881 = tpu.memref_slice %arg4[%add3A_96, %dma_start3A_879, %dma_start3A_880] : memref<64x384x784xf32, #tpu.memory_space<hbm>> -> memref<1x32x784xf32, #tpu.memory_space<hbm>>
    %dma_start3A_882 = tpu.memref_squeeze %dma_start3A_881 : memref<1x32x784xf32, #tpu.memory_space<hbm>> -> memref<32x784xf32, #tpu.memory_space<hbm>>
    %dma_start3A_883 = arith.constant 352 : i32
    %dma_start3A_884 = arith.constant 0 : i32
    %dma_start3A_885 = tpu.memref_slice %arg4[%add3A_96, %dma_start3A_883, %dma_start3A_884] : memref<64x384x784xf32, #tpu.memory_space<hbm>> -> memref<1x32x784xf32, #tpu.memory_space<hbm>>
    %dma_start3A_886 = tpu.memref_squeeze %dma_start3A_885 : memref<1x32x784xf32, #tpu.memory_space<hbm>> -> memref<32x784xf32, #tpu.memory_space<hbm>>
    tpu.enqueue_dma source(%arg8 : memref<32x784xf32, #tpu.memory_space<vmem>>) target(%dma_start3A_886 : memref<32x784xf32, #tpu.memory_space<hbm>>) target_semaphore(%arg14 : memref<!tpu.dma_semaphore, #tpu.memory_space<semaphore_mem>>)
    %dma_wait3A_887 = arith.constant 288 : i32
    %dma_wait3A_888 = arith.constant 0 : i32
    %dma_wait3A_889 = tpu.memref_slice %arg4[%add3A_88, %dma_wait3A_887, %dma_wait3A_888] : memref<64x384x784xf32, #tpu.memory_space<hbm>> -> memref<1x32x784xf32, #tpu.memory_space<hbm>>
    %dma_wait3A_890 = tpu.memref_squeeze %dma_wait3A_889 : memref<1x32x784xf32, #tpu.memory_space<hbm>> -> memref<32x784xf32, #tpu.memory_space<hbm>>
    %dma_wait3A_891 = arith.constant 288 : i32
    %dma_wait3A_892 = arith.constant 0 : i32
    %dma_wait3A_893 = tpu.memref_slice %arg4[%add3A_88, %dma_wait3A_891, %dma_wait3A_892] : memref<64x384x784xf32, #tpu.memory_space<hbm>> -> memref<1x32x784xf32, #tpu.memory_space<hbm>>
    %dma_wait3A_894 = tpu.memref_squeeze %dma_wait3A_893 : memref<1x32x784xf32, #tpu.memory_space<hbm>> -> memref<32x784xf32, #tpu.memory_space<hbm>>
    tpu.wait_dma2 semaphore(%arg12 : memref<!tpu.dma_semaphore, #tpu.memory_space<semaphore_mem>>) src(%arg6 : memref<32x784xf32, #tpu.memory_space<vmem>>) dst(%dma_wait3A_894 : memref<32x784xf32, #tpu.memory_space<hbm>>)
    %dma_wait3A_895 = arith.constant 320 : i32
    %dma_wait3A_896 = arith.constant 0 : i32
    %dma_wait3A_897 = tpu.memref_slice %arg4[%add3A_92, %dma_wait3A_895, %dma_wait3A_896] : memref<64x384x784xf32, #tpu.memory_space<hbm>> -> memref<1x32x784xf32, #tpu.memory_space<hbm>>
    %dma_wait3A_898 = tpu.memref_squeeze %dma_wait3A_897 : memref<1x32x784xf32, #tpu.memory_space<hbm>> -> memref<32x784xf32, #tpu.memory_space<hbm>>
    %dma_wait3A_899 = arith.constant 320 : i32
    %dma_wait3A_900 = arith.constant 0 : i32
    %dma_wait3A_901 = tpu.memref_slice %arg4[%add3A_92, %dma_wait3A_899, %dma_wait3A_900] : memref<64x384x784xf32, #tpu.memory_space<hbm>> -> memref<1x32x784xf32, #tpu.memory_space<hbm>>
    %dma_wait3A_902 = tpu.memref_squeeze %dma_wait3A_901 : memref<1x32x784xf32, #tpu.memory_space<hbm>> -> memref<32x784xf32, #tpu.memory_space<hbm>>
    tpu.wait_dma2 semaphore(%arg13 : memref<!tpu.dma_semaphore, #tpu.memory_space<semaphore_mem>>) src(%arg7 : memref<32x784xf32, #tpu.memory_space<vmem>>) dst(%dma_wait3A_902 : memref<32x784xf32, #tpu.memory_space<hbm>>)
    %dma_wait3A_903 = arith.constant 352 : i32
    %dma_wait3A_904 = arith.constant 0 : i32
    %dma_wait3A_905 = tpu.memref_slice %arg4[%add3A_96, %dma_wait3A_903, %dma_wait3A_904] : memref<64x384x784xf32, #tpu.memory_space<hbm>> -> memref<1x32x784xf32, #tpu.memory_space<hbm>>
    %dma_wait3A_906 = tpu.memref_squeeze %dma_wait3A_905 : memref<1x32x784xf32, #tpu.memory_space<hbm>> -> memref<32x784xf32, #tpu.memory_space<hbm>>
    %dma_wait3A_907 = arith.constant 352 : i32
    %dma_wait3A_908 = arith.constant 0 : i32
    %dma_wait3A_909 = tpu.memref_slice %arg4[%add3A_96, %dma_wait3A_907, %dma_wait3A_908] : memref<64x384x784xf32, #tpu.memory_space<hbm>> -> memref<1x32x784xf32, #tpu.memory_space<hbm>>
    %dma_wait3A_910 = tpu.memref_squeeze %dma_wait3A_909 : memref<1x32x784xf32, #tpu.memory_space<hbm>> -> memref<32x784xf32, #tpu.memory_space<hbm>>
    tpu.wait_dma2 semaphore(%arg14 : memref<!tpu.dma_semaphore, #tpu.memory_space<semaphore_mem>>) src(%arg8 : memref<32x784xf32, #tpu.memory_space<vmem>>) dst(%dma_wait3A_910 : memref<32x784xf32, #tpu.memory_space<hbm>>)
    return
  }
}

</mosaic_0001>

<sc_bundles>
// kernel: _permute.3.cloned.1.call-start
scs
__scs_entry_jumppad:
0x0: {  	(pc) =	sbr.rel $0x88, $3  }
0x1: {  	(tag) =	ssettag $0x0;
	lr =	simm.s32 $0x1  }
0x2: {  	[smem:$0x3F9F] =	sst lr;
	_ =	strace $0xD0000000  }
0x3: {  	_ = 	snop  }
0x4: {  	_ = 	snop  }
0x5: {  	_ = 	snop  }
0x6: {  	_ = 	snop  }
0x7: {  	_ = 	snop  }
__scs_overlays_trampoline_lowered:
0x8: {  	[smem:$0x3FAE] =	sst s0  }
0x9: {  	[smem:$0x3FAF] =	sst s1  }
0xa: {  	[smem:$0x3FB0] =	sst s2  }
0xb: {  	[smem:$0x3FB1] =	sst s3  }
0xc: {  	[smem:$0x3FB2] =	sst s4  }
0xd: {  	[smem:$0x3FB3] =	sst s5  }
0xe: {  	[smem:$0x3FB4] =	sst s6  }
0xf: {  	[smem:$0x3FB5] =	sst s7  }
0x10: {  	[smem:$0x3FB6] =	sst s8  }
0x11: {  	[smem:$0x3FB7] =	sst s9;
	s0 =	simm.s32 @!p0 $0x0  }
0x12: {  	s1 =	sld [smem:$0x3F9D];
	s0 =	simm.s32 @p0 $0x1  }
0x13: {  	[smem:$0x3FB8] =	sst s0;
	s0 =	simm.s32 @!p1 $0x0  }
0x14: {  	s2 =	sld [smem:$0x3F9C];
	s0 =	simm.s32 @p1 $0x1  }
0x15: {  	[smem:$0x3FB9] =	sst s0;
	s0 =	simm.s32 @!p2 $0x0  }
0x16: {  	s3 =	sld [smem:$0x3FDB];
	s0 =	simm.s32 @p2 $0x1  }
0x17: {  	s4 =	simm.s32 $0x1BF5;
	[smem:$0x3FBB] =	sst s0  }
0x18: {  	s0 =	sld [smem:$0x3F9E];
	_ =	swait.ge [sflag:s4], $0x0  }
0x19: {  	s7 =	sld [smem:$0x3F9F]  }
0x1a: {  	s8 =	sadd.s32 $0xFFFFE003, lr  }
0x1b: {  	s9 =	sadd.s32 $0xFFFFFEF7, lr;
	s5 =	simm.s32 $0xFFFFFFFF;
	p2 =	slt.u32 s8, $0xFFFFF086  }
0x1c: {  	p1 =	slt.u32 s9, $0xF7A;
	s5 =	simm.s32 @!p2 $0x0  }
0x1d: {  	s5 =	simm.s32 @p1 $0x1;
	p0 =	seq.s32 s7, s2  }
0x1e: {  	s7 =	smul.u32 @!p0 $0xF7A, s2;
	p2 =	seq.s32 @!p0 s5, $0x0  }
0x1f: {  	s9 =	smul.u32 $0xF7A, s1;
	s8 =	simm.s32 @!p0 $0x1BF5;
	p2 =	por !p2, p0  }
0x20: {  	[sflag:s8] =	ssyncset.s32 @!p0 $0xFFFFF086;
	s6 =	sadd.s32 @!p0 s3, s7;
	s7 =	simm.s32 @!p0 $0x108  }
0x21: {  	s3 =	sadd.s32 s3, s9;
	s6 =	sadd.s32 @!p0 $0x88, s6;
	s7 =	simm.s32 @p2 $0x1082  }
0x22: {  	[simem:s7], [sflag:s8] =	dma.local @!p0 [hbm:s6], $0xF7A  }
0x23: {  	s9 =	sor.u32 $0xD0000000, s2;
	s6 =	simm.s32 $0x108;
	_ =	swait.ge @!p0 [sflag:s8], $0x0  }
0x24: {  	s3 =	sadd.s32 $0x88, s3;
	s6 =	simm.s32 @!p1 $0x1082;
	[sflag:s4] =	ssyncset.s32 $0xFFFFF086  }
0x25: {  	[simem:s6], [sflag:s4] =	dma.local [hbm:s3], $0xF7A  }
0x26: {  	[smem:$0x3F9F] =	sst s1;
	(tag) =	ssettag s2;
	_ =	strace s9  }
0x27: {  	s1 =	sld [smem:$0x3FAF]  }
0x28: {  	s2 =	sld [smem:$0x3FB0]  }
0x29: {  	s4 =	sld [smem:$0x3FB2]  }
0x2a: {  	p0 =	seq.s32 s5, $0x0;
	s5 =	sld [smem:$0x3FB3]  }
0x2b: {  	s6 =	sld [smem:$0x3FB4]  }
0x2c: {  	s7 =	sld [smem:$0x3FB5]  }
0x2d: {  	s3 =	simm.s32 $0x108;
	s8 =	sld [smem:$0x3FB6]  }
0x2e: {  	s3 =	simm.s32 @!p0 $0x1082;
	s9 =	sld [smem:$0x3FB7]  }
0x2f: {  	lr =	sadd.s32 s0, s3;
	s0 =	sld [smem:$0x3FAE]  }
0x30: {  	s3 =	sld [smem:$0x3FB1]  }
0x31: {  	[smem:$0x3FBA] =	sst s10  }
0x32: {  	s10 =	sld [smem:$0x3FB8];
	_ =	sdelay $0x3  }
0x33: {  	p0 =	seq.s32 s10, $0x1;
	s10 =	sld [smem:$0x3FBA];
	_ =	sdelay $0x3  }
0x34: {  	[smem:$0x3FBA] =	sst s10  }
0x35: {  	s10 =	sld [smem:$0x3FB9];
	_ =	sdelay $0x3  }
0x36: {  	p1 =	seq.s32 s10, $0x1;
	s10 =	sld [smem:$0x3FBA];
	_ =	sdelay $0x3  }
0x37: {  	[smem:$0x3FBA] =	sst s10  }
0x38: {  	s10 =	sld [smem:$0x3FBB]  }
0x39: {  	_ = 	snop;
	(pc) =	sbr.ind lr, $3  }
0x3a: {  	_ = 	snop  }
0x3b: {  	_ = 	snop  }
0x3c: {  	p2 =	seq.s32 s10, $0x1;
	s10 =	sld [smem:$0x3FBA]  }
0x3d: {  	_ =	shalt  }
0x3e: {  	_ =	shalt  }
0x3f: {  	_ =	shalt  }
0x40: {  	_ =	shalt  }
0x41: {  	_ =	shalt  }
0x42: {  	_ =	shalt  }
0x43: {  	_ =	shalt  }
0x44: {  	_ =	shalt  }
0x45: {  	_ =	shalt  }
0x46: {  	_ =	shalt  }
0x47: {  	_ =	shalt  }
0x48: {  	_ =	shalt  }
0x49: {  	_ =	shalt  }
0x4a: {  	_ =	shalt  }
0x4b: {  	_ =	shalt  }
0x4c: {  	_ =	shalt  }
0x4d: {  	_ =	shalt  }
0x4e: {  	_ =	shalt  }
0x4f: {  	_ =	shalt  }
0x50: {  	_ =	shalt  }
0x51: {  	_ =	shalt  }
0x52: {  	_ =	shalt  }
0x53: {  	_ =	shalt  }
0x54: {  	_ =	shalt  }
0x55: {  	_ =	shalt  }
0x56: {  	_ =	shalt  }
0x57: {  	_ =	shalt  }
0x58: {  	_ =	shalt  }
0x59: {  	_ =	shalt  }
0x5a: {  	_ =	shalt  }
0x5b: {  	_ =	shalt  }
0x5c: {  	_ =	shalt  }
0x5d: {  	_ =	shalt  }
0x5e: {  	_ =	shalt  }
0x5f: {  	_ =	shalt  }
0x60: {  	_ =	shalt  }
0x61: {  	_ =	shalt  }
0x62: {  	_ =	shalt  }
0x63: {  	_ =	shalt  }
0x64: {  	_ =	shalt  }
0x65: {  	_ =	shalt  }
0x66: {  	_ =	shalt  }
0x67: {  	_ =	shalt  }
0x68: {  	_ =	shalt  }
0x69: {  	_ =	shalt  }
0x6a: {  	_ =	shalt  }
0x6b: {  	_ =	shalt  }
0x6c: {  	_ =	shalt  }
0x6d: {  	_ =	shalt  }
0x6e: {  	_ =	shalt  }
0x6f: {  	_ =	shalt  }
0x70: {  	_ =	shalt  }
0x71: {  	_ =	shalt  }
0x72: {  	_ =	shalt  }
0x73: {  	_ =	shalt  }
0x74: {  	_ =	shalt  }
0x75: {  	_ =	shalt  }
0x76: {  	_ =	shalt  }
0x77: {  	_ =	shalt  }
0x78: {  	_ =	shalt  }
0x79: {  	_ =	shalt  }
0x7a: {  	_ =	shalt  }
0x7b: {  	_ =	shalt  }
0x7c: {  	_ =	shalt  }
0x7d: {  	_ =	shalt  }
0x7e: {  	_ =	shalt  }
0x7f: {  	_ =	shalt  }
0x80: {  	_ =	shalt  }
0x81: {  	_ =	shalt  }
0x82: {  	_ =	shalt  }
0x83: {  	_ =	shalt  }
0x84: {  	_ =	shalt  }
0x85: {  	_ =	shalt  }
0x86: {  	_ =	shalt  }
0x87: {  	_ =	shalt  }
.Lfunc_end0:
.L_simem_size_0:
called_computation.2_lowered:
.L_overlay_start_0:
0x88: {  	s2 =	sld [smem:$0x3FD9]  }
0x89: {  	s3 =	sld [smem:$0x3FFE];
	_ =	sdelay $0x1  }
0x8a: {  	s1 =	srdreg.scid  }
0x8b: {  	s0 =	sand.u32 $0x1, s1  }
0x8c: {  	s17 =	sshll.u32 s0, $0xA;
	s2 =	sadd.s32 s3, s2  }
0x8d: {  	s2 =	sadd.s32 s2, s17  }
0x8e: {  	[smem:$0x3FC6] =	sst s2  }
0x8f: {  	_ = 	snop  }
0x90: {  	s2 =	sld [smem:$0x3FC8]  }
0x91: {  	s18 =	sld [smem:$0x3FD0];
	(tm) =	ssettm $0x1  }
0x92: {  	s4 =	sld [smem:$0x3FFB];
	_ =	sdelay $0x3  }
0x93: {  	_ =	strace s4  }
0x94: {  	s4 =	sld [smem:$0x3FFC];
	_ =	sdelay $0x3  }
0x95: {  	_ =	strace s4  }
0x96: {  	s4 =	sld [smem:$0x3FFD];
	_ =	sdelay $0x3  }
0x97: {  	_ =	strace s4  }
0x98: {  	_ =	strace $0x8FFFFFFF  }
0x99: {  	s19 =	sld [smem:$0x3FDB];
	_ =	sdelay $0x1  }
0x9a: {  	s5 =	simm.s32 $_scs_section_size  }
0x9b: {  	s6 =	simm.s32 $_size__tile_overlayer_lowered;
	s7 =	simm.s32 $_tile_overlayer_lowered  }
0x9c: {  	s22 =	simm.s32 $0x1BFF;
	s21 =	sshll.u32 s7, $0x1;
	s4 =	sadd.s32 s5, s19  }
0x9d: {  	s8 =	simm.s32 $0x0;
	s20 =	sshll.u32 s6, $0x1;
	s6 =	sadd.s32 s21, s4  }
0x9e: {  	[timem:s8], [sflag:s22] =	dma.local [hbm:s6], s20  }
0x9f: {  	_ =	swait.ge [sflag:s22], s20  }
0xa0: {  	s5 =	ssub.s32 $0x0, s20;
	[sflag:s22] =	ssyncset.done $0x0  }
0xa1: {  	[sflag:s22] =	ssyncadd.s32 s5;
	_ =	sdelay $0x1  }
0xa2: {  	s23 =	simm.s32 $0x1B8B  }
0xa3: {  	_ =	swait.ge [sflag:s23], $0x1  }
0xa4: {  	[sflag:s23] =	ssyncset.done $0x0  }
0xa5: {  	s25 =	simm.s32 $0x1B8E;
	s24 =	sld [smem:$0x3FFE];
	[sflag:s23] =	ssyncadd.s32 $0xFFFFFFFF  }
0xa6: {  	s26 =	simm.s32 $execute0_lowered;
	[smem:$0x3FD2] =	sst s25  }
0xa7: {  	s6 =	sshll.u32 s26, $0x1;
	_ =	strace $0x80000049;
	[dreg:$0x1] =	wrdreg $0xFFFFFFFF  }
0xa8: {  	s28 =	simm.s32 $_size_execute0_lowered;
	s4 =	sadd.s32 s4, s6;
	[dreg:$0x0] =	wrdreg $0x0  }
0xa9: {  	s6 =	sshll.u32 s28, $0x1;
	[dreg:$0x2] =	wrdreg s4  }
0xaa: {  	[dreg:$0x3] =	wrdreg s6  }
0xab: {  	[dreg:$0x4] =	wrdreg $0xC0  }
0xac: {  	_ =	task [dreg:s8], $0x5FFFF  }
0xad: {  	[dreg:$0x1] =	wrdreg $0xFFFFFFFF  }
0xae: {  	[dreg:$0x0] =	wrdreg $0x60  }
0xaf: {  	[dreg:$0x2] =	wrdreg s18  }
0xb0: {  	[dreg:$0x3] =	wrdreg s2  }
0xb1: {  	[dreg:$0x4] =	wrdreg s24  }
0xb2: {  	[dreg:$0x5] =	wrdreg $0x9  }
0xb3: {  	_ =	task.clear_ibuf [dreg:s8], $0x6FFFF;
	_ =	strace $0x90000049  }
0xb4: {  	s29 =	simm.s32 $0x9;
	_ =	strace $0x8000004B  }
0xb5: {  	_ =	swait.ge [sflag:s29], $0x1  }
0xb6: {  	[sflag:s29] =	ssyncadd.s32 $0xFFFFFFFF  }
0xb7: {  	_ =	strace $0x9000004B  }
0xb8: {  	_ =	sfence  }
0xb9: {  	s30 =	sld [smem:$0x0];
	_ =	sdelay $0x2  }
0xba: {  	s31 =	sshll.u32 s1, $0xD;
	s1 =	sshrl.u32 s1, $0x2  }
0xbb: {  	s3 =	sand.u32 $0x4000, s31;
	s1 =	sadd.s32 s1, s30  }
0xbc: {  	s0 =	sor.u32 s3, s0;
	s1 =	sshll.u32 s1, $0x11  }
0xbd: {  	s0 =	sor.u32 s1, s0  }
0xbe: {  	s0 =	sadd.s32 $0x8F2B, s0  }
0xbf: {  	[sflag:s0] =	ssyncadd.remote.s32 $0x1  }
0xc0: {  	_ =	sfence.sel $0xFFFF  }
0xc1: {  	[dreg:$0x0] =	wrdreg $0xFFFFFFFF;
	(pc) =	sbr.abs _section_cstart, $3  }
0xc2: {  	[dreg:$0x1] =	wrdreg $0xFFFFFFFF  }
0xc3: {  	_ =	task.clear_ibuf [dreg:s8], $0x2FFFF;
	_ =	strace $0x9FFFFFFF  }
0xc4: {  	(tm) =	ssettm $0x7FFFFFFF  }
0xc5: {  	_ =	shalt  }
tec
execute0_lowered:
.L_overlay_start_1:
0x0: {  	(tag) =	ssettag $0x1  }
0x1: {  	s0 =	srdreg.scid  }
0x2: {  	s3 =	stileid.u32;
	s0 =	sand.u32 $0x1, s0  }
0x3: {  	s3 =	sshll.u32 s3, $0x2;
	s4 =	sshll.u32 s0, $0x1  }
0x4: {  	s7 =	sor.u32 s4, s3  }
0x5: {  	s1 =	rddreg [dreg:$0x0];
	s4 =	smul.u32 $0x49800, s7  }
0x6: {  	s8 =	rddreg [dreg:$0x2]  }
0x7: {  	s2 =	rddreg [dreg:$0x1];
	s3 =	sadd.s32 $0xC00, s8;
	s4 =	sshrl.u32 s4, $0x3  }
0x8: {  	[dreg:$0x4] =	wrdreg s2;
	s2 =	simm.s32 $0x0;
	s30 =	sadd.s32 s3, s4  }
0x9: {  	[smem:$0x7FF] =	sst s2;
	s5 =	sadd.s32 $0xC40, s30  }
0xa: {  	_ =	strace $0x8000004A;
	s9 =	sadd.s32 $0x1880, s30;
	[dreg:$0x5] =	wrdreg s5  }
0xb: {  	s10 =	sadd.s32 $0x24C0, s30;
	[dreg:$0x6] =	wrdreg s9  }
0xc: {  	s11 =	sadd.s32 $0x3100, s30;
	[dreg:$0x7] =	wrdreg s10  }
0xd: {  	s12 =	sadd.s32 $0x3D40, s30;
	[dreg:$0x8] =	wrdreg s11  }
0xe: {  	s31 =	simm.s32 $0x7;
	s13 =	sadd.s32 $0x4980, s30;
	[dreg:$0x9] =	wrdreg s12  }
0xf: {  	s28 =	simm.s32 $0x40;
	s14 =	sadd.s32 $0x55C0, s30;
	[dreg:$0xa] =	wrdreg s13  }
0x10: {  	p0 =	por $0x0, $0x0;
	s15 =	sadd.s32 $0x6200, s30;
	[dreg:$0xb] =	wrdreg s14  }
0x11: {  	s0 =	ssub.s32 $0x2, s0;
	s16 =	sadd.s32 $0x6E40, s30;
	[dreg:$0xc] =	wrdreg s15  }
0x12: {  	s24 =	sshrl.u32 s0, $0x1;
	s17 =	sadd.s32 $0x7A80, s30;
	[dreg:$0xd] =	wrdreg s16  }
0x13: {  	s6 =	sadd.s32 $0x9300, s4;
	s18 =	sadd.s32 $0x86C0, s30;
	[dreg:$0xe] =	wrdreg s17  }
0x14: {  	s8 =	simm.s32 $0x6;
	s3 =	sadd.s32 s3, s6;
	[dreg:$0xf] =	wrdreg s18  }
0x15: {  	s0 =	ssub.s32 s0, s24;
	s19 =	sadd.s32 $0x9F40, s30;
	[dreg:$0x10] =	wrdreg s3  }
0x16: {  	s7 =	simm.s32 $0x5;
	s20 =	sadd.s32 $0xAB80, s30;
	[dreg:$0x11] =	wrdreg s19  }
0x17: {  	s24 =	simm.s32 $0xA0;
	s21 =	sadd.s32 $0xB7C0, s30;
	[dreg:$0x12] =	wrdreg s20  }
0x18: {  	s0 =	smax.u32 s0, $0x1;
	s22 =	sadd.s32 $0xC400, s30;
	[dreg:$0x13] =	wrdreg s21  }
0x19: {  	p1 =	sne.s32 s0, $0x1;
	s23 =	sadd.s32 $0xD040, s30;
	[dreg:$0x14] =	wrdreg s22  }
0x1a: {  	s29 =	sadd.s32 s1, s4;
	s25 =	sadd.s32 $0xDC80, s30;
	[dreg:$0x15] =	wrdreg s23  }
0x1b: {  	s26 =	sadd.s32 $0xE8C0, s30;
	s4 =	sadd.s32 $0x10D80, s30;
	[dreg:$0x16] =	wrdreg s25  }
0x1c: {  	s9 =	sadd.s32 s1, s6;
	[dreg:$0x17] =	wrdreg s26;
	s13 =	sadd.s32 $0xF500, s30  }
0x1d: {  	s5 =	sadd.s32 $0x10140, s30;
	s3 =	sadd.s32 $0x119C0, s30;
	s14 =	simm.s32 $0x20  }
0x1e: {  	s12 =	simm.s32 $0x180;
	s11 =	simm.s32 $0x6380;
	s10 =	simm.s32 $0xC580  }
.Ltmp0:
0x1f: {  	s17 =	simm.s32 $0x1;
	s6 =	simm.s32 $0x4;
	(pc) =	sbr.rel @!p1 .LBB2_3-.Ltmp0, $4  }
0x20: {  	s26 =	simm.s32 $0x60;
	s16 =	simm.s32 $0x2;
	s25 =	simm.s32 $0x80  }
0x21: {  	s15 =	simm.s32 $0x3;
	s1 =	sadd.s32 $0xFFFFFFFF, s0;
	s23 =	simm.s32 $0xC0  }
0x22: {  	s22 =	simm.s32 $0xE0;
	s21 =	simm.s32 $0x100;
	s20 =	simm.s32 $0x120  }
0x23: {  	s19 =	simm.s32 $0x140;
	s18 =	simm.s32 $0x160;
	s0 =	rddreg [dreg:$0x4]  }
0x24: {  	[tilespmem:s2], [sflag:$0x7] =	stream.linear.gather [hbm4b:s0+s2], $0x180, $0x38;
	[tilespmem:$0x12780] =	vst v63  }
0x25: {  	_ =	swait.ge [sflag:s31], $0x180  }
0x26: {  	[sflag:s31] =	ssyncset.done $0x0  }
0x27: {  	[sflag:s31] =	ssyncadd.s32 $0xFFFFFE80  }
0x28: {  	[tilespmem:s12], [sflag:$0x1] =	stream.indirect.gather [hbm4b:s29+s14], $0x310, s2, s14, $0xb8;
	[tilespmem:$0x12780] =	vst v63  }
0x29: {  	_ = 	snop  }
0x2a: {  	[tilespmem:s11], [sflag:$0x2] =	stream.indirect.gather [hbm4b:s29+s14], $0x310, s14, s14, $0xb8;
	[tilespmem:$0x12780] =	vst v63  }
0x2b: {  	_ = 	snop  }
0x2c: {  	[tilespmem:s10], [sflag:$0x3] =	stream.indirect.gather [hbm4b:s29+s14], $0x310, s28, s14, $0xb8;
	[tilespmem:$0x12780] =	vst v63  }
0x2d: {  	_ =	swait.ge [sflag:s17], $0x6200  }
0x2e: {  	[sflag:s17] =	ssyncset.done $0x0  }
0x2f: {  	[sflag:s17] =	ssyncadd.s32 $0xFFFF9E00  }
0x30: {  	[hbm4b:s30+s2] =	stream.linear.scatter [tilespmem:s12], [sflag:$0x4], $0x6200, $0x38;
	[tilespmem:$0x12780] =	vst v63  }
0x31: {  	_ =	swait.ge [sflag:s6], $0x6200  }
0x32: {  	[sflag:s6] =	ssyncset.done $0x0  }
0x33: {  	[sflag:s6] =	ssyncadd.s32 $0xFFFF9E00  }
0x34: {  	[tilespmem:s12], [sflag:$0x1] =	stream.indirect.gather [hbm4b:s29+s14], $0x310, s26, s14, $0xb8;
	[tilespmem:$0x12780] =	vst v63  }
0x35: {  	_ =	swait.ge [sflag:s16], $0x6200  }
0x36: {  	[sflag:s16] =	ssyncset.done $0x0  }
0x37: {  	s0 =	rddreg [dreg:$0x5];
	[sflag:s16] =	ssyncadd.s32 $0xFFFF9E00  }
0x38: {  	[hbm4b:s0+s2] =	stream.linear.scatter [tilespmem:s11], [sflag:$0x5], $0x6200, $0x38;
	[tilespmem:$0x12780] =	vst v63  }
0x39: {  	_ =	swait.ge [sflag:s7], $0x6200  }
0x3a: {  	[sflag:s7] =	ssyncset.done $0x0  }
0x3b: {  	[sflag:s7] =	ssyncadd.s32 $0xFFFF9E00  }
0x3c: {  	[tilespmem:s11], [sflag:$0x2] =	stream.indirect.gather [hbm4b:s29+s14], $0x310, s25, s14, $0xb8;
	[tilespmem:$0x12780] =	vst v63  }
0x3d: {  	_ =	swait.ge [sflag:s15], $0x6200  }
0x3e: {  	[sflag:s15] =	ssyncset.done $0x0  }
0x3f: {  	s0 =	rddreg [dreg:$0x6];
	[sflag:s15] =	ssyncadd.s32 $0xFFFF9E00  }
0x40: {  	[hbm4b:s0+s2] =	stream.linear.scatter [tilespmem:s10], [sflag:$0x6], $0x6200, $0x38;
	[tilespmem:$0x12780] =	vst v63  }
0x41: {  	_ =	swait.ge [sflag:s8], $0x6200  }
0x42: {  	[sflag:s8] =	ssyncset.done $0x0  }
0x43: {  	[sflag:s8] =	ssyncadd.s32 $0xFFFF9E00  }
0x44: {  	[tilespmem:s10], [sflag:$0x3] =	stream.indirect.gather [hbm4b:s29+s14], $0x310, s24, s14, $0xb8;
	[tilespmem:$0x12780] =	vst v63  }
0x45: {  	_ =	swait.ge [sflag:s17], $0x6200  }
0x46: {  	[sflag:s17] =	ssyncset.done $0x0  }
0x47: {  	s0 =	rddreg [dreg:$0x7];
	[sflag:s17] =	ssyncadd.s32 $0xFFFF9E00  }
0x48: {  	[hbm4b:s0+s2] =	stream.linear.scatter [tilespmem:s12], [sflag:$0x4], $0x6200, $0x38;
	[tilespmem:$0x12780] =	vst v63  }
0x49: {  	_ =	swait.ge [sflag:s6], $0x6200  }
0x4a: {  	[sflag:s6] =	ssyncset.done $0x0  }
0x4b: {  	[sflag:s6] =	ssyncadd.s32 $0xFFFF9E00  }
0x4c: {  	[tilespmem:s12], [sflag:$0x1] =	stream.indirect.gather [hbm4b:s29+s14], $0x310, s23, s14, $0xb8;
	[tilespmem:$0x12780] =	vst v63  }
0x4d: {  	_ =	swait.ge [sflag:s16], $0x6200  }
0x4e: {  	[sflag:s16] =	ssyncset.done $0x0  }
0x4f: {  	s0 =	rddreg [dreg:$0x8];
	[sflag:s16] =	ssyncadd.s32 $0xFFFF9E00  }
0x50: {  	[hbm4b:s0+s2] =	stream.linear.scatter [tilespmem:s11], [sflag:$0x5], $0x6200, $0x38;
	[tilespmem:$0x12780] =	vst v63  }
0x51: {  	_ =	swait.ge [sflag:s7], $0x6200  }
0x52: {  	[sflag:s7] =	ssyncset.done $0x0  }
0x53: {  	[sflag:s7] =	ssyncadd.s32 $0xFFFF9E00  }
0x54: {  	[tilespmem:s11], [sflag:$0x2] =	stream.indirect.gather [hbm4b:s29+s14], $0x310, s22, s14, $0xb8;
	[tilespmem:$0x12780] =	vst v63  }
0x55: {  	_ =	swait.ge [sflag:s15], $0x6200  }
0x56: {  	[sflag:s15] =	ssyncset.done $0x0  }
0x57: {  	s0 =	rddreg [dreg:$0x9];
	[sflag:s15] =	ssyncadd.s32 $0xFFFF9E00  }
0x58: {  	[hbm4b:s0+s2] =	stream.linear.scatter [tilespmem:s10], [sflag:$0x6], $0x6200, $0x38;
	[tilespmem:$0x12780] =	vst v63  }
0x59: {  	_ =	swait.ge [sflag:s8], $0x6200  }
0x5a: {  	[sflag:s8] =	ssyncset.done $0x0  }
0x5b: {  	[sflag:s8] =	ssyncadd.s32 $0xFFFF9E00  }
0x5c: {  	[tilespmem:s10], [sflag:$0x3] =	stream.indirect.gather [hbm4b:s29+s14], $0x310, s21, s14, $0xb8;
	[tilespmem:$0x12780] =	vst v63  }
0x5d: {  	_ =	swait.ge [sflag:s17], $0x6200  }
0x5e: {  	[sflag:s17] =	ssyncset.done $0x0  }
0x5f: {  	s0 =	rddreg [dreg:$0xa];
	[sflag:s17] =	ssyncadd.s32 $0xFFFF9E00  }
0x60: {  	[hbm4b:s0+s2] =	stream.linear.scatter [tilespmem:s12], [sflag:$0x4], $0x6200, $0x38;
	[tilespmem:$0x12780] =	vst v63  }
0x61: {  	_ =	swait.ge [sflag:s6], $0x6200  }
0x62: {  	[sflag:s6] =	ssyncset.done $0x0  }
0x63: {  	[sflag:s6] =	ssyncadd.s32 $0xFFFF9E00  }
0x64: {  	[tilespmem:s12], [sflag:$0x1] =	stream.indirect.gather [hbm4b:s29+s14], $0x310, s20, s14, $0xb8;
	[tilespmem:$0x12780] =	vst v63  }
0x65: {  	_ =	swait.ge [sflag:s16], $0x6200  }
0x66: {  	[sflag:s16] =	ssyncset.done $0x0  }
0x67: {  	s0 =	rddreg [dreg:$0xb];
	[sflag:s16] =	ssyncadd.s32 $0xFFFF9E00  }
0x68: {  	[hbm4b:s0+s2] =	stream.linear.scatter [tilespmem:s11], [sflag:$0x5], $0x6200, $0x38;
	[tilespmem:$0x12780] =	vst v63  }
0x69: {  	_ =	swait.ge [sflag:s7], $0x6200  }
0x6a: {  	[sflag:s7] =	ssyncset.done $0x0  }
0x6b: {  	[sflag:s7] =	ssyncadd.s32 $0xFFFF9E00  }
0x6c: {  	[tilespmem:s11], [sflag:$0x2] =	stream.indirect.gather [hbm4b:s29+s14], $0x310, s19, s14, $0xb8;
	[tilespmem:$0x12780] =	vst v63  }
0x6d: {  	_ =	swait.ge [sflag:s15], $0x6200  }
0x6e: {  	[sflag:s15] =	ssyncset.done $0x0  }
0x6f: {  	s0 =	rddreg [dreg:$0xc];
	[sflag:s15] =	ssyncadd.s32 $0xFFFF9E00  }
0x70: {  	[hbm4b:s0+s2] =	stream.linear.scatter [tilespmem:s10], [sflag:$0x6], $0x6200, $0x38;
	[tilespmem:$0x12780] =	vst v63  }
0x71: {  	_ =	swait.ge [sflag:s8], $0x6200  }
0x72: {  	[sflag:s8] =	ssyncset.done $0x0  }
0x73: {  	[sflag:s8] =	ssyncadd.s32 $0xFFFF9E00  }
0x74: {  	[tilespmem:s10], [sflag:$0x3] =	stream.indirect.gather [hbm4b:s29+s14], $0x310, s18, s14, $0xb8;
	[tilespmem:$0x12780] =	vst v63  }
0x75: {  	_ =	swait.ge [sflag:s17], $0x6200  }
0x76: {  	[sflag:s17] =	ssyncset.done $0x0  }
0x77: {  	s0 =	rddreg [dreg:$0xd];
	[sflag:s17] =	ssyncadd.s32 $0xFFFF9E00  }
0x78: {  	[hbm4b:s0+s2] =	stream.linear.scatter [tilespmem:s12], [sflag:$0x4], $0x6200, $0x38;
	[tilespmem:$0x12780] =	vst v63  }
0x79: {  	_ =	swait.ge [sflag:s6], $0x6200  }
0x7a: {  	[sflag:s6] =	ssyncset.done $0x0  }
0x7b: {  	[sflag:s6] =	ssyncadd.s32 $0xFFFF9E00  }
0x7c: {  	[tilespmem:s12], [sflag:$0x1] =	stream.indirect.gather [hbm4b:s9+s14], $0x310, s2, s14, $0xb8;
	[tilespmem:$0x12780] =	vst v63  }
0x7d: {  	_ =	swait.ge [sflag:s16], $0x6200  }
0x7e: {  	[sflag:s16] =	ssyncset.done $0x0  }
0x7f: {  	s0 =	rddreg [dreg:$0xe];
	[sflag:s16] =	ssyncadd.s32 $0xFFFF9E00  }
0x80: {  	[hbm4b:s0+s2] =	stream.linear.scatter [tilespmem:s11], [sflag:$0x5], $0x6200, $0x38;
	[tilespmem:$0x12780] =	vst v63  }
0x81: {  	_ =	swait.ge [sflag:s7], $0x6200  }
0x82: {  	[sflag:s7] =	ssyncset.done $0x0  }
0x83: {  	[sflag:s7] =	ssyncadd.s32 $0xFFFF9E00  }
0x84: {  	[tilespmem:s11], [sflag:$0x2] =	stream.indirect.gather [hbm4b:s9+s14], $0x310, s14, s14, $0xb8;
	[tilespmem:$0x12780] =	vst v63  }
0x85: {  	_ =	swait.ge [sflag:s15], $0x6200  }
0x86: {  	[sflag:s15] =	ssyncset.done $0x0  }
0x87: {  	s0 =	rddreg [dreg:$0xf];
	[sflag:s15] =	ssyncadd.s32 $0xFFFF9E00  }
0x88: {  	[hbm4b:s0+s2] =	stream.linear.scatter [tilespmem:s10], [sflag:$0x6], $0x6200, $0x38;
	[tilespmem:$0x12780] =	vst v63  }
0x89: {  	_ =	swait.ge [sflag:s8], $0x6200  }
0x8a: {  	[sflag:s8] =	ssyncset.done $0x0  }
0x8b: {  	[sflag:s8] =	ssyncadd.s32 $0xFFFF9E00  }
0x8c: {  	[tilespmem:s10], [sflag:$0x3] =	stream.indirect.gather [hbm4b:s9+s14], $0x310, s28, s14, $0xb8;
	[tilespmem:$0x12780] =	vst v63  }
0x8d: {  	_ =	swait.ge [sflag:s17], $0x6200  }
0x8e: {  	[sflag:s17] =	ssyncset.done $0x0  }
0x8f: {  	s0 =	rddreg [dreg:$0x10];
	[sflag:s17] =	ssyncadd.s32 $0xFFFF9E00  }
0x90: {  	[hbm4b:s0+s2] =	stream.linear.scatter [tilespmem:s12], [sflag:$0x4], $0x6200, $0x38;
	[tilespmem:$0x12780] =	vst v63  }
0x91: {  	_ =	swait.ge [sflag:s6], $0x6200  }
0x92: {  	[sflag:s6] =	ssyncset.done $0x0  }
0x93: {  	[sflag:s6] =	ssyncadd.s32 $0xFFFF9E00  }
0x94: {  	[tilespmem:s12], [sflag:$0x1] =	stream.indirect.gather [hbm4b:s9+s14], $0x310, s26, s14, $0xb8;
	[tilespmem:$0x12780] =	vst v63  }
0x95: {  	_ =	swait.ge [sflag:s16], $0x6200  }
0x96: {  	[sflag:s16] =	ssyncset.done $0x0  }
0x97: {  	s0 =	rddreg [dreg:$0x11];
	[sflag:s16] =	ssyncadd.s32 $0xFFFF9E00  }
0x98: {  	[hbm4b:s0+s2] =	stream.linear.scatter [tilespmem:s11], [sflag:$0x5], $0x6200, $0x38;
	[tilespmem:$0x12780] =	vst v63  }
0x99: {  	_ =	swait.ge [sflag:s7], $0x6200  }
0x9a: {  	[sflag:s7] =	ssyncset.done $0x0  }
0x9b: {  	[sflag:s7] =	ssyncadd.s32 $0xFFFF9E00  }
0x9c: {  	[tilespmem:s11], [sflag:$0x2] =	stream.indirect.gather [hbm4b:s9+s14], $0x310, s25, s14, $0xb8;
	[tilespmem:$0x12780] =	vst v63  }
0x9d: {  	_ =	swait.ge [sflag:s15], $0x6200  }
0x9e: {  	[sflag:s15] =	ssyncset.done $0x0  }
0x9f: {  	s0 =	rddreg [dreg:$0x12];
	[sflag:s15] =	ssyncadd.s32 $0xFFFF9E00  }
0xa0: {  	[hbm4b:s0+s2] =	stream.linear.scatter [tilespmem:s10], [sflag:$0x6], $0x6200, $0x38;
	[tilespmem:$0x12780] =	vst v63  }
0xa1: {  	_ =	swait.ge [sflag:s8], $0x6200  }
0xa2: {  	[sflag:s8] =	ssyncset.done $0x0  }
0xa3: {  	[sflag:s8] =	ssyncadd.s32 $0xFFFF9E00  }
0xa4: {  	[tilespmem:s10], [sflag:$0x3] =	stream.indirect.gather [hbm4b:s9+s14], $0x310, s24, s14, $0xb8;
	[tilespmem:$0x12780] =	vst v63  }
0xa5: {  	_ =	swait.ge [sflag:s17], $0x6200  }
0xa6: {  	[sflag:s17] =	ssyncset.done $0x0  }
0xa7: {  	s0 =	rddreg [dreg:$0x13];
	[sflag:s17] =	ssyncadd.s32 $0xFFFF9E00  }
0xa8: {  	[hbm4b:s0+s2] =	stream.linear.scatter [tilespmem:s12], [sflag:$0x4], $0x6200, $0x38;
	[tilespmem:$0x12780] =	vst v63  }
0xa9: {  	_ =	swait.ge [sflag:s6], $0x6200  }
0xaa: {  	[sflag:s6] =	ssyncset.done $0x0  }
0xab: {  	[sflag:s6] =	ssyncadd.s32 $0xFFFF9E00  }
0xac: {  	[tilespmem:s12], [sflag:$0x1] =	stream.indirect.gather [hbm4b:s9+s14], $0x310, s23, s14, $0xb8;
	[tilespmem:$0x12780] =	vst v63  }
0xad: {  	_ =	swait.ge [sflag:s16], $0x6200  }
0xae: {  	[sflag:s16] =	ssyncset.done $0x0  }
0xaf: {  	s0 =	rddreg [dreg:$0x14];
	[sflag:s16] =	ssyncadd.s32 $0xFFFF9E00  }
0xb0: {  	[hbm4b:s0+s2] =	stream.linear.scatter [tilespmem:s11], [sflag:$0x5], $0x6200, $0x38;
	[tilespmem:$0x12780] =	vst v63  }
0xb1: {  	_ =	swait.ge [sflag:s7], $0x6200  }
0xb2: {  	[sflag:s7] =	ssyncset.done $0x0  }
0xb3: {  	[sflag:s7] =	ssyncadd.s32 $0xFFFF9E00  }
0xb4: {  	[tilespmem:s11], [sflag:$0x2] =	stream.indirect.gather [hbm4b:s9+s14], $0x310, s22, s14, $0xb8;
	[tilespmem:$0x12780] =	vst v63  }
0xb5: {  	_ =	swait.ge [sflag:s15], $0x6200  }
0xb6: {  	[sflag:s15] =	ssyncset.done $0x0  }
0xb7: {  	s0 =	rddreg [dreg:$0x15];
	[sflag:s15] =	ssyncadd.s32 $0xFFFF9E00  }
0xb8: {  	[hbm4b:s0+s2] =	stream.linear.scatter [tilespmem:s10], [sflag:$0x6], $0x6200, $0x38;
	[tilespmem:$0x12780] =	vst v63  }
0xb9: {  	_ =	swait.ge [sflag:s8], $0x6200  }
0xba: {  	[sflag:s8] =	ssyncset.done $0x0  }
0xbb: {  	[sflag:s8] =	ssyncadd.s32 $0xFFFF9E00  }
0xbc: {  	[tilespmem:s10], [sflag:$0x3] =	stream.indirect.gather [hbm4b:s9+s14], $0x310, s21, s14, $0xb8;
	[tilespmem:$0x12780] =	vst v63  }
0xbd: {  	_ =	swait.ge [sflag:s17], $0x6200  }
0xbe: {  	[sflag:s17] =	ssyncset.done $0x0  }
0xbf: {  	s0 =	rddreg [dreg:$0x16];
	[sflag:s17] =	ssyncadd.s32 $0xFFFF9E00  }
0xc0: {  	[hbm4b:s0+s2] =	stream.linear.scatter [tilespmem:s12], [sflag:$0x4], $0x6200, $0x38;
	[tilespmem:$0x12780] =	vst v63  }
0xc1: {  	_ =	swait.ge [sflag:s6], $0x6200  }
0xc2: {  	[sflag:s6] =	ssyncset.done $0x0  }
0xc3: {  	[sflag:s6] =	ssyncadd.s32 $0xFFFF9E00  }
0xc4: {  	[tilespmem:s12], [sflag:$0x1] =	stream.indirect.gather [hbm4b:s9+s14], $0x310, s20, s14, $0xb8;
	[tilespmem:$0x12780] =	vst v63  }
0xc5: {  	_ =	swait.ge [sflag:s16], $0x6200  }
0xc6: {  	[sflag:s16] =	ssyncset.done $0x0  }
0xc7: {  	s0 =	rddreg [dreg:$0x17];
	[sflag:s16] =	ssyncadd.s32 $0xFFFF9E00  }
0xc8: {  	[hbm4b:s0+s2] =	stream.linear.scatter [tilespmem:s11], [sflag:$0x5], $0x6200, $0x38;
	[tilespmem:$0x12780] =	vst v63  }
0xc9: {  	_ =	swait.ge [sflag:s7], $0x6200  }
0xca: {  	[sflag:s7] =	ssyncset.done $0x0  }
0xcb: {  	[sflag:s7] =	ssyncadd.s32 $0xFFFF9E00  }
0xcc: {  	[tilespmem:s11], [sflag:$0x2] =	stream.indirect.gather [hbm4b:s9+s14], $0x310, s19, s14, $0xb8;
	[tilespmem:$0x12780] =	vst v63  }
0xcd: {  	_ =	swait.ge [sflag:s15], $0x6200  }
0xce: {  	[sflag:s15] =	ssyncset.done $0x0  }
0xcf: {  	[sflag:s15] =	ssyncadd.s32 $0xFFFF9E00  }
0xd0: {  	[hbm4b:s13+s2] =	stream.linear.scatter [tilespmem:s10], [sflag:$0x6], $0x6200, $0x38;
	[tilespmem:$0x12780] =	vst v63  }
0xd1: {  	_ =	swait.ge [sflag:s8], $0x6200  }
0xd2: {  	[sflag:s8] =	ssyncset.done $0x0  }
0xd3: {  	[sflag:s8] =	ssyncadd.s32 $0xFFFF9E00  }
0xd4: {  	[tilespmem:s10], [sflag:$0x3] =	stream.indirect.gather [hbm4b:s9+s14], $0x310, s18, s14, $0xb8;
	[tilespmem:$0x12780] =	vst v63  }
0xd5: {  	_ =	swait.ge [sflag:s17], $0x6200  }
0xd6: {  	[sflag:s17] =	ssyncset.done $0x0  }
0xd7: {  	[sflag:s17] =	ssyncadd.s32 $0xFFFF9E00  }
0xd8: {  	[hbm4b:s5+s2] =	stream.linear.scatter [tilespmem:s12], [sflag:$0x4], $0x6200, $0x38;
	[tilespmem:$0x12780] =	vst v63  }
0xd9: {  	_ =	swait.ge [sflag:s16], $0x6200  }
0xda: {  	[sflag:s16] =	ssyncset.done $0x0  }
0xdb: {  	[sflag:s16] =	ssyncadd.s32 $0xFFFF9E00  }
0xdc: {  	[hbm4b:s4+s2] =	stream.linear.scatter [tilespmem:s11], [sflag:$0x5], $0x6200, $0x38;
	[tilespmem:$0x12780] =	vst v63  }
0xdd: {  	_ =	swait.ge [sflag:s15], $0x6200  }
0xde: {  	[sflag:s15] =	ssyncset.done $0x0  }
0xdf: {  	[sflag:s15] =	ssyncadd.s32 $0xFFFF9E00  }
0xe0: {  	[hbm4b:s3+s2] =	stream.linear.scatter [tilespmem:s10], [sflag:$0x6], $0x6200, $0x38;
	[tilespmem:$0x12780] =	vst v63  }
0xe1: {  	_ =	swait.ge [sflag:s6], $0x6200  }
0xe2: {  	[sflag:s6] =	ssyncset.done $0x0  }
0xe3: {  	p1 =	sne.s32 s1, $0x1;
	[sflag:s6] =	ssyncadd.s32 $0xFFFF9E00  }
.Ltmp1:
0xe4: {  	_ =	swait.ge [sflag:s7], $0x6200;
	(pc) =	sbr.rel @!p1 .LBB2_3-.Ltmp1, $4  }
0xe5: {  	[sflag:s7] =	ssyncset.done $0x0  }
0xe6: {  	[sflag:s7] =	ssyncadd.s32 $0xFFFF9E00  }
0xe7: {  	s1 =	sadd.s32 $0xFFFFFFFF, s1;
	_ =	swait.ge [sflag:s8], $0x6200  }
0xe8: {  	p0 =	por $0x1, $0x1;
	s0 =	rddreg [dreg:$0x4];
	[sflag:s8] =	ssyncset.done $0x0  }
.LBB2_2:
0xe9: {  	[sflag:s8] =	ssyncadd.s32 $0xFFFF9E00  }
0xea: {  	[tilespmem:s2], [sflag:$0x7] =	stream.linear.gather [hbm4b:s0+s2], $0x180, $0x38;
	[tilespmem:$0x12780] =	vst v63  }
0xeb: {  	_ =	swait.ge [sflag:s31], $0x180  }
0xec: {  	[sflag:s31] =	ssyncset.done $0x0  }
0xed: {  	[sflag:s31] =	ssyncadd.s32 $0xFFFFFE80  }
0xee: {  	[tilespmem:s12], [sflag:$0x1] =	stream.indirect.gather [hbm4b:s29+s14], $0x310, s2, s14, $0xb8;
	[tilespmem:$0x12780] =	vst v63  }
0xef: {  	_ = 	snop  }
0xf0: {  	[tilespmem:s11], [sflag:$0x2] =	stream.indirect.gather [hbm4b:s29+s14], $0x310, s14, s14, $0xb8;
	[tilespmem:$0x12780] =	vst v63  }
0xf1: {  	_ = 	snop  }
0xf2: {  	[tilespmem:s10], [sflag:$0x3] =	stream.indirect.gather [hbm4b:s29+s14], $0x310, s28, s14, $0xb8;
	[tilespmem:$0x12780] =	vst v63  }
0xf3: {  	_ =	swait.ge [sflag:s17], $0x6200  }
0xf4: {  	[sflag:s17] =	ssyncset.done $0x0  }
0xf5: {  	[sflag:s17] =	ssyncadd.s32 $0xFFFF9E00  }
0xf6: {  	[hbm4b:s30+s2] =	stream.linear.scatter [tilespmem:s12], [sflag:$0x4], $0x6200, $0x38;
	[tilespmem:$0x12780] =	vst v63  }
0xf7: {  	_ =	swait.ge [sflag:s6], $0x6200  }
0xf8: {  	[sflag:s6] =	ssyncset.done $0x0  }
0xf9: {  	[sflag:s6] =	ssyncadd.s32 $0xFFFF9E00  }
0xfa: {  	[tilespmem:s12], [sflag:$0x1] =	stream.indirect.gather [hbm4b:s29+s14], $0x310, s26, s14, $0xb8;
	[tilespmem:$0x12780] =	vst v63  }
0xfb: {  	_ =	swait.ge [sflag:s16], $0x6200  }
0xfc: {  	[sflag:s16] =	ssyncset.done $0x0  }
0xfd: {  	s0 =	rddreg [dreg:$0x5];
	[sflag:s16] =	ssyncadd.s32 $0xFFFF9E00  }
0xfe: {  	[hbm4b:s0+s2] =	stream.linear.scatter [tilespmem:s11], [sflag:$0x5], $0x6200, $0x38;
	[tilespmem:$0x12780] =	vst v63  }
0xff: {  	_ =	swait.ge [sflag:s7], $0x6200  }
0x100: {  	[sflag:s7] =	ssyncset.done $0x0  }
0x101: {  	[sflag:s7] =	ssyncadd.s32 $0xFFFF9E00  }
0x102: {  	[tilespmem:s11], [sflag:$0x2] =	stream.indirect.gather [hbm4b:s29+s14], $0x310, s25, s14, $0xb8;
	[tilespmem:$0x12780] =	vst v63  }
0x103: {  	_ =	swait.ge [sflag:s15], $0x6200  }
0x104: {  	[sflag:s15] =	ssyncset.done $0x0  }
0x105: {  	s0 =	rddreg [dreg:$0x6];
	[sflag:s15] =	ssyncadd.s32 $0xFFFF9E00  }
0x106: {  	[hbm4b:s0+s2] =	stream.linear.scatter [tilespmem:s10], [sflag:$0x6], $0x6200, $0x38;
	[tilespmem:$0x12780] =	vst v63  }
0x107: {  	_ =	swait.ge [sflag:s8], $0x6200  }
0x108: {  	[sflag:s8] =	ssyncset.done $0x0  }
0x109: {  	[sflag:s8] =	ssyncadd.s32 $0xFFFF9E00  }
0x10a: {  	[tilespmem:s10], [sflag:$0x3] =	stream.indirect.gather [hbm4b:s29+s14], $0x310, s24, s14, $0xb8;
	[tilespmem:$0x12780] =	vst v63  }
0x10b: {  	_ =	swait.ge [sflag:s17], $0x6200  }
0x10c: {  	[sflag:s17] =	ssyncset.done $0x0  }
0x10d: {  	s0 =	rddreg [dreg:$0x7];
	[sflag:s17] =	ssyncadd.s32 $0xFFFF9E00  }
0x10e: {  	[hbm4b:s0+s2] =	stream.linear.scatter [tilespmem:s12], [sflag:$0x4], $0x6200, $0x38;
	[tilespmem:$0x12780] =	vst v63  }
0x10f: {  	_ =	swait.ge [sflag:s6], $0x6200  }
0x110: {  	[sflag:s6] =	ssyncset.done $0x0  }
0x111: {  	[sflag:s6] =	ssyncadd.s32 $0xFFFF9E00  }
0x112: {  	[tilespmem:s12], [sflag:$0x1] =	stream.indirect.gather [hbm4b:s29+s14], $0x310, s23, s14, $0xb8;
	[tilespmem:$0x12780] =	vst v63  }
0x113: {  	_ =	swait.ge [sflag:s16], $0x6200  }
0x114: {  	[sflag:s16] =	ssyncset.done $0x0  }
0x115: {  	s0 =	rddreg [dreg:$0x8];
	[sflag:s16] =	ssyncadd.s32 $0xFFFF9E00  }
0x116: {  	[hbm4b:s0+s2] =	stream.linear.scatter [tilespmem:s11], [sflag:$0x5], $0x6200, $0x38;
	[tilespmem:$0x12780] =	vst v63  }
0x117: {  	_ =	swait.ge [sflag:s7], $0x6200  }
0x118: {  	[sflag:s7] =	ssyncset.done $0x0  }
0x119: {  	[sflag:s7] =	ssyncadd.s32 $0xFFFF9E00  }
0x11a: {  	[tilespmem:s11], [sflag:$0x2] =	stream.indirect.gather [hbm4b:s29+s14], $0x310, s22, s14, $0xb8;
	[tilespmem:$0x12780] =	vst v63  }
0x11b: {  	_ =	swait.ge [sflag:s15], $0x6200  }
0x11c: {  	[sflag:s15] =	ssyncset.done $0x0  }
0x11d: {  	s0 =	rddreg [dreg:$0x9];
	[sflag:s15] =	ssyncadd.s32 $0xFFFF9E00  }
0x11e: {  	[hbm4b:s0+s2] =	stream.linear.scatter [tilespmem:s10], [sflag:$0x6], $0x6200, $0x38;
	[tilespmem:$0x12780] =	vst v63  }
0x11f: {  	_ =	swait.ge [sflag:s8], $0x6200  }
0x120: {  	[sflag:s8] =	ssyncset.done $0x0  }
0x121: {  	[sflag:s8] =	ssyncadd.s32 $0xFFFF9E00  }
0x122: {  	[tilespmem:s10], [sflag:$0x3] =	stream.indirect.gather [hbm4b:s29+s14], $0x310, s21, s14, $0xb8;
	[tilespmem:$0x12780] =	vst v63  }
0x123: {  	_ =	swait.ge [sflag:s17], $0x6200  }
0x124: {  	[sflag:s17] =	ssyncset.done $0x0  }
0x125: {  	s0 =	rddreg [dreg:$0xa];
	[sflag:s17] =	ssyncadd.s32 $0xFFFF9E00  }
0x126: {  	[hbm4b:s0+s2] =	stream.linear.scatter [tilespmem:s12], [sflag:$0x4], $0x6200, $0x38;
	[tilespmem:$0x12780] =	vst v63  }
0x127: {  	_ =	swait.ge [sflag:s6], $0x6200  }
0x128: {  	[sflag:s6] =	ssyncset.done $0x0  }
0x129: {  	[sflag:s6] =	ssyncadd.s32 $0xFFFF9E00  }
0x12a: {  	[tilespmem:s12], [sflag:$0x1] =	stream.indirect.gather [hbm4b:s29+s14], $0x310, s20, s14, $0xb8;
	[tilespmem:$0x12780] =	vst v63  }
0x12b: {  	_ =	swait.ge [sflag:s16], $0x6200  }
0x12c: {  	[sflag:s16] =	ssyncset.done $0x0  }
0x12d: {  	s0 =	rddreg [dreg:$0xb];
	[sflag:s16] =	ssyncadd.s32 $0xFFFF9E00  }
0x12e: {  	[hbm4b:s0+s2] =	stream.linear.scatter [tilespmem:s11], [sflag:$0x5], $0x6200, $0x38;
	[tilespmem:$0x12780] =	vst v63  }
0x12f: {  	_ =	swait.ge [sflag:s7], $0x6200  }
0x130: {  	[sflag:s7] =	ssyncset.done $0x0  }
0x131: {  	[sflag:s7] =	ssyncadd.s32 $0xFFFF9E00  }
0x132: {  	[tilespmem:s11], [sflag:$0x2] =	stream.indirect.gather [hbm4b:s29+s14], $0x310, s19, s14, $0xb8;
	[tilespmem:$0x12780] =	vst v63  }
0x133: {  	_ =	swait.ge [sflag:s15], $0x6200  }
0x134: {  	[sflag:s15] =	ssyncset.done $0x0  }
0x135: {  	s0 =	rddreg [dreg:$0xc];
	[sflag:s15] =	ssyncadd.s32 $0xFFFF9E00  }
0x136: {  	[hbm4b:s0+s2] =	stream.linear.scatter [tilespmem:s10], [sflag:$0x6], $0x6200, $0x38;
	[tilespmem:$0x12780] =	vst v63  }
0x137: {  	_ =	swait.ge [sflag:s8], $0x6200  }
0x138: {  	[sflag:s8] =	ssyncset.done $0x0  }
0x139: {  	[sflag:s8] =	ssyncadd.s32 $0xFFFF9E00  }
0x13a: {  	[tilespmem:s10], [sflag:$0x3] =	stream.indirect.gather [hbm4b:s29+s14], $0x310, s18, s14, $0xb8;
	[tilespmem:$0x12780] =	vst v63  }
0x13b: {  	_ =	swait.ge [sflag:s17], $0x6200  }
0x13c: {  	[sflag:s17] =	ssyncset.done $0x0  }
0x13d: {  	s0 =	rddreg [dreg:$0xd];
	[sflag:s17] =	ssyncadd.s32 $0xFFFF9E00  }
0x13e: {  	[hbm4b:s0+s2] =	stream.linear.scatter [tilespmem:s12], [sflag:$0x4], $0x6200, $0x38;
	[tilespmem:$0x12780] =	vst v63  }
0x13f: {  	_ =	swait.ge [sflag:s6], $0x6200  }
0x140: {  	[sflag:s6] =	ssyncset.done $0x0  }
0x141: {  	[sflag:s6] =	ssyncadd.s32 $0xFFFF9E00  }
0x142: {  	[tilespmem:s12], [sflag:$0x1] =	stream.indirect.gather [hbm4b:s9+s14], $0x310, s2, s14, $0xb8;
	[tilespmem:$0x12780] =	vst v63  }
0x143: {  	_ =	swait.ge [sflag:s16], $0x6200  }
0x144: {  	[sflag:s16] =	ssyncset.done $0x0  }
0x145: {  	s0 =	rddreg [dreg:$0xe];
	[sflag:s16] =	ssyncadd.s32 $0xFFFF9E00  }
0x146: {  	[hbm4b:s0+s2] =	stream.linear.scatter [tilespmem:s11], [sflag:$0x5], $0x6200, $0x38;
	[tilespmem:$0x12780] =	vst v63  }
0x147: {  	_ =	swait.ge [sflag:s7], $0x6200  }
0x148: {  	[sflag:s7] =	ssyncset.done $0x0  }
0x149: {  	[sflag:s7] =	ssyncadd.s32 $0xFFFF9E00  }
0x14a: {  	[tilespmem:s11], [sflag:$0x2] =	stream.indirect.gather [hbm4b:s9+s14], $0x310, s14, s14, $0xb8;
	[tilespmem:$0x12780] =	vst v63  }
0x14b: {  	_ =	swait.ge [sflag:s15], $0x6200  }
0x14c: {  	[sflag:s15] =	ssyncset.done $0x0  }
0x14d: {  	s0 =	rddreg [dreg:$0xf];
	[sflag:s15] =	ssyncadd.s32 $0xFFFF9E00  }
0x14e: {  	[hbm4b:s0+s2] =	stream.linear.scatter [tilespmem:s10], [sflag:$0x6], $0x6200, $0x38;
	[tilespmem:$0x12780] =	vst v63  }
0x14f: {  	_ =	swait.ge [sflag:s8], $0x6200  }
0x150: {  	[sflag:s8] =	ssyncset.done $0x0  }
0x151: {  	[sflag:s8] =	ssyncadd.s32 $0xFFFF9E00  }
0x152: {  	[tilespmem:s10], [sflag:$0x3] =	stream.indirect.gather [hbm4b:s9+s14], $0x310, s28, s14, $0xb8;
	[tilespmem:$0x12780] =	vst v63  }
0x153: {  	_ =	swait.ge [sflag:s17], $0x6200  }
0x154: {  	[sflag:s17] =	ssyncset.done $0x0  }
0x155: {  	s0 =	rddreg [dreg:$0x10];
	[sflag:s17] =	ssyncadd.s32 $0xFFFF9E00  }
0x156: {  	[hbm4b:s0+s2] =	stream.linear.scatter [tilespmem:s12], [sflag:$0x4], $0x6200, $0x38;
	[tilespmem:$0x12780] =	vst v63  }
0x157: {  	_ =	swait.ge [sflag:s6], $0x6200  }
0x158: {  	[sflag:s6] =	ssyncset.done $0x0  }
0x159: {  	[sflag:s6] =	ssyncadd.s32 $0xFFFF9E00  }
0x15a: {  	[tilespmem:s12], [sflag:$0x1] =	stream.indirect.gather [hbm4b:s9+s14], $0x310, s26, s14, $0xb8;
	[tilespmem:$0x12780] =	vst v63  }
0x15b: {  	_ =	swait.ge [sflag:s16], $0x6200  }
0x15c: {  	[sflag:s16] =	ssyncset.done $0x0  }
0x15d: {  	s0 =	rddreg [dreg:$0x11];
	[sflag:s16] =	ssyncadd.s32 $0xFFFF9E00  }
0x15e: {  	[hbm4b:s0+s2] =	stream.linear.scatter [tilespmem:s11], [sflag:$0x5], $0x6200, $0x38;
	[tilespmem:$0x12780] =	vst v63  }
0x15f: {  	_ =	swait.ge [sflag:s7], $0x6200  }
0x160: {  	[sflag:s7] =	ssyncset.done $0x0  }
0x161: {  	[sflag:s7] =	ssyncadd.s32 $0xFFFF9E00  }
0x162: {  	[tilespmem:s11], [sflag:$0x2] =	stream.indirect.gather [hbm4b:s9+s14], $0x310, s25, s14, $0xb8;
	[tilespmem:$0x12780] =	vst v63  }
0x163: {  	_ =	swait.ge [sflag:s15], $0x6200  }
0x164: {  	[sflag:s15] =	ssyncset.done $0x0  }
0x165: {  	s0 =	rddreg [dreg:$0x12];
	[sflag:s15] =	ssyncadd.s32 $0xFFFF9E00  }
0x166: {  	[hbm4b:s0+s2] =	stream.linear.scatter [tilespmem:s10], [sflag:$0x6], $0x6200, $0x38;
	[tilespmem:$0x12780] =	vst v63  }
0x167: {  	_ =	swait.ge [sflag:s8], $0x6200  }
0x168: {  	[sflag:s8] =	ssyncset.done $0x0  }
0x169: {  	[sflag:s8] =	ssyncadd.s32 $0xFFFF9E00  }
0x16a: {  	[tilespmem:s10], [sflag:$0x3] =	stream.indirect.gather [hbm4b:s9+s14], $0x310, s24, s14, $0xb8;
	[tilespmem:$0x12780] =	vst v63  }
0x16b: {  	_ =	swait.ge [sflag:s17], $0x6200  }
0x16c: {  	[sflag:s17] =	ssyncset.done $0x0  }
0x16d: {  	s0 =	rddreg [dreg:$0x13];
	[sflag:s17] =	ssyncadd.s32 $0xFFFF9E00  }
0x16e: {  	[hbm4b:s0+s2] =	stream.linear.scatter [tilespmem:s12], [sflag:$0x4], $0x6200, $0x38;
	[tilespmem:$0x12780] =	vst v63  }
0x16f: {  	_ =	swait.ge [sflag:s6], $0x6200  }
0x170: {  	[sflag:s6] =	ssyncset.done $0x0  }
0x171: {  	[sflag:s6] =	ssyncadd.s32 $0xFFFF9E00  }
0x172: {  	[tilespmem:s12], [sflag:$0x1] =	stream.indirect.gather [hbm4b:s9+s14], $0x310, s23, s14, $0xb8;
	[tilespmem:$0x12780] =	vst v63  }
0x173: {  	_ =	swait.ge [sflag:s16], $0x6200  }
0x174: {  	[sflag:s16] =	ssyncset.done $0x0  }
0x175: {  	s0 =	rddreg [dreg:$0x14];
	[sflag:s16] =	ssyncadd.s32 $0xFFFF9E00  }
0x176: {  	[hbm4b:s0+s2] =	stream.linear.scatter [tilespmem:s11], [sflag:$0x5], $0x6200, $0x38;
	[tilespmem:$0x12780] =	vst v63  }
0x177: {  	_ =	swait.ge [sflag:s7], $0x6200  }
0x178: {  	[sflag:s7] =	ssyncset.done $0x0  }
0x179: {  	[sflag:s7] =	ssyncadd.s32 $0xFFFF9E00  }
0x17a: {  	[tilespmem:s11], [sflag:$0x2] =	stream.indirect.gather [hbm4b:s9+s14], $0x310, s22, s14, $0xb8;
	[tilespmem:$0x12780] =	vst v63  }
0x17b: {  	_ =	swait.ge [sflag:s15], $0x6200  }
0x17c: {  	[sflag:s15] =	ssyncset.done $0x0  }
0x17d: {  	s0 =	rddreg [dreg:$0x15];
	[sflag:s15] =	ssyncadd.s32 $0xFFFF9E00  }
0x17e: {  	[hbm4b:s0+s2] =	stream.linear.scatter [tilespmem:s10], [sflag:$0x6], $0x6200, $0x38;
	[tilespmem:$0x12780] =	vst v63  }
0x17f: {  	_ =	swait.ge [sflag:s8], $0x6200  }
0x180: {  	[sflag:s8] =	ssyncset.done $0x0  }
0x181: {  	[sflag:s8] =	ssyncadd.s32 $0xFFFF9E00  }
0x182: {  	[tilespmem:s10], [sflag:$0x3] =	stream.indirect.gather [hbm4b:s9+s14], $0x310, s21, s14, $0xb8;
	[tilespmem:$0x12780] =	vst v63  }
0x183: {  	_ =	swait.ge [sflag:s17], $0x6200  }
0x184: {  	[sflag:s17] =	ssyncset.done $0x0  }
0x185: {  	s0 =	rddreg [dreg:$0x16];
	[sflag:s17] =	ssyncadd.s32 $0xFFFF9E00  }
0x186: {  	[hbm4b:s0+s2] =	stream.linear.scatter [tilespmem:s12], [sflag:$0x4], $0x6200, $0x38;
	[tilespmem:$0x12780] =	vst v63  }
0x187: {  	_ =	swait.ge [sflag:s6], $0x6200  }
0x188: {  	[sflag:s6] =	ssyncset.done $0x0  }
0x189: {  	[sflag:s6] =	ssyncadd.s32 $0xFFFF9E00  }
0x18a: {  	[tilespmem:s12], [sflag:$0x1] =	stream.indirect.gather [hbm4b:s9+s14], $0x310, s20, s14, $0xb8;
	[tilespmem:$0x12780] =	vst v63  }
0x18b: {  	_ =	swait.ge [sflag:s16], $0x6200  }
0x18c: {  	[sflag:s16] =	ssyncset.done $0x0  }
0x18d: {  	s0 =	rddreg [dreg:$0x17];
	[sflag:s16] =	ssyncadd.s32 $0xFFFF9E00  }
0x18e: {  	[hbm4b:s0+s2] =	stream.linear.scatter [tilespmem:s11], [sflag:$0x5], $0x6200, $0x38;
	[tilespmem:$0x12780] =	vst v63  }
0x18f: {  	_ =	swait.ge [sflag:s7], $0x6200  }
0x190: {  	[sflag:s7] =	ssyncset.done $0x0  }
0x191: {  	[sflag:s7] =	ssyncadd.s32 $0xFFFF9E00  }
0x192: {  	[tilespmem:s11], [sflag:$0x2] =	stream.indirect.gather [hbm4b:s9+s14], $0x310, s19, s14, $0xb8;
	[tilespmem:$0x12780] =	vst v63  }
0x193: {  	_ =	swait.ge [sflag:s15], $0x6200  }
0x194: {  	[sflag:s15] =	ssyncset.done $0x0  }
0x195: {  	[sflag:s15] =	ssyncadd.s32 $0xFFFF9E00  }
0x196: {  	[hbm4b:s13+s2] =	stream.linear.scatter [tilespmem:s10], [sflag:$0x6], $0x6200, $0x38;
	[tilespmem:$0x12780] =	vst v63  }
0x197: {  	_ =	swait.ge [sflag:s8], $0x6200  }
0x198: {  	[sflag:s8] =	ssyncset.done $0x0  }
0x199: {  	[sflag:s8] =	ssyncadd.s32 $0xFFFF9E00  }
0x19a: {  	[tilespmem:s10], [sflag:$0x3] =	stream.indirect.gather [hbm4b:s9+s14], $0x310, s18, s14, $0xb8;
	[tilespmem:$0x12780] =	vst v63  }
0x19b: {  	_ =	swait.ge [sflag:s17], $0x6200  }
0x19c: {  	[sflag:s17] =	ssyncset.done $0x0  }
0x19d: {  	[sflag:s17] =	ssyncadd.s32 $0xFFFF9E00  }
0x19e: {  	[hbm4b:s5+s2] =	stream.linear.scatter [tilespmem:s12], [sflag:$0x4], $0x6200, $0x38;
	[tilespmem:$0x12780] =	vst v63  }
0x19f: {  	_ =	swait.ge [sflag:s16], $0x6200  }
0x1a0: {  	[sflag:s16] =	ssyncset.done $0x0  }
0x1a1: {  	[sflag:s16] =	ssyncadd.s32 $0xFFFF9E00  }
0x1a2: {  	[hbm4b:s4+s2] =	stream.linear.scatter [tilespmem:s11], [sflag:$0x5], $0x6200, $0x38;
	[tilespmem:$0x12780] =	vst v63  }
0x1a3: {  	_ =	swait.ge [sflag:s15], $0x6200  }
0x1a4: {  	[sflag:s15] =	ssyncset.done $0x0  }
0x1a5: {  	[sflag:s15] =	ssyncadd.s32 $0xFFFF9E00  }
0x1a6: {  	[hbm4b:s3+s2] =	stream.linear.scatter [tilespmem:s10], [sflag:$0x6], $0x6200, $0x38;
	[tilespmem:$0x12780] =	vst v63  }
0x1a7: {  	_ =	swait.ge [sflag:s6], $0x6200  }
0x1a8: {  	[sflag:s6] =	ssyncset.done $0x0  }
0x1a9: {  	p1 =	sne.s32 s1, $0x1;
	[sflag:s6] =	ssyncadd.s32 $0xFFFF9E00  }
.Ltmp2:
0x1aa: {  	_ =	swait.ge [sflag:s7], $0x6200;
	(pc) =	sbr.rel @p1 .LBB2_2-.Ltmp2, $4  }
0x1ab: {  	[sflag:s7] =	ssyncset.done $0x0  }
0x1ac: {  	[sflag:s7] =	ssyncadd.s32 $0xFFFF9E00  }
0x1ad: {  	_ =	swait.ge [sflag:s8], $0x6200  }
0x1ae: {  	s1 =	sadd.s32 $0xFFFFFFFF, s1;
	s0 =	rddreg [dreg:$0x4];
	[sflag:s8] =	ssyncset.done $0x0  }
.LBB2_3:
0x1af: {  	[sflag:s8] =	ssyncadd.s32 @p0 $0xFFFF9E00  }
0x1b0: {  	[tilespmem:s2], [sflag:$0x7] =	stream.linear.gather [hbm4b:s0+s2], $0x180, $0x38;
	[tilespmem:$0x12780] =	vst v63  }
0x1b1: {  	_ =	swait.ge [sflag:s31], $0x180  }
0x1b2: {  	[sflag:s31] =	ssyncset.done $0x0  }
0x1b3: {  	[sflag:s31] =	ssyncadd.s32 $0xFFFFFE80  }
0x1b4: {  	[tilespmem:s12], [sflag:$0x1] =	stream.indirect.gather [hbm4b:s29+s14], $0x310, s2, s14, $0xb8;
	[tilespmem:$0x12780] =	vst v63  }
0x1b5: {  	_ = 	snop  }
0x1b6: {  	[tilespmem:s11], [sflag:$0x2] =	stream.indirect.gather [hbm4b:s29+s14], $0x310, s14, s14, $0xb8;
	[tilespmem:$0x12780] =	vst v63  }
0x1b7: {  	_ = 	snop  }
0x1b8: {  	[tilespmem:s10], [sflag:$0x3] =	stream.indirect.gather [hbm4b:s29+s14], $0x310, s28, s14, $0xb8;
	[tilespmem:$0x12780] =	vst v63  }
0x1b9: {  	_ =	swait.ge [sflag:s17], $0x6200  }
0x1ba: {  	[sflag:s17] =	ssyncset.done $0x0  }
0x1bb: {  	[sflag:s17] =	ssyncadd.s32 $0xFFFF9E00  }
0x1bc: {  	[hbm4b:s30+s2] =	stream.linear.scatter [tilespmem:s12], [sflag:$0x4], $0x6200, $0x38;
	[tilespmem:$0x12780] =	vst v63  }
0x1bd: {  	_ =	swait.ge [sflag:s6], $0x6200  }
0x1be: {  	[sflag:s6] =	ssyncset.done $0x0  }
0x1bf: {  	[sflag:s6] =	ssyncadd.s32 $0xFFFF9E00  }
0x1c0: {  	[tilespmem:s12], [sflag:$0x1] =	stream.indirect.gather [hbm4b:s29+s14], $0x310, s26, s14, $0xb8;
	[tilespmem:$0x12780] =	vst v63  }
0x1c1: {  	_ =	swait.ge [sflag:s16], $0x6200  }
0x1c2: {  	[sflag:s16] =	ssyncset.done $0x0  }
0x1c3: {  	s1 =	rddreg [dreg:$0x5];
	[sflag:s16] =	ssyncadd.s32 $0xFFFF9E00  }
0x1c4: {  	[hbm4b:s1+s2] =	stream.linear.scatter [tilespmem:s11], [sflag:$0x5], $0x6200, $0x38;
	[tilespmem:$0x12780] =	vst v63  }
0x1c5: {  	_ =	swait.ge [sflag:s7], $0x6200  }
0x1c6: {  	[sflag:s7] =	ssyncset.done $0x0  }
0x1c7: {  	[sflag:s7] =	ssyncadd.s32 $0xFFFF9E00  }
0x1c8: {  	[tilespmem:s11], [sflag:$0x2] =	stream.indirect.gather [hbm4b:s29+s14], $0x310, s25, s14, $0xb8;
	[tilespmem:$0x12780] =	vst v63  }
0x1c9: {  	_ =	swait.ge [sflag:s15], $0x6200  }
0x1ca: {  	[sflag:s15] =	ssyncset.done $0x0  }
0x1cb: {  	s30 =	rddreg [dreg:$0x6];
	[sflag:s15] =	ssyncadd.s32 $0xFFFF9E00  }
0x1cc: {  	[hbm4b:s30+s2] =	stream.linear.scatter [tilespmem:s10], [sflag:$0x6], $0x6200, $0x38;
	[tilespmem:$0x12780] =	vst v63  }
0x1cd: {  	_ =	swait.ge [sflag:s8], $0x6200  }
0x1ce: {  	[sflag:s8] =	ssyncset.done $0x0  }
0x1cf: {  	[sflag:s8] =	ssyncadd.s32 $0xFFFF9E00  }
0x1d0: {  	[tilespmem:s10], [sflag:$0x3] =	stream.indirect.gather [hbm4b:s29+s14], $0x310, s24, s14, $0xb8;
	[tilespmem:$0x12780] =	vst v63  }
0x1d1: {  	_ =	swait.ge [sflag:s17], $0x6200  }
0x1d2: {  	[sflag:s17] =	ssyncset.done $0x0  }
0x1d3: {  	s31 =	rddreg [dreg:$0x7];
	[sflag:s17] =	ssyncadd.s32 $0xFFFF9E00  }
0x1d4: {  	[hbm4b:s31+s2] =	stream.linear.scatter [tilespmem:s12], [sflag:$0x4], $0x6200, $0x38;
	[tilespmem:$0x12780] =	vst v63  }
0x1d5: {  	_ =	swait.ge [sflag:s6], $0x6200  }
0x1d6: {  	[sflag:s6] =	ssyncset.done $0x0  }
0x1d7: {  	[sflag:s6] =	ssyncadd.s32 $0xFFFF9E00  }
0x1d8: {  	[tilespmem:s12], [sflag:$0x1] =	stream.indirect.gather [hbm4b:s29+s14], $0x310, s23, s14, $0xb8;
	[tilespmem:$0x12780] =	vst v63  }
0x1d9: {  	_ =	swait.ge [sflag:s16], $0x6200  }
0x1da: {  	[sflag:s16] =	ssyncset.done $0x0  }
0x1db: {  	s1 =	rddreg [dreg:$0x8];
	[sflag:s16] =	ssyncadd.s32 $0xFFFF9E00  }
0x1dc: {  	[hbm4b:s1+s2] =	stream.linear.scatter [tilespmem:s11], [sflag:$0x5], $0x6200, $0x38;
	[tilespmem:$0x12780] =	vst v63  }
0x1dd: {  	_ =	swait.ge [sflag:s7], $0x6200  }
0x1de: {  	[sflag:s7] =	ssyncset.done $0x0  }
0x1df: {  	[sflag:s7] =	ssyncadd.s32 $0xFFFF9E00  }
0x1e0: {  	[tilespmem:s11], [sflag:$0x2] =	stream.indirect.gather [hbm4b:s29+s14], $0x310, s22, s14, $0xb8;
	[tilespmem:$0x12780] =	vst v63  }
0x1e1: {  	_ =	swait.ge [sflag:s15], $0x6200  }
0x1e2: {  	[sflag:s15] =	ssyncset.done $0x0  }
0x1e3: {  	s30 =	rddreg [dreg:$0x9];
	[sflag:s15] =	ssyncadd.s32 $0xFFFF9E00  }
0x1e4: {  	[hbm4b:s30+s2] =	stream.linear.scatter [tilespmem:s10], [sflag:$0x6], $0x6200, $0x38;
	[tilespmem:$0x12780] =	vst v63  }
0x1e5: {  	_ =	swait.ge [sflag:s8], $0x6200  }
0x1e6: {  	[sflag:s8] =	ssyncset.done $0x0  }
0x1e7: {  	[sflag:s8] =	ssyncadd.s32 $0xFFFF9E00  }
0x1e8: {  	[tilespmem:s10], [sflag:$0x3] =	stream.indirect.gather [hbm4b:s29+s14], $0x310, s21, s14, $0xb8;
	[tilespmem:$0x12780] =	vst v63  }
0x1e9: {  	_ =	swait.ge [sflag:s17], $0x6200  }
0x1ea: {  	[sflag:s17] =	ssyncset.done $0x0  }
0x1eb: {  	s31 =	rddreg [dreg:$0xa];
	[sflag:s17] =	ssyncadd.s32 $0xFFFF9E00  }
0x1ec: {  	[hbm4b:s31+s2] =	stream.linear.scatter [tilespmem:s12], [sflag:$0x4], $0x6200, $0x38;
	[tilespmem:$0x12780] =	vst v63  }
0x1ed: {  	_ =	swait.ge [sflag:s6], $0x6200  }
0x1ee: {  	[sflag:s6] =	ssyncset.done $0x0  }
0x1ef: {  	[sflag:s6] =	ssyncadd.s32 $0xFFFF9E00  }
0x1f0: {  	[tilespmem:s12], [sflag:$0x1] =	stream.indirect.gather [hbm4b:s29+s14], $0x310, s20, s14, $0xb8;
	[tilespmem:$0x12780] =	vst v63  }
0x1f1: {  	_ =	swait.ge [sflag:s16], $0x6200  }
0x1f2: {  	[sflag:s16] =	ssyncset.done $0x0  }
0x1f3: {  	s1 =	rddreg [dreg:$0xb];
	[sflag:s16] =	ssyncadd.s32 $0xFFFF9E00  }
0x1f4: {  	[hbm4b:s1+s2] =	stream.linear.scatter [tilespmem:s11], [sflag:$0x5], $0x6200, $0x38;
	[tilespmem:$0x12780] =	vst v63  }
0x1f5: {  	_ =	swait.ge [sflag:s7], $0x6200  }
0x1f6: {  	[sflag:s7] =	ssyncset.done $0x0  }
0x1f7: {  	[sflag:s7] =	ssyncadd.s32 $0xFFFF9E00  }
0x1f8: {  	[tilespmem:s11], [sflag:$0x2] =	stream.indirect.gather [hbm4b:s29+s14], $0x310, s19, s14, $0xb8;
	[tilespmem:$0x12780] =	vst v63  }
0x1f9: {  	_ =	swait.ge [sflag:s15], $0x6200  }
0x1fa: {  	[sflag:s15] =	ssyncset.done $0x0  }
0x1fb: {  	s30 =	rddreg [dreg:$0xc];
	[sflag:s15] =	ssyncadd.s32 $0xFFFF9E00  }
0x1fc: {  	[hbm4b:s30+s2] =	stream.linear.scatter [tilespmem:s10], [sflag:$0x6], $0x6200, $0x38;
	[tilespmem:$0x12780] =	vst v63  }
0x1fd: {  	_ =	swait.ge [sflag:s8], $0x6200  }
0x1fe: {  	[sflag:s8] =	ssyncset.done $0x0  }
0x1ff: {  	[sflag:s8] =	ssyncadd.s32 $0xFFFF9E00  }
0x200: {  	[tilespmem:s10], [sflag:$0x3] =	stream.indirect.gather [hbm4b:s29+s14], $0x310, s18, s14, $0xb8;
	[tilespmem:$0x12780] =	vst v63  }
0x201: {  	_ =	swait.ge [sflag:s17], $0x6200  }
0x202: {  	[sflag:s17] =	ssyncset.done $0x0  }
0x203: {  	s31 =	rddreg [dreg:$0xd];
	[sflag:s17] =	ssyncadd.s32 $0xFFFF9E00  }
0x204: {  	[hbm4b:s31+s2] =	stream.linear.scatter [tilespmem:s12], [sflag:$0x4], $0x6200, $0x38;
	[tilespmem:$0x12780] =	vst v63  }
0x205: {  	_ =	swait.ge [sflag:s6], $0x6200  }
0x206: {  	[sflag:s6] =	ssyncset.done $0x0  }
0x207: {  	[sflag:s6] =	ssyncadd.s32 $0xFFFF9E00  }
0x208: {  	[tilespmem:s12], [sflag:$0x1] =	stream.indirect.gather [hbm4b:s9+s14], $0x310, s2, s14, $0xb8;
	[tilespmem:$0x12780] =	vst v63  }
0x209: {  	_ =	swait.ge [sflag:s16], $0x6200  }
0x20a: {  	[sflag:s16] =	ssyncset.done $0x0  }
0x20b: {  	s1 =	rddreg [dreg:$0xe];
	[sflag:s16] =	ssyncadd.s32 $0xFFFF9E00  }
0x20c: {  	[hbm4b:s1+s2] =	stream.linear.scatter [tilespmem:s11], [sflag:$0x5], $0x6200, $0x38;
	[tilespmem:$0x12780] =	vst v63  }
0x20d: {  	_ =	swait.ge [sflag:s7], $0x6200  }
0x20e: {  	[sflag:s7] =	ssyncset.done $0x0  }
0x20f: {  	[sflag:s7] =	ssyncadd.s32 $0xFFFF9E00  }
0x210: {  	[tilespmem:s11], [sflag:$0x2] =	stream.indirect.gather [hbm4b:s9+s14], $0x310, s14, s14, $0xb8;
	[tilespmem:$0x12780] =	vst v63  }
0x211: {  	_ =	swait.ge [sflag:s15], $0x6200  }
0x212: {  	[sflag:s15] =	ssyncset.done $0x0  }
0x213: {  	s29 =	rddreg [dreg:$0xf];
	[sflag:s15] =	ssyncadd.s32 $0xFFFF9E00  }
0x214: {  	[hbm4b:s29+s2] =	stream.linear.scatter [tilespmem:s10], [sflag:$0x6], $0x6200, $0x38;
	[tilespmem:$0x12780] =	vst v63  }
0x215: {  	_ =	swait.ge [sflag:s8], $0x6200  }
0x216: {  	[sflag:s8] =	ssyncset.done $0x0  }
0x217: {  	[sflag:s8] =	ssyncadd.s32 $0xFFFF9E00  }
0x218: {  	[tilespmem:s10], [sflag:$0x3] =	stream.indirect.gather [hbm4b:s9+s14], $0x310, s28, s14, $0xb8;
	[tilespmem:$0x12780] =	vst v63  }
0x219: {  	_ =	swait.ge [sflag:s17], $0x6200  }
0x21a: {  	[sflag:s17] =	ssyncset.done $0x0  }
0x21b: {  	s30 =	rddreg [dreg:$0x10];
	[sflag:s17] =	ssyncadd.s32 $0xFFFF9E00  }
0x21c: {  	[hbm4b:s30+s2] =	stream.linear.scatter [tilespmem:s12], [sflag:$0x4], $0x6200, $0x38;
	[tilespmem:$0x12780] =	vst v63  }
0x21d: {  	_ =	swait.ge [sflag:s6], $0x6200  }
0x21e: {  	[sflag:s6] =	ssyncset.done $0x0  }
0x21f: {  	[sflag:s6] =	ssyncadd.s32 $0xFFFF9E00  }
0x220: {  	[tilespmem:s12], [sflag:$0x1] =	stream.indirect.gather [hbm4b:s9+s14], $0x310, s26, s14, $0xb8;
	[tilespmem:$0x12780] =	vst v63  }
0x221: {  	_ =	swait.ge [sflag:s16], $0x6200  }
0x222: {  	[sflag:s16] =	ssyncset.done $0x0  }
0x223: {  	s31 =	rddreg [dreg:$0x11];
	[sflag:s16] =	ssyncadd.s32 $0xFFFF9E00  }
0x224: {  	[hbm4b:s31+s2] =	stream.linear.scatter [tilespmem:s11], [sflag:$0x5], $0x6200, $0x38;
	[tilespmem:$0x12780] =	vst v63  }
0x225: {  	_ =	swait.ge [sflag:s7], $0x6200  }
0x226: {  	[sflag:s7] =	ssyncset.done $0x0  }
0x227: {  	[sflag:s7] =	ssyncadd.s32 $0xFFFF9E00  }
0x228: {  	[tilespmem:s11], [sflag:$0x2] =	stream.indirect.gather [hbm4b:s9+s14], $0x310, s25, s14, $0xb8;
	[tilespmem:$0x12780] =	vst v63  }
0x229: {  	_ =	swait.ge [sflag:s15], $0x6200  }
0x22a: {  	[sflag:s15] =	ssyncset.done $0x0  }
0x22b: {  	s1 =	rddreg [dreg:$0x12];
	[sflag:s15] =	ssyncadd.s32 $0xFFFF9E00  }
0x22c: {  	[hbm4b:s1+s2] =	stream.linear.scatter [tilespmem:s10], [sflag:$0x6], $0x6200, $0x38;
	[tilespmem:$0x12780] =	vst v63  }
0x22d: {  	_ =	swait.ge [sflag:s8], $0x6200  }
0x22e: {  	[sflag:s8] =	ssyncset.done $0x0  }
0x22f: {  	[sflag:s8] =	ssyncadd.s32 $0xFFFF9E00  }
0x230: {  	[tilespmem:s10], [sflag:$0x3] =	stream.indirect.gather [hbm4b:s9+s14], $0x310, s24, s14, $0xb8;
	[tilespmem:$0x12780] =	vst v63  }
0x231: {  	_ =	swait.ge [sflag:s17], $0x6200  }
0x232: {  	[sflag:s17] =	ssyncset.done $0x0  }
0x233: {  	s25 =	rddreg [dreg:$0x13];
	[sflag:s17] =	ssyncadd.s32 $0xFFFF9E00  }
0x234: {  	[hbm4b:s25+s2] =	stream.linear.scatter [tilespmem:s12], [sflag:$0x4], $0x6200, $0x38;
	[tilespmem:$0x12780] =	vst v63  }
0x235: {  	_ =	swait.ge [sflag:s6], $0x6200  }
0x236: {  	[sflag:s6] =	ssyncset.done $0x0  }
0x237: {  	[sflag:s6] =	ssyncadd.s32 $0xFFFF9E00  }
0x238: {  	[tilespmem:s12], [sflag:$0x1] =	stream.indirect.gather [hbm4b:s9+s14], $0x310, s23, s14, $0xb8;
	[tilespmem:$0x12780] =	vst v63  }
0x239: {  	_ =	swait.ge [sflag:s16], $0x6200  }
0x23a: {  	[sflag:s16] =	ssyncset.done $0x0  }
0x23b: {  	s26 =	rddreg [dreg:$0x14];
	[sflag:s16] =	ssyncadd.s32 $0xFFFF9E00  }
0x23c: {  	[hbm4b:s26+s2] =	stream.linear.scatter [tilespmem:s11], [sflag:$0x5], $0x6200, $0x38;
	[tilespmem:$0x12780] =	vst v63  }
0x23d: {  	_ =	swait.ge [sflag:s7], $0x6200  }
0x23e: {  	[sflag:s7] =	ssyncset.done $0x0  }
0x23f: {  	[sflag:s7] =	ssyncadd.s32 $0xFFFF9E00  }
0x240: {  	[tilespmem:s11], [sflag:$0x2] =	stream.indirect.gather [hbm4b:s9+s14], $0x310, s22, s14, $0xb8;
	[tilespmem:$0x12780] =	vst v63  }
0x241: {  	_ =	swait.ge [sflag:s15], $0x6200  }
0x242: {  	[sflag:s15] =	ssyncset.done $0x0  }
0x243: {  	s28 =	rddreg [dreg:$0x15];
	[sflag:s15] =	ssyncadd.s32 $0xFFFF9E00  }
0x244: {  	[hbm4b:s28+s2] =	stream.linear.scatter [tilespmem:s10], [sflag:$0x6], $0x6200, $0x38;
	[tilespmem:$0x12780] =	vst v63  }
0x245: {  	_ =	swait.ge [sflag:s8], $0x6200  }
0x246: {  	[sflag:s8] =	ssyncset.done $0x0  }
0x247: {  	[sflag:s8] =	ssyncadd.s32 $0xFFFF9E00  }
0x248: {  	[tilespmem:s10], [sflag:$0x3] =	stream.indirect.gather [hbm4b:s9+s14], $0x310, s21, s14, $0xb8;
	[tilespmem:$0x12780] =	vst v63  }
0x249: {  	_ =	swait.ge [sflag:s17], $0x6200  }
0x24a: {  	[sflag:s17] =	ssyncset.done $0x0  }
0x24b: {  	s29 =	rddreg [dreg:$0x16];
	[sflag:s17] =	ssyncadd.s32 $0xFFFF9E00  }
0x24c: {  	[hbm4b:s29+s2] =	stream.linear.scatter [tilespmem:s12], [sflag:$0x4], $0x6200, $0x38;
	[tilespmem:$0x12780] =	vst v63  }
0x24d: {  	_ =	swait.ge [sflag:s6], $0x6200  }
0x24e: {  	[sflag:s6] =	ssyncset.done $0x0  }
0x24f: {  	[sflag:s6] =	ssyncadd.s32 $0xFFFF9E00  }
0x250: {  	[tilespmem:s12], [sflag:$0x1] =	stream.indirect.gather [hbm4b:s9+s14], $0x310, s20, s14, $0xb8;
	[tilespmem:$0x12780] =	vst v63  }
0x251: {  	_ =	swait.ge [sflag:s16], $0x6200  }
0x252: {  	[sflag:s16] =	ssyncset.done $0x0  }
0x253: {  	s30 =	rddreg [dreg:$0x17];
	[sflag:s16] =	ssyncadd.s32 $0xFFFF9E00  }
0x254: {  	[hbm4b:s30+s2] =	stream.linear.scatter [tilespmem:s11], [sflag:$0x5], $0x6200, $0x38;
	[tilespmem:$0x12780] =	vst v63  }
0x255: {  	_ =	swait.ge [sflag:s7], $0x6200  }
0x256: {  	[sflag:s7] =	ssyncset.done $0x0  }
0x257: {  	[sflag:s7] =	ssyncadd.s32 $0xFFFF9E00  }
0x258: {  	[tilespmem:s11], [sflag:$0x2] =	stream.indirect.gather [hbm4b:s9+s14], $0x310, s19, s14, $0xb8;
	[tilespmem:$0x12780] =	vst v63  }
0x259: {  	_ =	swait.ge [sflag:s15], $0x6200  }
0x25a: {  	[sflag:s15] =	ssyncset.done $0x0  }
0x25b: {  	[sflag:s15] =	ssyncadd.s32 $0xFFFF9E00  }
0x25c: {  	[hbm4b:s13+s2] =	stream.linear.scatter [tilespmem:s10], [sflag:$0x6], $0x6200, $0x38;
	[tilespmem:$0x12780] =	vst v63  }
0x25d: {  	_ =	swait.ge [sflag:s8], $0x6200  }
0x25e: {  	[sflag:s8] =	ssyncset.done $0x0  }
0x25f: {  	[sflag:s8] =	ssyncadd.s32 $0xFFFF9E00  }
0x260: {  	[tilespmem:s10], [sflag:$0x3] =	stream.indirect.gather [hbm4b:s9+s14], $0x310, s18, s14, $0xb8;
	[tilespmem:$0x12780] =	vst v63  }
0x261: {  	_ =	swait.ge [sflag:s17], $0x6200  }
0x262: {  	[sflag:s17] =	ssyncset.done $0x0  }
0x263: {  	[sflag:s17] =	ssyncadd.s32 $0xFFFF9E00  }
0x264: {  	[hbm4b:s5+s2] =	stream.linear.scatter [tilespmem:s12], [sflag:$0x4], $0x6200, $0x38;
	[tilespmem:$0x12780] =	vst v63  }
0x265: {  	_ =	swait.ge [sflag:s16], $0x6200  }
0x266: {  	[sflag:s16] =	ssyncset.done $0x0  }
0x267: {  	[sflag:s16] =	ssyncadd.s32 $0xFFFF9E00  }
0x268: {  	[hbm4b:s4+s2] =	stream.linear.scatter [tilespmem:s11], [sflag:$0x5], $0x6200, $0x38;
	[tilespmem:$0x12780] =	vst v63  }
0x269: {  	_ =	swait.ge [sflag:s15], $0x6200  }
0x26a: {  	[sflag:s15] =	ssyncset.done $0x0  }
0x26b: {  	[sflag:s15] =	ssyncadd.s32 $0xFFFF9E00  }
0x26c: {  	[hbm4b:s3+s2] =	stream.linear.scatter [tilespmem:s10], [sflag:$0x6], $0x6200, $0x38;
	[tilespmem:$0x12780] =	vst v63  }
0x26d: {  	_ =	swait.ge [sflag:s6], $0x6200  }
0x26e: {  	[sflag:s6] =	ssyncset.done $0x0  }
0x26f: {  	[sflag:s6] =	ssyncadd.s32 $0xFFFF9E00  }
0x270: {  	_ =	swait.ge [sflag:s7], $0x6200  }
0x271: {  	[sflag:s7] =	ssyncset.done $0x0  }
0x272: {  	[sflag:s7] =	ssyncadd.s32 $0xFFFF9E00  }
0x273: {  	_ =	swait.ge [sflag:s8], $0x6200  }
0x274: {  	[sflag:s8] =	ssyncset.done $0x0  }
0x275: {  	[sflag:s8] =	ssyncadd.s32 $0xFFFF9E00  }
0x276: {  	_ =	sfence.sel $0x180000  }
0x277: {  	[bflag:$0x0] =	sbarrier.arrive $0xFFFF  }
0x278: {  	_ =	strace $0x9000004A  }
0x279: {  	s31 =	stileid.u32;
	[bflag:$0x2] =	sbarrier.arrive $0xFFFF  }
0x27a: {  	p0 =	sne.s32 s31, $0x0;
	s0 =	rddreg [dreg:$0x3]  }
0x27b: {  	s0 =	sadd.s32 @!p0 $0x100000, s0  }
0x27c: {  	[sflag:s0] =	ssyncadd.tile.s32 @!p0 $0x1;
	_ =	shalt  }
.Lfunc_end2:
_tile_overlayer_lowered:
.L_overlay_start_2:
0x27d: {  	(tag) =	ssettag $0x2  }
0x27e: {  	s0 =	rddreg [dreg:$0x0];
	s2 =	stileid.u32  }
0x27f: {  	s1 =	rddreg [dreg:$0x1];
	p0 =	sne.s32 s2, $0x0  }
0x280: {  	s3 =	rddreg [dreg:$0x2];
	[bflag:$0x3] =	sbarrier.arrive $0xFFFF;
	s2 =	simm.s32 @!p0 $0x1C07  }
0x281: {  	[timem:s3], [sflag:s2] =	dma.local @!p0 [hbm:s0], s1  }
0x282: {  	s0 =	simm.s32 @!p0 $0x7  }
0x283: {  	_ =	swait.ge @!p0 [sflag:s0], s1  }
0x284: {  	s1 =	ssub.s32 @!p0 $0x0, s1;
	[sflag:s0] =	ssyncset.done @!p0 $0x0  }
0x285: {  	[sflag:s0] =	ssyncadd.s32 @!p0 s1  }
0x286: {  	[bflag:$0x3] =	sbarrier.arrive $0xFFFF  }
0x287: {  	_ =	shalt  }

// kernel: sparse-core-data-format-call.1.cloned.1.call-start
scs
called_computation.1_lowered:
.L_overlay_start_0:
0x0: {  	s2 =	sld [smem:$0x3FD9]  }
0x1: {  	s3 =	sld [smem:$0x3FFE];
	_ =	sdelay $0x1  }
0x2: {  	s1 =	srdreg.scid  }
0x3: {  	s0 =	sand.u32 $0x1, s1  }
0x4: {  	s18 =	sshll.u32 s0, $0xA;
	s2 =	sadd.s32 s3, s2  }
0x5: {  	s2 =	sadd.s32 s2, s18  }
0x6: {  	[smem:$0x3FC6] =	sst s2  }
0x7: {  	_ = 	snop  }
0x8: {  	s2 =	sld [smem:$0x3FC9];
	(tm) =	ssettm $0x1  }
0x9: {  	s19 =	sld [smem:$0x3FFB];
	_ =	sdelay $0x3  }
0xa: {  	_ =	strace s19  }
0xb: {  	s3 =	sld [smem:$0x3FFC];
	_ =	sdelay $0x3  }
0xc: {  	_ =	strace s3  }
0xd: {  	s3 =	sld [smem:$0x3FFD];
	_ =	sdelay $0x3  }
0xe: {  	_ =	strace s3  }
0xf: {  	_ =	strace $0x8FFFFFFF  }
0x10: {  	s20 =	sld [smem:$0x3FDB];
	_ =	sdelay $0x1  }
0x11: {  	s4 =	simm.s32 $_scs_section_size  }
0x12: {  	s5 =	simm.s32 $_size__tile_overlayer_lowered;
	s6 =	simm.s32 $_tile_overlayer_lowered  }
0x13: {  	s23 =	simm.s32 $0x1BFF;
	s22 =	sshll.u32 s6, $0x1;
	s3 =	sadd.s32 s4, s20  }
0x14: {  	s7 =	simm.s32 $0x0;
	s21 =	sshll.u32 s5, $0x1;
	s5 =	sadd.s32 s22, s3  }
0x15: {  	[timem:s7], [sflag:s23] =	dma.local [hbm:s5], s21  }
0x16: {  	_ =	swait.ge [sflag:s23], s21  }
0x17: {  	s4 =	ssub.s32 $0x0, s21;
	[sflag:s23] =	ssyncset.done $0x0  }
0x18: {  	[sflag:s23] =	ssyncadd.s32 s4;
	_ =	sdelay $0x1  }
0x19: {  	s24 =	simm.s32 $0x1B8B  }
0x1a: {  	_ =	swait.ge [sflag:s24], $0x1  }
0x1b: {  	[sflag:s24] =	ssyncset.done $0x0  }
0x1c: {  	s26 =	simm.s32 $0x1B8E;
	s25 =	sld [smem:$0x3FFE];
	[sflag:s24] =	ssyncadd.s32 $0xFFFFFFFF  }
0x1d: {  	s27 =	simm.s32 $execute0_lowered;
	[smem:$0x3FD2] =	sst s26  }
0x1e: {  	s5 =	sshll.u32 s27, $0x1;
	_ =	strace $0x80000046;
	[dreg:$0x1] =	wrdreg $0xFFFFFFFF  }
0x1f: {  	s28 =	simm.s32 $_size_execute0_lowered;
	s3 =	sadd.s32 s3, s5;
	[dreg:$0x0] =	wrdreg $0x0  }
0x20: {  	s5 =	sshll.u32 s28, $0x1;
	[dreg:$0x2] =	wrdreg s3  }
0x21: {  	[dreg:$0x3] =	wrdreg s5  }
0x22: {  	[dreg:$0x4] =	wrdreg $0xC0  }
0x23: {  	_ =	task [dreg:s7], $0x5FFFF  }
0x24: {  	[dreg:$0x1] =	wrdreg $0xFFFFFFFF  }
0x25: {  	[dreg:$0x0] =	wrdreg $0x60  }
0x26: {  	[dreg:$0x2] =	wrdreg s2  }
0x27: {  	[dreg:$0x3] =	wrdreg s25  }
0x28: {  	[dreg:$0x4] =	wrdreg $0x9  }
0x29: {  	_ =	task.clear_ibuf [dreg:s7], $0x5FFFF;
	_ =	strace $0x90000046  }
0x2a: {  	s29 =	simm.s32 $0x9;
	_ =	strace $0x80000048  }
0x2b: {  	_ =	swait.ge [sflag:s29], $0x1  }
0x2c: {  	[sflag:s29] =	ssyncadd.s32 $0xFFFFFFFF  }
0x2d: {  	_ =	strace $0x90000048  }
0x2e: {  	_ =	sfence  }
0x2f: {  	s30 =	sld [smem:$0x0];
	_ =	sdelay $0x2  }
0x30: {  	s31 =	sshll.u32 s1, $0xD;
	s1 =	sshrl.u32 s1, $0x2  }
0x31: {  	s3 =	sand.u32 $0x4000, s31;
	s1 =	sadd.s32 s1, s30  }
0x32: {  	s0 =	sor.u32 s3, s0;
	s1 =	sshll.u32 s1, $0x11  }
0x33: {  	s0 =	sor.u32 s1, s0  }
0x34: {  	s0 =	sadd.s32 $0x8F2B, s0  }
0x35: {  	[sflag:s0] =	ssyncadd.remote.s32 $0x1  }
0x36: {  	_ =	sfence.sel $0xFFFF  }
0x37: {  	[dreg:$0x0] =	wrdreg $0xFFFFFFFF;
	(pc) =	sbr.abs _section_cstart, $3  }
0x38: {  	[dreg:$0x1] =	wrdreg $0xFFFFFFFF  }
0x39: {  	_ =	task.clear_ibuf [dreg:s7], $0x2FFFF;
	_ =	strace $0x9FFFFFFF  }
0x3a: {  	(tm) =	ssettm $0x7FFFFFFF  }
0x3b: {  	_ =	shalt  }
tec
execute0_lowered:
.L_overlay_start_1:
0x0: {  	(tag) =	ssettag $0x1  }
0x1: {  	s2 =	rddreg [dreg:$0x0]  }
0x2: {  	s1 =	rddreg [dreg:$0x1]  }
0x3: {  	s0 =	rddreg [dreg:$0x2]  }
0x4: {  	s4 =	srdreg.scid;
	_ =	strace $0x80000047;
	s6 =	simm.s32 $0x2  }
0x5: {  	s13 =	simm.s32 $0x0;
	p0 =	por $0x0, $0x0;
	s11 =	simm.s32 $0x0  }
.Ltmp0:
0x6: {  	s12 =	simm.s32 $0x0;
	s8 =	simm.s32 $0x0;
	(pc) =	sbr.rel .LBB1_1-.Ltmp0, $4  }
0x7: {  	s10 =	simm.s32 $0x0;
	s3 =	sadd.s32 $0xC00, s1;
	s4 =	sshll.u32 s4, $0x4  }
0x8: {  	s1 =	stileid.u32;
	s5 =	sand.u32 $0x10, s4;
	s4 =	simm.s32 $0x1  }
0x9: {  	s7 =	simm.s32 $0x0;
	s5 =	sor.u32 s1, s5;
	[sflag:s4] =	ssyncpa.u1 $0x0  }
0xa: {  	[sflag:s6] =	ssyncpa.u1 $0x0;
	s6 =	simm.s32 $0x1C00;
	s9 =	smov.u32 s5  }
.LBB1_5:
0xb: {  	s14 =	sadd.s32 $0x80, s8  }
0xc: {  	s11 =	sadd.s32 $0x20, s9;
	s15 =	smov.u32 s9;
	p2 =	sgt.s32 s14, $0x17F  }
0xd: {  	s15 =	smov.u32 @p2 s11  }
0xe: {  	s17 =	smov.u32 s10;
	s11 =	sadd.s32 $0x80, s10;
	p3 =	sgt.s32 s15, $0x3F  }
0xf: {  	p1 =	slt.u32 s7, $0x2;
	s17 =	smov.u32 @p3 s11  }
0x10: {  	s7 =	sadd.s32 $0x1, s7;
	s14 =	simm.s32 @p2 $0x0;
	p2 =	sgt.s32 s17, $0x30F  }
0x11: {  	s17 =	simm.s32 @p2 $0x0;
	p2 =	sne.s32 s7, $0x2C  }
.Ltmp1:
0x12: {  	s16 =	simm.s32 @!p1 $0x2;
	(pc) =	sbr.rel @!p2 .LBB1_6-.Ltmp1, $4  }
0x13: {  	s13 =	smov.u32 s8;
	_ =	swait.ge @!p1 [sflag:s16], $0x4000  }
0x14: {  	s12 =	smov.u32 s10;
	p0 =	por !p0, !p0;
	[sflag:s16] =	ssyncset.done @!p1 $0x0  }
0x15: {  	s8 =	smov.u32 s14;
	s15 =	smov.u32 @p3 s5;
	s11 =	smov.u32 s9  }
0x16: {  	[sflag:s16] =	ssyncadd.s32 @!p1 $0xFFFFC000;
	s9 =	smov.u32 s15;
	s10 =	smov.u32 s17  }
.LBB1_1:
0x17: {  	p1 =	sgt.u32 s7, $0x29;
	s18 =	smov.u32 s9  }
0x18: {  	s19 =	smov.u32 s8;
	s14 =	sshrl.u32 @!p1 s9, $0x3;
	s15 =	sshll.u32 @!p1 s8, $0x3  }
0x19: {  	s16 =	sshll.u32 @!p1 s9, $0x7;
	p2 =	sgt.s32 @!p1 s10, $0x290;
	s14 =	smul.u32 @!p1 $0xC00, s14  }
0x1a: {  	s17 =	sshra.s32 @!p1 s10, $0x1F;
	p3 =	sgt.s32 @!p1 s9, $0x3F;
	s15 =	sand.u32 @!p1 $0xFFFFFC00, s15  }
0x1b: {  	s20 =	sshra.s32 @!p1 s8, $0x1F;
	s14 =	sadd.s32 @!p1 s14, s15;
	s15 =	sand.u32 @!p1 $0x380, s16  }
0x1c: {  	p2 =	por !p2, p1;
	s14 =	sor.u32 @!p1 s15, s14;
	s15 =	smov.u32 s10  }
0x1d: {  	s17 =	sand.u32 @!p1 s17, s10;
	s20 =	sand.u32 @!p1 s20, s8;
	s15 =	simm.s32 @p2 $0x290  }
0x1e: {  	s16 =	sand.u32 @!p1 $0x7F, s8;
	p2 =	por !p3, p1;
	s15 =	ssub.s32 @!p1 s15, s17  }
0x1f: {  	s18 =	simm.s32 @p2 $0x3F;
	p2 =	sgt.s32 @!p1 s8, $0x100;
	s17 =	sshra.s32 @!p1 s9, $0x1F  }
0x20: {  	s16 =	sor.u32 @!p1 s16, s14;
	p2 =	por !p2, p1;
	s17 =	sand.u32 @!p1 s17, s9  }
0x21: {  	s14 =	smulhi.u32 @!p1 $0xAAAAAAAB, s14;
	s19 =	simm.s32 @p2 $0x100;
	s17 =	ssub.s32 @!p1 s18, s17  }
0x22: {  	s18 =	sadd.s32 @!p1 $0xFFFFFD70, s15;
	s15 =	ssub.s32 @!p1 $0x310, s15;
	s19 =	ssub.s32 @!p1 s19, s20  }
0x23: {  	p2 =	sgt.s32 @!p1 s18, $0x7F;
	s18 =	sadd.s32 @!p1 $0xFFFFFFC1, s17;
	s17 =	ssub.s32 @!p1 $0x40, s17  }
0x24: {  	p3 =	sgt.s32 @!p1 s18, $0x0;
	s18 =	smulhi.u32 @!p1 $0xAAAAAAAB, s16;
	p2 =	por !p2, p1  }
0x25: {  	s20 =	sadd.s32 @!p1 $0xFFFFFF00, s19;
	s15 =	simm.s32 @!p2 $0x0;
	p2 =	por !p3, p1  }
0x26: {  	p4 =	sgt.s32 @!p1 s20, $0x7F;
	s17 =	simm.s32 @!p2 $0x0;
	s18 =	sshrl.u32 @!p1 s18, $0x8  }
0x27: {  	p2 =	por !p4, p1;
	s15 =	smul.u32 @!p1 s15, s17;
	s17 =	ssub.s32 @!p1 $0x180, s19  }
0x28: {  	s18 =	smul.u32 @!p1 $0x180, s18;
	s17 =	simm.s32 @!p2 $0x0  }
0x29: {  	s14 =	sshrl.u32 @!p1 s14, $0x8;
	s19 =	sxor.u32 @!p1 $0xFFFFFFFF, s7;
	s15 =	smul.u32 @!p1 s17, s15  }
0x2a: {  	s14 =	sand.u32 @!p1 $0x3F, s14;
	s17 =	sshll.u32 @!p1 s19, $0xE;
	s19 =	smul.u32 @!p1 $0xC00, s10  }
0x2b: {  	s14 =	smul.u32 @!p1 $0x30, s14;
	s16 =	ssub.s32 @!p1 s16, s18;
	s17 =	sand.u32 @!p1 $0x4000, s17  }
0x2c: {  	s15 =	sand.u32 @!p1 $0x3FFFFFFF, s15;
	s18 =	sadd.s32 @!p1 s2, s19;
	s19 =	sand.u32 @!p1 $0x7, s16  }
0x2d: {  	s16 =	sshrl.u32 @!p1 s16, $0x3;
	s14 =	sadd.s32 @!p1 s14, s18;
	s18 =	sshll.u32 @!p1 s19, $0x12  }
0x2e: {  	s14 =	sadd.s32 @!p1 s16, s14;
	s16 =	sor.u32 @!p1 $0x80, s18;
	s18 =	simm.s32 @!p1 $0x6000  }
0x2f: {  	[tilespmem:s17], [sflag:$0x1] =	stream.strided.gather @!p1 [hbm4b:s14+s16], s15, s18, s16, $0x38;
	[tilespmem:$0x10100] =	vst v63  }
0x30: {  	p1 =	seq.s32 s7, $0x0  }
0x31: {  	p2 =	seq.s32 @!p1 s7, $0x2B  }
0x32: {  	p1 =	por p1, p2  }
.Ltmp2:
0x33: {  	_ = 	snop;
	(pc) =	sbr.rel @p1 .LBB1_5-.Ltmp2, $1  }
0x34: {  	_ =	sdelay $0x3  }
0x35: {  	p1 =	sgt.s32 s12, $0x290;
	s14 =	smov.u32 s12;
	s15 =	sshra.s32 s12, $0x1F  }
0x36: {  	s14 =	simm.s32 @!p1 $0x290;
	s15 =	sand.u32 s15, s12  }
0x37: {  	s14 =	ssub.s32 s14, s15  }
0x38: {  	p2 =	sgt.s32 s11, $0x3F;
	s16 =	sshra.s32 s11, $0x1F;
	s15 =	sadd.s32 $0xFFFFFD70, s14  }
0x39: {  	s17 =	sshra.s32 s13, $0x1F;
	p1 =	sgt.s32 s15, $0x7F;
	s15 =	smov.u32 s11  }
0x3a: {  	s16 =	sand.u32 s16, s11;
	s17 =	sand.u32 s17, s13;
	s15 =	simm.s32 @!p2 $0x3F  }
0x3b: {  	p2 =	sgt.s32 s13, $0x100;
	s15 =	ssub.s32 s15, s16;
	s16 =	smov.u32 s13  }
0x3c: {  	s14 =	ssub.s32 $0x310, s14;
	s18 =	sadd.s32 $0xFFFFFFC1, s15;
	s16 =	simm.s32 @!p2 $0x100  }
0x3d: {  	s15 =	ssub.s32 $0x40, s15;
	p2 =	sgt.s32 s18, $0x0;
	s16 =	ssub.s32 s16, s17  }
0x3e: {  	s14 =	simm.s32 @p1 $0x0;
	s15 =	simm.s32 @p2 $0x0;
	s17 =	sadd.s32 $0xFFFFFF00, s16  }
0x3f: {  	s14 =	smul.u32 s14, s15;
	p1 =	sgt.s32 s17, $0x7F;
	s15 =	ssub.s32 $0x180, s16  }
0x40: {  	s15 =	simm.s32 @p1 $0x0  }
0x41: {  	s14 =	smul.u32 s15, s14;
	_ =	sdelay $0x1  }
0x42: {  	s15 =	simm.s32 $0x1;
	s14 =	sand.u32 $0x3FFFFFFF, s14  }
0x43: {  	s15 =	simm.s32 @!p0 $0x0;
	_ =	swait.ge [sflag:s4], s14  }
0x44: {  	s28 =	sshll.u32 s15, $0xE;
	s14 =	ssub.s32 $0x0, s14;
	[sflag:s4] =	ssyncset.done $0x0  }
0x45: {  	s29 =	sor.u32 $0x40, s28;
	[sflag:s4] =	ssyncadd.s32 s14  }
0x46: {  	s30 =	smul.u32 $0x10200, s15;
	v0 =	vld [tilespmem:s29+$0x30]  }
0x47: {  	v1 =	vld [tilespmem:s29+$0xFFFFFFD0]  }
0x48: {  	s14 =	sshrl.u32 s30, $0x2;
	v5 =	vld [tilespmem:s29+$0xFFFFFFE0]  }
0x49: {  	s15 =	sor.u32 $0x8000, s14;
	v6 =	vld [tilespmem:s29+$0xFFFFFFF0]  }
0x4a: {  	s31 =	sand.u32 $0x1, s7;
	v3 =	vld [tilespmem:s29+$0x0];
	s16 =	sadd.s32 $0x0, s15  }
0x4b: {  	s14 =	smul.u32 $0x10200, s31;
	v4 =	vld [tilespmem:s29+$0x10];
	[tilespmem:s16+$0x3870 ss:$0x81] =	vst.msk $0xffff, v0  }
0x4c: {  	v2 =	vld [tilespmem:s29+$0x20];
	[tilespmem:s16+$0x810 ss:$0x81] =	vst.msk $0xffff, v1  }
0x4d: {  	s17 =	sadd.s32 $0x80, s29;
	s14 =	sshrl.u32 s14, $0x2;
	v0 =	vld [tilespmem:s29+$0xFFFFFFC0];
	[tilespmem:s16+$0x1020 ss:$0x81] =	vst.msk $0xffff, v5  }
0x4e: {  	s19 =	simm.s32 $0x8;
	s18 =	simm.s32 $0x4;
	s14 =	sor.u32 $0x8000, s14;
	v1 =	vld [tilespmem:s17+$0x30];
	[tilespmem:s16+$0x1830 ss:$0x81] =	vst.msk $0xffff, v6  }
.LBB1_3:
0x4f: {  	p1 =	sne.s32 s19, $0x1FC;
	v5 =	vld [tilespmem:s17+$0xFFFFFFD0];
	[tilespmem:s16+$0x2040 ss:$0x81] =	vst.msk $0xffff, v3  }
0x50: {  	v6 =	vld [tilespmem:s17+$0xFFFFFFE0];
	[tilespmem:s16+$0x2850 ss:$0x81] =	vst.msk $0xffff, v4  }
0x51: {  	s20 =	sshra.s32 s18, $0x2;
	s18 =	smov.u32 s19;
	v7 =	vld [tilespmem:s17+$0xFFFFFFF0];
	[tilespmem:s16+$0x3060 ss:$0x81] =	vst.msk $0xffff, v2  }
.Ltmp3:
0x52: {  	v3 =	vld [tilespmem:s17+$0x0];
	[tilespmem:s16+$0x0 ss:$0x81] =	vst.msk $0xffff, v0;
	s16 =	sadd.s32 s20, s15;
	(pc) =	sbr.rel @p1 .LBB1_3-.Ltmp3, $4  }
0x53: {  	v4 =	vld [tilespmem:s17+$0x10];
	[tilespmem:s16+$0x3870 ss:$0x81] =	vst.msk $0xffff, v1  }
0x54: {  	[tilespmem:s16+$0x810 ss:$0x81] =	vst.msk $0xffff, v5;
	v2 =	vld [tilespmem:s17+$0x20]  }
0x55: {  	v0 =	vld [tilespmem:s17+$0xFFFFFFC0];
	[tilespmem:s16+$0x1020 ss:$0x81] =	vst.msk $0xffff, v6;
	s17 =	sadd.s32 $0x80, s17  }
0x56: {  	s19 =	sadd.s32 $0x4, s19;
	v1 =	vld [tilespmem:s17+$0x30];
	[tilespmem:s16+$0x1830 ss:$0x81] =	vst.msk $0xffff, v7  }
0x57: {  	s19 =	sshrl.u32 s13, $0x3  }
0x58: {  	s20 =	sshll.u32 s12, $0x3;
	s19 =	smul.u32 $0x1C00, s19  }
0x59: {  	s24 =	sshll.u32 s13, $0x7;
	s20 =	sand.u32 $0xFFFFFC00, s20  }
0x5a: {  	s13 =	sand.u32 $0x380, s24;
	s19 =	sadd.s32 s20, s19  }
0x5b: {  	s13 =	sor.u32 s13, s19  }
0x5c: {  	s19 =	sshrl.u32 s13, $0x7  }
0x5d: {  	v5 =	vld [tilespmem:s17+$0xFFFFFFD0];
	[tilespmem:s16+$0x2040 ss:$0x81] =	vst.msk $0xffff, v3;
	s19 =	smulhi.u32 $0x24924925, s19  }
0x5e: {  	v58 =	vld [tilespmem:s17+$0xFFFFFFE0];
	[tilespmem:s16+$0x2850 ss:$0x81] =	vst.msk $0xffff, v4  }
0x5f: {  	s18 =	sshra.s32 s18, $0x2;
	v59 =	vld [tilespmem:s17+$0xFFFFFFF0];
	[tilespmem:s16+$0x3060 ss:$0x81] =	vst.msk $0xffff, v2;
	s25 =	smulhi.u32 $0xAAAAAB, s19  }
0x60: {  	v60 =	vld [tilespmem:s17+$0x0];
	s15 =	sadd.s32 s18, s15;
	[tilespmem:s16+$0x0 ss:$0x81] =	vst.msk $0xffff, v0  }
0x61: {  	v61 =	vld [tilespmem:s17+$0x10];
	[tilespmem:s15+$0x3870 ss:$0x81] =	vst.msk $0xffff, v1;
	s16 =	smul.u32 $0x180, s25  }
0x62: {  	v62 =	vld [tilespmem:s17+$0x20];
	s11 =	smul.u32 $0xA800, s11;
	[tilespmem:s15+$0x810 ss:$0x81] =	vst.msk $0xffff, v5  }
0x63: {  	v63 =	vld [tilespmem:s17+$0xFFFFFFC0];
	s26 =	sand.u32 $0x7F, s12;
	[tilespmem:s15+$0x1020 ss:$0x81] =	vst.msk $0xffff, v58;
	s27 =	smul.u32 $0x380, s19;
	s28 =	ssub.s32 s19, s16  }
0x64: {  	[tilespmem:s15+$0x1830 ss:$0x81] =	vst.msk $0xffff, v59;
	s12 =	sor.u32 s26, s13;
	s13 =	smul.u32 $0x70, s28  }
.Ltmp4:
0x65: {  	[tilespmem:s15+$0x2040 ss:$0x81] =	vst.msk $0xffff, v60;
	s12 =	ssub.s32 s12, s27;
	(pc) =	sbr.rel .LBB1_5-.Ltmp4, $4  }
0x66: {  	s11 =	sadd.s32 s3, s11;
	[tilespmem:s15+$0x2850 ss:$0x81] =	vst.msk $0xffff, v61;
	s29 =	sand.u32 $0x7, s12  }
0x67: {  	[tilespmem:s15+$0x3060 ss:$0x81] =	vst.msk $0xffff, v62;
	s12 =	sshrl.u32 s12, $0x3;
	s30 =	sshll.u32 s29, $0x12;
	s11 =	sadd.s32 s13, s11  }
0x68: {  	[tilespmem:s15+$0x0 ss:$0x81] =	vst.msk $0xffff, v63;
	s31 =	sor.u32 $0x400, s30;
	s11 =	sadd.s32 s12, s11  }
0x69: {  	[hbm4b:s11+s31] =	stream.strided.scatter [tilespmem:s14], [sflag:$0x2], $0x4000, s6, s31, $0x20;
	[tilespmem:$0x10100] =	vst v63  }
.LBB1_6:
0x6a: {  	_ =	sfence.sel $0x180000  }
0x6b: {  	s2 =	simm.s32 $0x1;
	[bflag:$0x0] =	sbarrier.arrive $0xFFFF  }
0x6c: {  	s31 =	simm.s32 $0x2;
	[sflag:s2] =	ssyncpa.u1 $0x1  }
0x6d: {  	[sflag:s31] =	ssyncpa.u1 $0x1  }
0x6e: {  	p0 =	sne.s32 s1, $0x0;
	_ =	strace $0x90000047  }
0x6f: {  	s0 =	sadd.s32 @!p0 $0x100000, s0;
	[bflag:$0x2] =	sbarrier.arrive $0xFFFF  }
0x70: {  	[sflag:s0] =	ssyncadd.tile.s32 @!p0 $0x1;
	_ =	shalt  }
.Lfunc_end1:
_tile_overlayer_lowered:
.L_overlay_start_2:
0x71: {  	(tag) =	ssettag $0x2  }
0x72: {  	s0 =	rddreg [dreg:$0x0];
	s2 =	stileid.u32  }
0x73: {  	s1 =	rddreg [dreg:$0x1];
	p0 =	sne.s32 s2, $0x0  }
0x74: {  	s3 =	rddreg [dreg:$0x2];
	[bflag:$0x3] =	sbarrier.arrive $0xFFFF;
	s2 =	simm.s32 @!p0 $0x1C01  }
0x75: {  	[timem:s3], [sflag:s2] =	dma.local @!p0 [hbm:s0], s1  }
0x76: {  	s0 =	simm.s32 @!p0 $0x1  }
0x77: {  	_ =	swait.ge @!p0 [sflag:s0], s1  }
0x78: {  	s1 =	ssub.s32 @!p0 $0x0, s1;
	[sflag:s0] =	ssyncset.done @!p0 $0x0  }
0x79: {  	[sflag:s0] =	ssyncadd.s32 @!p0 s1  }
0x7a: {  	[bflag:$0x3] =	sbarrier.arrive $0xFFFF  }
0x7b: {  	_ =	shalt  }

// kernel: sparse-core-data-format-call.cloned.1.call-start
scs
called_computation_lowered:
.L_overlay_start_0:
0x0: {  	s2 =	sld [smem:$0x3FD9]  }
0x1: {  	s3 =	sld [smem:$0x3FFE];
	_ =	sdelay $0x1  }
0x2: {  	s1 =	srdreg.scid  }
0x3: {  	s0 =	sand.u32 $0x1, s1  }
0x4: {  	s18 =	sshll.u32 s0, $0xA;
	s2 =	sadd.s32 s3, s2  }
0x5: {  	s2 =	sadd.s32 s2, s18  }
0x6: {  	[smem:$0x3FC6] =	sst s2  }
0x7: {  	_ = 	snop  }
0x8: {  	s2 =	sld [smem:$0x3FD0];
	(tm) =	ssettm $0x1  }
0x9: {  	s19 =	sld [smem:$0x3FFB];
	_ =	sdelay $0x3  }
0xa: {  	_ =	strace s19  }
0xb: {  	s3 =	sld [smem:$0x3FFC];
	_ =	sdelay $0x3  }
0xc: {  	_ =	strace s3  }
0xd: {  	s3 =	sld [smem:$0x3FFD];
	_ =	sdelay $0x3  }
0xe: {  	_ =	strace s3  }
0xf: {  	_ =	strace $0x8FFFFFFF  }
0x10: {  	s20 =	sld [smem:$0x3FDB];
	_ =	sdelay $0x1  }
0x11: {  	s4 =	simm.s32 $_scs_section_size  }
0x12: {  	s5 =	simm.s32 $_size__tile_overlayer_lowered;
	s6 =	simm.s32 $_tile_overlayer_lowered  }
0x13: {  	s23 =	simm.s32 $0x1BFF;
	s22 =	sshll.u32 s6, $0x1;
	s3 =	sadd.s32 s4, s20  }
0x14: {  	s7 =	simm.s32 $0x0;
	s21 =	sshll.u32 s5, $0x1;
	s5 =	sadd.s32 s22, s3  }
0x15: {  	[timem:s7], [sflag:s23] =	dma.local [hbm:s5], s21  }
0x16: {  	_ =	swait.ge [sflag:s23], s21  }
0x17: {  	s4 =	ssub.s32 $0x0, s21;
	[sflag:s23] =	ssyncset.done $0x0  }
0x18: {  	[sflag:s23] =	ssyncadd.s32 s4;
	_ =	sdelay $0x1  }
0x19: {  	s24 =	simm.s32 $0x1B8B  }
0x1a: {  	_ =	swait.ge [sflag:s24], $0x1  }
0x1b: {  	[sflag:s24] =	ssyncset.done $0x0  }
0x1c: {  	s26 =	simm.s32 $0x1B8E;
	s25 =	sld [smem:$0x3FFE];
	[sflag:s24] =	ssyncadd.s32 $0xFFFFFFFF  }
0x1d: {  	s27 =	simm.s32 $execute0_lowered;
	[smem:$0x3FD2] =	sst s26  }
0x1e: {  	s5 =	sshll.u32 s27, $0x1;
	_ =	strace $0x8000004C;
	[dreg:$0x1] =	wrdreg $0xFFFFFFFF  }
0x1f: {  	s28 =	simm.s32 $_size_execute0_lowered;
	s3 =	sadd.s32 s3, s5;
	[dreg:$0x0] =	wrdreg $0x0  }
0x20: {  	s5 =	sshll.u32 s28, $0x1;
	[dreg:$0x2] =	wrdreg s3  }
0x21: {  	[dreg:$0x3] =	wrdreg s5  }
0x22: {  	[dreg:$0x4] =	wrdreg $0xC0  }
0x23: {  	_ =	task [dreg:s7], $0x5FFFF  }
0x24: {  	[dreg:$0x1] =	wrdreg $0xFFFFFFFF  }
0x25: {  	[dreg:$0x0] =	wrdreg $0x60  }
0x26: {  	[dreg:$0x2] =	wrdreg s25  }
0x27: {  	[dreg:$0x3] =	wrdreg s2  }
0x28: {  	[dreg:$0x4] =	wrdreg $0x9  }
0x29: {  	_ =	task.clear_ibuf [dreg:s7], $0x5FFFF;
	_ =	strace $0x9000004C  }
0x2a: {  	s29 =	simm.s32 $0x9;
	_ =	strace $0x8000004E  }
0x2b: {  	_ =	swait.ge [sflag:s29], $0x1  }
0x2c: {  	[sflag:s29] =	ssyncadd.s32 $0xFFFFFFFF  }
0x2d: {  	_ =	strace $0x9000004E  }
0x2e: {  	_ =	sfence  }
0x2f: {  	s30 =	sld [smem:$0x0];
	_ =	sdelay $0x2  }
0x30: {  	s31 =	sshll.u32 s1, $0xD;
	s1 =	sshrl.u32 s1, $0x2  }
0x31: {  	s3 =	sand.u32 $0x4000, s31;
	s1 =	sadd.s32 s1, s30  }
0x32: {  	s0 =	sor.u32 s3, s0;
	s1 =	sshll.u32 s1, $0x11  }
0x33: {  	s0 =	sor.u32 s1, s0  }
0x34: {  	s0 =	sadd.s32 $0x8F2B, s0  }
0x35: {  	[sflag:s0] =	ssyncadd.remote.s32 $0x1  }
0x36: {  	_ =	sfence.sel $0xFFFF  }
0x37: {  	[dreg:$0x0] =	wrdreg $0xFFFFFFFF;
	(pc) =	sbr.abs _section_cstart, $3  }
0x38: {  	[dreg:$0x1] =	wrdreg $0xFFFFFFFF  }
0x39: {  	_ =	task.clear_ibuf [dreg:s7], $0x2FFFF;
	_ =	strace $0x9FFFFFFF  }
0x3a: {  	(tm) =	ssettm $0x7FFFFFFF  }
0x3b: {  	_ =	shalt  }
tec
execute0_lowered:
.L_overlay_start_1:
0x0: {  	(tag) =	ssettag $0x1  }
0x1: {  	s1 =	rddreg [dreg:$0x0]  }
0x2: {  	s2 =	rddreg [dreg:$0x1]  }
0x3: {  	s0 =	rddreg [dreg:$0x2]  }
0x4: {  	s4 =	srdreg.scid;
	_ =	strace $0x8000004D;
	s6 =	simm.s32 $0x2  }
0x5: {  	s14 =	simm.s32 $0x0;
	p0 =	por $0x0, $0x0;
	s15 =	simm.s32 $0x0  }
0x6: {  	s16 =	simm.s32 $0x0;
	s7 =	simm.s32 $0x0;
	s9 =	simm.s32 $0x0  }
.Ltmp0:
0x7: {  	s10 =	simm.s32 $0x0;
	s11 =	simm.s32 $0x0;
	(pc) =	sbr.rel .LBB1_1-.Ltmp0, $4  }
0x8: {  	s12 =	simm.s32 $0x0;
	s3 =	sadd.s32 $0x24CC00, s1;
	s4 =	sshll.u32 s4, $0x4  }
0x9: {  	s1 =	stileid.u32;
	s5 =	sand.u32 $0x10, s4;
	s4 =	simm.s32 $0x1  }
0xa: {  	s8 =	simm.s32 $0x0;
	s5 =	sor.u32 s1, s5;
	[sflag:s4] =	ssyncpa.u1 $0x0  }
0xb: {  	[sflag:s6] =	ssyncpa.u1 $0x0;
	s6 =	simm.s32 $0xC00;
	s13 =	smov.u32 s5  }
.LBB1_5:
0xc: {  	p1 =	slt.u32 s8, $0x2  }
0xd: {  	p2 =	sgt.s32 @!p1 s16, $0x3F  }
0xe: {  	s17 =	smov.u32 s16;
	s18 =	sshra.s32 @!p1 s16, $0x1F;
	p2 =	por !p2, p1  }
0xf: {  	s16 =	sand.u32 @!p1 s18, s16;
	s17 =	simm.s32 @p2 $0x3F  }
0x10: {  	p3 =	sgt.s32 @!p1 s15, $0x100;
	s16 =	ssub.s32 @!p1 s17, s16  }
0x11: {  	p3 =	por !p3, p1;
	s18 =	sshra.s32 @!p1 s15, $0x1F;
	s17 =	sadd.s32 @!p1 $0xFFFFFFC1, s16  }
0x12: {  	s16 =	ssub.s32 @!p1 $0x40, s16;
	p2 =	sgt.s32 @!p1 s17, $0x0;
	s17 =	smov.u32 s15  }
0x13: {  	s15 =	sand.u32 @!p1 s18, s15;
	s17 =	simm.s32 @p3 $0x100;
	p3 =	sgt.s32 @!p1 s14, $0x290  }
0x14: {  	s18 =	smov.u32 s14;
	p2 =	por !p2, p1;
	p3 =	por !p3, p1  }
0x15: {  	s15 =	ssub.s32 @!p1 s17, s15;
	s17 =	sshra.s32 @!p1 s14, $0x1F;
	s16 =	simm.s32 @!p2 $0x0  }
0x16: {  	s18 =	simm.s32 @p3 $0x290;
	s14 =	sand.u32 @!p1 s17, s14;
	s17 =	sadd.s32 @!p1 $0xFFFFFF00, s15  }
0x17: {  	s15 =	ssub.s32 @!p1 $0x180, s15;
	s14 =	ssub.s32 @!p1 s18, s14;
	p2 =	sgt.s32 @!p1 s17, $0x7F  }
0x18: {  	s18 =	smov.u32 s12;
	s17 =	sadd.s32 @!p1 $0xFFFFFD70, s14;
	p2 =	por !p2, p1  }
0x19: {  	s14 =	ssub.s32 @!p1 $0x310, s14;
	p3 =	sgt.s32 @!p1 s17, $0x7F;
	s15 =	simm.s32 @!p2 $0x0  }
0x1a: {  	s17 =	sadd.s32 $0x80, s11;
	p2 =	por !p3, p1;
	s15 =	smul.u32 @!p1 s16, s15  }
0x1b: {  	s16 =	sadd.s32 $0x80, s12;
	s14 =	simm.s32 @!p2 $0x0;
	p2 =	sgt.s32 s17, $0x30F  }
0x1c: {  	s19 =	smov.u32 s13;
	s18 =	smov.u32 @p2 s16  }
0x1d: {  	s14 =	smul.u32 @!p1 s14, s15;
	s15 =	sadd.s32 $0x20, s13;
	p3 =	sgt.s32 s18, $0x17F  }
0x1e: {  	s8 =	sadd.s32 $0x1, s8;
	p0 =	por !p0, !p0;
	s19 =	smov.u32 @p3 s15  }
0x1f: {  	s20 =	simm.s32 @!p1 $0x2;
	s17 =	simm.s32 @p2 $0x0;
	p2 =	sgt.s32 s19, $0x3F  }
0x20: {  	s16 =	smov.u32 s10;
	s19 =	smov.u32 @p2 s5;
	p2 =	sne.s32 s8, $0x2C  }
.Ltmp1:
0x21: {  	s10 =	smov.u32 s13;
	s14 =	sand.u32 @!p1 $0x3FFFFFFF, s14;
	(pc) =	sbr.rel @!p2 .LBB1_6-.Ltmp1, $4  }
0x22: {  	s18 =	simm.s32 @p3 $0x0;
	s15 =	smov.u32 s9;
	s9 =	smov.u32 s12  }
0x23: {  	_ =	swait.ge @!p1 [sflag:s20], s14;
	s21 =	ssub.s32 @!p1 $0x0, s14;
	s14 =	smov.u32 s7  }
0x24: {  	s7 =	smov.u32 s11;
	s11 =	smov.u32 s17;
	[sflag:s20] =	ssyncset.done @!p1 $0x0  }
0x25: {  	s12 =	smov.u32 s18;
	[sflag:s20] =	ssyncadd.s32 @!p1 s21;
	s13 =	smov.u32 s19  }
.LBB1_1:
0x26: {  	p1 =	sgt.u32 s8, $0x29  }
0x27: {  	s17 =	sshrl.u32 @!p1 s12, $0x3  }
0x28: {  	s18 =	sshll.u32 @!p1 s11, $0x3;
	s17 =	smul.u32 @!p1 $0x1C00, s17  }
0x29: {  	s19 =	sshll.u32 @!p1 s12, $0x7;
	s18 =	sand.u32 @!p1 $0xFFFFFC00, s18  }
0x2a: {  	s17 =	sadd.s32 @!p1 s17, s18;
	s18 =	sand.u32 @!p1 $0x380, s19  }
0x2b: {  	s17 =	sor.u32 @!p1 s18, s17  }
0x2c: {  	s18 =	sshrl.u32 @!p1 s17, $0x7  }
0x2d: {  	s18 =	smulhi.u32 @!p1 $0x24924925, s18;
	_ =	sdelay $0x1  }
0x2e: {  	s19 =	smulhi.u32 @!p1 $0xAAAAAB, s18;
	_ =	sdelay $0x1  }
0x2f: {  	s20 =	sand.u32 @!p1 $0x7F, s11;
	s19 =	smul.u32 @!p1 $0x180, s19  }
0x30: {  	s17 =	sor.u32 @!p1 s20, s17;
	s20 =	smul.u32 @!p1 $0x380, s18  }
0x31: {  	s21 =	sxor.u32 @!p1 $0xFFFFFFFF, s8;
	s18 =	ssub.s32 @!p1 s18, s19;
	s19 =	smul.u32 @!p1 $0xA800, s13  }
0x32: {  	s21 =	sshll.u32 @!p1 s21, $0xE;
	s17 =	ssub.s32 @!p1 s17, s20;
	s18 =	smul.u32 @!p1 $0x70, s18  }
0x33: {  	s20 =	sand.u32 @!p1 $0x4000, s21;
	s21 =	sand.u32 @!p1 $0x7, s17;
	s19 =	sadd.s32 @!p1 s3, s19  }
0x34: {  	s17 =	sshrl.u32 @!p1 s17, $0x3;
	s18 =	sadd.s32 @!p1 s18, s19;
	s19 =	sshll.u32 @!p1 s21, $0x12  }
0x35: {  	s17 =	sadd.s32 @!p1 s17, s18;
	s18 =	sor.u32 @!p1 $0x400, s19;
	s19 =	simm.s32 @!p1 $0x1C00  }
0x36: {  	[tilespmem:s20], [sflag:$0x1] =	stream.strided.gather @!p1 [hbm4b:s17+s18], $0x4000, s19, s18, $0x38;
	[tilespmem:$0x10100] =	vst v63  }
0x37: {  	p1 =	seq.s32 s8, $0x0  }
0x38: {  	p2 =	seq.s32 @!p1 s8, $0x2B  }
0x39: {  	p1 =	por p1, p2  }
.Ltmp2:
0x3a: {  	_ = 	snop;
	(pc) =	sbr.rel @p1 .LBB1_5-.Ltmp2, $1  }
0x3b: {  	_ =	sdelay $0x3  }
0x3c: {  	s17 =	simm.s32 $0x1  }
0x3d: {  	_ =	swait.ge [sflag:s4], $0x4000;
	s17 =	simm.s32 @!p0 $0x0  }
0x3e: {  	[sflag:s4] =	ssyncset.done $0x0;
	s18 =	sshll.u32 s17, $0xE  }
0x3f: {  	[sflag:s4] =	ssyncadd.s32 $0xFFFFC000;
	s18 =	sor.u32 $0x40, s18  }
0x40: {  	s17 =	smul.u32 $0x10200, s17;
	v0 =	vld [tilespmem:s18+$0x30]  }
0x41: {  	v1 =	vld [tilespmem:s18+$0xFFFFFFD0]  }
0x42: {  	s17 =	sshrl.u32 s17, $0x2;
	v5 =	vld [tilespmem:s18+$0xFFFFFFE0]  }
0x43: {  	v6 =	vld [tilespmem:s18+$0xFFFFFFF0];
	s20 =	sor.u32 $0x8000, s17  }
0x44: {  	s31 =	sand.u32 $0x1, s8;
	v4 =	vld [tilespmem:s18+$0x0];
	s19 =	sadd.s32 $0x0, s20  }
0x45: {  	v3 =	vld [tilespmem:s18+$0x10];
	s17 =	smul.u32 $0x10200, s31;
	[tilespmem:s19+$0x3870 ss:$0x81] =	vst.msk $0xffff, v0  }
0x46: {  	v2 =	vld [tilespmem:s18+$0x20];
	[tilespmem:s19+$0x810 ss:$0x81] =	vst.msk $0xffff, v1  }
0x47: {  	s17 =	sshrl.u32 s17, $0x2;
	v1 =	vld [tilespmem:s18+$0xFFFFFFC0];
	[tilespmem:s19+$0x1020 ss:$0x81] =	vst.msk $0xffff, v5;
	s18 =	sadd.s32 $0x80, s18  }
0x48: {  	s21 =	simm.s32 $0x4;
	s22 =	simm.s32 $0x8;
	s17 =	sor.u32 $0x8000, s17;
	[tilespmem:s19+$0x1830 ss:$0x81] =	vst.msk $0xffff, v6;
	v0 =	vld [tilespmem:s18+$0x30]  }
.LBB1_3:
0x49: {  	p1 =	sne.s32 s22, $0x1FC;
	v5 =	vld [tilespmem:s18+$0xFFFFFFD0];
	[tilespmem:s19+$0x2040 ss:$0x81] =	vst.msk $0xffff, v4  }
0x4a: {  	v6 =	vld [tilespmem:s18+$0xFFFFFFE0];
	[tilespmem:s19+$0x2850 ss:$0x81] =	vst.msk $0xffff, v3  }
0x4b: {  	s23 =	sshra.s32 s21, $0x2;
	s21 =	smov.u32 s22;
	v7 =	vld [tilespmem:s18+$0xFFFFFFF0];
	[tilespmem:s19+$0x3060 ss:$0x81] =	vst.msk $0xffff, v2  }
.Ltmp3:
0x4c: {  	v4 =	vld [tilespmem:s18+$0x0];
	[tilespmem:s19+$0x0 ss:$0x81] =	vst.msk $0xffff, v1;
	s19 =	sadd.s32 s23, s20;
	(pc) =	sbr.rel @p1 .LBB1_3-.Ltmp3, $4  }
0x4d: {  	v3 =	vld [tilespmem:s18+$0x10];
	[tilespmem:s19+$0x3870 ss:$0x81] =	vst.msk $0xffff, v0  }
0x4e: {  	[tilespmem:s19+$0x810 ss:$0x81] =	vst.msk $0xffff, v5;
	v2 =	vld [tilespmem:s18+$0x20]  }
0x4f: {  	v1 =	vld [tilespmem:s18+$0xFFFFFFC0];
	[tilespmem:s19+$0x1020 ss:$0x81] =	vst.msk $0xffff, v6;
	s18 =	sadd.s32 $0x80, s18  }
0x50: {  	s22 =	sadd.s32 $0x4, s22;
	v0 =	vld [tilespmem:s18+$0x30];
	[tilespmem:s19+$0x1830 ss:$0x81] =	vst.msk $0xffff, v7  }
0x51: {  	s22 =	sshrl.u32 s7, $0x3;
	s23 =	sshll.u32 s9, $0x3  }
0x52: {  	s24 =	sshll.u32 s7, $0x7;
	s27 =	sand.u32 $0x7F, s9;
	s21 =	sshra.s32 s21, $0x2  }
0x53: {  	p1 =	sgt.s32 s10, $0x3F;
	s25 =	smov.u32 s10;
	[tilespmem:s19+$0x2040 ss:$0x81] =	vst.msk $0xffff, v4;
	s22 =	smul.u32 $0xC00, s22  }
0x54: {  	s31 =	sshra.s32 s7, $0x1F;
	s23 =	sand.u32 $0xFFFFFC00, s23;
	s26 =	sand.u32 $0x380, s24;
	[tilespmem:s19+$0x2850 ss:$0x81] =	vst.msk $0xffff, v3  }
0x55: {  	s20 =	sadd.s32 s21, s20;
	s25 =	simm.s32 @!p1 $0x3F;
	[tilespmem:s19+$0x3060 ss:$0x81] =	vst.msk $0xffff, v2;
	s22 =	sadd.s32 s23, s22  }
0x56: {  	p1 =	sgt.s32 s9, $0x100;
	[tilespmem:s19+$0x0 ss:$0x81] =	vst.msk $0xffff, v1;
	s19 =	sand.u32 s31, s7;
	s22 =	sor.u32 s26, s22  }
0x57: {  	s26 =	sshra.s32 s10, $0x1F;
	s28 =	smulhi.u32 $0xAAAAAAAB, s22;
	s22 =	sor.u32 s27, s22  }
0x58: {  	s26 =	sand.u32 s26, s10;
	s27 =	sshra.s32 s9, $0x1F;
	s23 =	smulhi.u32 $0xAAAAAAAB, s22  }
0x59: {  	s25 =	ssub.s32 s25, s26;
	s26 =	smov.u32 s9;
	s27 =	sand.u32 s27, s9  }
0x5a: {  	s24 =	sshrl.u32 s28, $0x8;
	s28 =	sadd.s32 $0xFFFFFFC1, s25;
	s26 =	simm.s32 @!p1 $0x100  }
0x5b: {  	v5 =	vld [tilespmem:s18+$0xFFFFFFD0];
	s25 =	ssub.s32 $0x40, s25;
	s29 =	smulhi.u32 $0x14E5E0B, s24;
	s23 =	sshrl.u32 s23, $0x8  }
0x5c: {  	v58 =	vld [tilespmem:s18+$0xFFFFFFE0];
	p1 =	sgt.s32 s28, $0x0;
	s26 =	ssub.s32 s26, s27;
	s27 =	smov.u32 s7  }
0x5d: {  	v59 =	vld [tilespmem:s18+$0xFFFFFFF0];
	s28 =	smul.u32 $0x9300, s10;
	s25 =	simm.s32 @p1 $0x0;
	p1 =	sgt.s32 s7, $0x290  }
0x5e: {  	v60 =	vld [tilespmem:s18+$0x0];
	s30 =	sadd.s32 $0xFFFFFF00, s26;
	s26 =	ssub.s32 $0x180, s26;
	s21 =	sshrl.u32 s29, $0x2  }
0x5f: {  	v61 =	vld [tilespmem:s18+$0x10];
	[tilespmem:s20+$0x3870 ss:$0x81] =	vst.msk $0xffff, v0;
	s27 =	simm.s32 @!p1 $0x290;
	p1 =	sgt.s32 s30, $0x7F;
	s21 =	smul.u32 $0x310, s21  }
0x60: {  	v62 =	vld [tilespmem:s18+$0x20];
	[tilespmem:s20+$0x810 ss:$0x81] =	vst.msk $0xffff, v5;
	s23 =	smul.u32 $0x180, s23;
	s19 =	ssub.s32 s27, s19;
	s26 =	simm.s32 @p1 $0x0  }
0x61: {  	v63 =	vld [tilespmem:s18+$0xFFFFFFC0];
	[tilespmem:s20+$0x1020 ss:$0x81] =	vst.msk $0xffff, v58;
	s26 =	smul.u32 s25, s26;
	s27 =	sadd.s32 $0xFFFFFD70, s19;
	s21 =	ssub.s32 s24, s21  }
0x62: {  	[tilespmem:s20+$0x1830 ss:$0x81] =	vst.msk $0xffff, v59;
	s19 =	ssub.s32 $0x310, s19;
	p1 =	sgt.s32 s27, $0x7F;
	s18 =	smul.u32 $0x30, s21  }
.Ltmp4:
0x63: {  	[tilespmem:s20+$0x2040 ss:$0x81] =	vst.msk $0xffff, v60;
	s22 =	ssub.s32 s22, s23;
	s19 =	simm.s32 @p1 $0x0;
	(pc) =	sbr.rel .LBB1_5-.Ltmp4, $4  }
0x64: {  	[tilespmem:s20+$0x2850 ss:$0x81] =	vst.msk $0xffff, v61;
	s29 =	sadd.s32 s2, s28;
	s23 =	sand.u32 $0x7, s22;
	s19 =	smul.u32 s19, s26  }
0x65: {  	[tilespmem:s20+$0x3060 ss:$0x81] =	vst.msk $0xffff, v62;
	s22 =	sshrl.u32 s22, $0x3;
	s30 =	sshll.u32 s23, $0x12;
	s18 =	sadd.s32 s18, s29  }
0x66: {  	[tilespmem:s20+$0x0 ss:$0x81] =	vst.msk $0xffff, v63;
	s31 =	sor.u32 $0x400, s30;
	s19 =	sand.u32 $0x3FFFFFFF, s19;
	s18 =	sadd.s32 s22, s18  }
0x67: {  	[hbm4b:s18+s31] =	stream.strided.scatter [tilespmem:s17], [sflag:$0x2], s19, s6, s31, $0x20;
	[tilespmem:$0x10100] =	vst v63  }
.LBB1_6:
0x68: {  	_ =	sfence.sel $0x180000  }
0x69: {  	s2 =	simm.s32 $0x1;
	[bflag:$0x0] =	sbarrier.arrive $0xFFFF  }
0x6a: {  	s31 =	simm.s32 $0x2;
	[sflag:s2] =	ssyncpa.u1 $0x1  }
0x6b: {  	[sflag:s31] =	ssyncpa.u1 $0x1  }
0x6c: {  	p0 =	sne.s32 s1, $0x0;
	_ =	strace $0x9000004D  }
0x6d: {  	s0 =	sadd.s32 @!p0 $0x100000, s0;
	[bflag:$0x2] =	sbarrier.arrive $0xFFFF  }
0x6e: {  	[sflag:s0] =	ssyncadd.tile.s32 @!p0 $0x1;
	_ =	shalt  }
.Lfunc_end1:
_tile_overlayer_lowered:
.L_overlay_start_2:
0x6f: {  	(tag) =	ssettag $0x2  }
0x70: {  	s0 =	rddreg [dreg:$0x0];
	s2 =	stileid.u32  }
0x71: {  	s1 =	rddreg [dreg:$0x1];
	p0 =	sne.s32 s2, $0x0  }
0x72: {  	s3 =	rddreg [dreg:$0x2];
	[bflag:$0x3] =	sbarrier.arrive $0xFFFF;
	s2 =	simm.s32 @!p0 $0x1C01  }
0x73: {  	[timem:s3], [sflag:s2] =	dma.local @!p0 [hbm:s0], s1  }
0x74: {  	s0 =	simm.s32 @!p0 $0x1  }
0x75: {  	_ =	swait.ge @!p0 [sflag:s0], s1  }
0x76: {  	s1 =	ssub.s32 @!p0 $0x0, s1;
	[sflag:s0] =	ssyncset.done @!p0 $0x0  }
0x77: {  	[sflag:s0] =	ssyncadd.s32 @!p0 s1  }
0x78: {  	[bflag:$0x3] =	sbarrier.arrive $0xFFFF  }
0x79: {  	_ =	shalt  }

</sc_bundles>
